<compile_context>
chip_gen: v7x
topology: tpu7x:2x2x1
jax: 0.10.2.dev20260603
libtpu: 0.0.44.dev20260713+nightly
codegen_flags: <defaults>
</compile_context>

<pallas_src>
import functools

import jax
import jax.numpy as jnp
from jax import lax
from jax.experimental import pallas as pl
from jax.experimental.pallas import tpu as pltpu
from jax.experimental.pallas import tpu_sc as plsc

N = 10000
E = 160000
D = 256
H = 256
G = 64
DH = 128

NC = 2
NS = 16
CH = 128
NCHUNK = 80
SHIFT = 14
EPT = NCHUNK * CH
EPAD = NS * EPT
NROW = 10112
RPT = NROW // NS
OPT = 624
OPT_LAST = N - (NS - 1) * OPT

_HIGH = jax.lax.Precision.HIGHEST


def _spmm_body(xf_hbm, pk_hbm, zero_hbm, m_hbm,
               pk_v, sidx, didx, rows0, rows1, acc_sh, sem0, sema, semb):
    c = lax.axis_index("c")
    t = lax.axis_index("s")
    pltpu.sync_copy(pk_hbm.at[c].at[t], pk_v)

    def unpack(k, b):
        for j in range(CH // 16):
            p = pk_v[k, pl.ds(j * 16, 16)]
            sidx[b, pl.ds(j * 16, 16)] = p >> SHIFT
            didx[b, pl.ds(j * 16, 16)] = p & ((1 << SHIFT) - 1)

    pltpu.sync_copy(zero_hbm, acc_sh.at[pl.ds(t * RPT, RPT)])
    plsc.subcore_barrier()

    unpack(0, 0)
    pltpu.async_copy(xf_hbm.at[sidx.at[0]], rows0, sem0).wait()
    pltpu.async_copy(rows0, acc_sh.at[didx.at[0]], sema, add=True)
    unpack(1, 1)
    pltpu.async_copy(xf_hbm.at[sidx.at[1]], rows1, sem0).wait()
    pltpu.async_copy(rows1, acc_sh.at[didx.at[1]], semb, add=True)

    def chunk2(k2, carry):
        k = 2 * k2
        pltpu.make_async_copy(rows0, acc_sh.at[didx.at[0]], sema).wait()
        unpack(k, 0)
        pltpu.async_copy(xf_hbm.at[sidx.at[0]], rows0, sem0).wait()
        pltpu.async_copy(rows0, acc_sh.at[didx.at[0]], sema, add=True)
        pltpu.make_async_copy(rows1, acc_sh.at[didx.at[1]], semb).wait()
        unpack(k + 1, 1)
        pltpu.async_copy(xf_hbm.at[sidx.at[1]], rows1, sem0).wait()
        pltpu.async_copy(rows1, acc_sh.at[didx.at[1]], semb, add=True)
        return carry

    lax.fori_loop(1, NCHUNK // 2, chunk2, 0)
    pltpu.make_async_copy(rows0, acc_sh.at[didx.at[0]], sema).wait()
    pltpu.make_async_copy(rows1, acc_sh.at[didx.at[1]], semb).wait()
    plsc.subcore_barrier()

    @pl.when(t < NS - 1)
    def _():
        pltpu.sync_copy(acc_sh.at[pl.ds(t * OPT, OPT)],
                        m_hbm.at[c].at[pl.ds(t * OPT, OPT)])

    @pl.when(t == NS - 1)
    def _():
        pltpu.sync_copy(acc_sh.at[pl.ds((NS - 1) * OPT, OPT_LAST)],
                        m_hbm.at[c].at[pl.ds((NS - 1) * OPT, OPT_LAST)])


@functools.cache
def _make_spmm():
    return pl.kernel(
        _spmm_body,
        out_type=jax.ShapeDtypeStruct((NC, N, DH), jnp.float32),
        mesh=plsc.VectorSubcoreMesh(core_axis_name="c", subcore_axis_name="s",
                                    num_cores=NC, num_subcores=NS),
        scratch_types=[
            pltpu.VMEM((NCHUNK, CH), jnp.int32),
            pltpu.VMEM((2, CH), jnp.int32),
            pltpu.VMEM((2, CH), jnp.int32),
            pltpu.VMEM((CH, DH), jnp.float32),
            pltpu.VMEM((CH, DH), jnp.float32),
            pltpu.VMEM_SHARED((NROW, DH), jnp.float32),
            pltpu.SemaphoreType.DMA,
            pltpu.SemaphoreType.DMA,
            pltpu.SemaphoreType.DMA,
        ],
    )


BN = 1000
NB = N // BN


def _l1_body(m1_ref, w1a_ref, w1b_ref, b1_ref, h_ref):
    h = (jnp.dot(m1_ref[0], w1a_ref[...])
         + jnp.dot(m1_ref[1], w1b_ref[...])
         + b1_ref[...])
    h = jnp.maximum(h, 0.0)
    h_ref[0] = h[:, :DH]
    h_ref[1] = h[:, DH:]


def _l2_body(m2_ref, w2a_ref, w2b_ref, b2_ref, wp_ref, bp_ref,
             seg_ref, g_ref, z_ref, zsum_ref, zsq_ref):
    i = pl.program_id(0)
    h2 = (jnp.dot(m2_ref[0], w2a_ref[...])
          + jnp.dot(m2_ref[1], w2b_ref[...])
          + b2_ref[...])
    z = jnp.dot(h2, wp_ref[...]) + bp_ref[...]
    z_ref[...] = z

    seg = seg_ref[0]
    onehot = (lax.broadcasted_iota(jnp.int32, (G, BN), 0) == seg
              ).astype(jnp.float32)
    pg = jnp.dot(onehot, h2, precision=_HIGH)

    @pl.when(i == 0)
    def _():
        g_ref[...] = jnp.zeros_like(g_ref)
        zsum_ref[...] = jnp.zeros_like(zsum_ref)
        zsq_ref[...] = jnp.zeros_like(zsq_ref)

    g_ref[...] += pg
    zsum_ref[...] += jnp.sum(z, axis=0, keepdims=True)
    zsq_ref[...] += jnp.sum(z * z, axis=0, keepdims=True)


def _norm_body(z_ref, zsum_ref, zsq_ref, gamma_ref, beta_ref, pw_ref, out_ref):
    mu = zsum_ref[...] / N
    var = zsq_ref[...] / N - mu * mu
    inv = lax.rsqrt(var + 1e-5)
    zn = (z_ref[...] - mu) * (inv * gamma_ref[...]) + beta_ref[...]
    out_ref[...] = jnp.where(zn > 0, zn, pw_ref[0, 0] * zn)


def kernel(x, edge_index, batch, W1, b1, W2, b2, Wp, bp, gamma, beta, prelu_w):
    x = x.astype(jnp.float32)
    src = edge_index[0]
    dst = edge_index[1]
    pad = EPAD - E
    src_p = jnp.concatenate([src, jnp.zeros((pad,), jnp.int32)])
    dst_p = jnp.concatenate([dst, jnp.full((pad,), N, jnp.int32)])
    pk1 = (jnp.stack([2 * src_p, 2 * src_p + 1]) << SHIFT
           | dst_p).reshape(NC, NS, NCHUNK, CH)
    pk2 = (jnp.stack([src_p, src_p + N]) << SHIFT
           | dst_p).reshape(NC, NS, NCHUNK, CH)
    zeros_blk = jnp.zeros((RPT, DH), jnp.float32)

    spmm = _make_spmm()
    m1 = spmm(x.reshape(2 * N, DH), pk1, zeros_blk)

    h = pl.pallas_call(
        _l1_body,
        grid=(NB,),
        in_specs=[
            pl.BlockSpec((NC, BN, DH), lambda i: (0, i, 0)),
            pl.BlockSpec((DH, H), lambda i: (0, 0)),
            pl.BlockSpec((DH, H), lambda i: (0, 0)),
            pl.BlockSpec((1, H), lambda i: (0, 0)),
        ],
        out_specs=pl.BlockSpec((NC, BN, DH), lambda i: (0, i, 0)),
        out_shape=jax.ShapeDtypeStruct((NC, N, DH), jnp.float32),
    )(m1, W1[:DH], W1[DH:], b1.reshape(1, H))

    m2 = spmm(h.reshape(NC * N, DH), pk2, zeros_blk)

    seg3 = batch.reshape(NB, 1, BN)
    g, z, zsum, zsq = pl.pallas_call(
        _l2_body,
        grid=(NB,),
        in_specs=[
            pl.BlockSpec((NC, BN, DH), lambda i: (0, i, 0)),
            pl.BlockSpec((DH, H), lambda i: (0, 0)),
            pl.BlockSpec((DH, H), lambda i: (0, 0)),
            pl.BlockSpec((1, H), lambda i: (0, 0)),
            pl.BlockSpec((H, H), lambda i: (0, 0)),
            pl.BlockSpec((1, H), lambda i: (0, 0)),
            pl.BlockSpec((1, 1, BN), lambda i: (i, 0, 0)),
        ],
        out_specs=[
            pl.BlockSpec((G, H), lambda i: (0, 0)),
            pl.BlockSpec((BN, H), lambda i: (i, 0)),
            pl.BlockSpec((1, H), lambda i: (0, 0)),
            pl.BlockSpec((1, H), lambda i: (0, 0)),
        ],
        out_shape=[
            jax.ShapeDtypeStruct((G, H), jnp.float32),
            jax.ShapeDtypeStruct((N, H), jnp.float32),
            jax.ShapeDtypeStruct((1, H), jnp.float32),
            jax.ShapeDtypeStruct((1, H), jnp.float32),
        ],
    )(m2, W2[:DH], W2[DH:], b2.reshape(1, H), Wp, bp.reshape(1, H), seg3)

    hp = pl.pallas_call(
        _norm_body,
        grid=(NB,),
        in_specs=[
            pl.BlockSpec((BN, H), lambda i: (i, 0)),
            pl.BlockSpec((1, H), lambda i: (0, 0)),
            pl.BlockSpec((1, H), lambda i: (0, 0)),
            pl.BlockSpec((1, H), lambda i: (0, 0)),
            pl.BlockSpec((1, H), lambda i: (0, 0)),
            pl.BlockSpec((1, 1), lambda i: (0, 0)),
        ],
        out_specs=pl.BlockSpec((BN, H), lambda i: (i, 0)),
        out_shape=jax.ShapeDtypeStruct((N, H), jnp.float32),
    )(z, zsum, zsq, gamma.reshape(1, H), beta.reshape(1, H),
      prelu_w.reshape(1, 1))

    return (g, g, hp, hp, g, g)

# --- scband reference (transcript-rebuilt; emitter-appended) ---
"""Pipeline reference for scband-encoder-86998857548314 (READ-ONLY COPY).

The authoritative reference and input builder live on the scoring server;
editing this copy changes nothing except your own understanding.
"""

import jax, jax.numpy as jnp
import numpy as np

N = 10000
E = 160000
D = 256
H = 256
G = 64


def setup_inputs(seed: int = 0) -> dict:
    key = jax.random.key(seed)
    ks = jax.random.split(key, 12)
    x = jax.random.normal(ks[0], (N, D), dtype=jnp.float32)
    edge_index = jax.random.randint(ks[1], (2, E), 0, N, dtype=jnp.int32)
    batch = jnp.sort(jax.random.randint(ks[2], (N,), 0, G, dtype=jnp.int32))
    s1 = 1.0 / np.sqrt(D)
    s2 = 1.0 / np.sqrt(H)
    # online encoder params (2-layer GCN-style message passing encoder)
    W1 = jax.random.normal(ks[3], (D, H), dtype=jnp.float32) * s1
    b1 = jnp.zeros((H,), dtype=jnp.float32)
    W2 = jax.random.normal(ks[4], (H, H), dtype=jnp.float32) * s2
    b2 = jnp.zeros((H,), dtype=jnp.float32)
    # predictor: Linear + BatchNorm1d + PReLU (dropout is identity in eval)
    Wp = jax.random.normal(ks[5], (H, H), dtype=jnp.float32) * s2
    bp = jnp.zeros((H,), dtype=jnp.float32)
    gamma = jnp.ones((H,), dtype=jnp.float32)
    beta = jnp.zeros((H,), dtype=jnp.float32)
    prelu_w = jnp.full((1,), 0.25, dtype=jnp.float32)
    return {"x": x, "edge_index": edge_index, "batch": batch,
            "W1": W1, "b1": b1, "W2": W2, "b2": b2,
            "Wp": Wp, "bp": bp, "gamma": gamma, "beta": beta,
            "prelu_w": prelu_w}


def _encoder(x, edge_index, W1, b1, W2, b2):
    # GCN-style message passing: gather over src, scatter-add over dst, then dense transform
    src = edge_index[0]
    dst = edge_index[1]
    m1 = jax.ops.segment_sum(jnp.take(x, src, axis=0), dst, num_segments=N)
    h = jax.nn.relu(m1 @ W1 + b1)
    m2 = jax.ops.segment_sum(jnp.take(h, src, axis=0), dst, num_segments=N)
    h2 = m2 @ W2 + b2
    # encoder returns (graph-node repr, online repr)
    return h2, h2


def _predictor(h, Wp, bp, gamma, beta, prelu_w):
    z = h @ Wp + bp
    mu = jnp.mean(z, axis=0)
    var = jnp.var(z, axis=0)
    zn = (z - mu) / jnp.sqrt(var + 1e-5) * gamma + beta
    zp = jnp.where(zn > 0, zn, prelu_w[0] * zn)
    # dropout(0.2) is identity at inference
    return zp


def reference(x, edge_index, batch, W1, b1, W2, b2, Wp, bp, gamma, beta, prelu_w):
    x = x.astype(jnp.float32)
    # augmentor = (identity, identity); args.if_smoothed = False
    x1, ei1 = x, edge_index
    x2, ei2 = x, edge_index
    h1, h1_online = _encoder(x1, ei1, W1, b1, W2, b2)
    h2, h2_online = _encoder(x2, ei2, W1, b1, W2, b2)
    g1 = jax.ops.segment_sum(h1, batch, num_segments=G)
    h1_pred = _predictor(h1_online, Wp, bp, gamma, beta, prelu_w)
    g2 = jax.ops.segment_sum(h2, batch, num_segments=G)
    h2_pred = _predictor(h2_online, Wp, bp, gamma, beta, prelu_w)
    # target encoder = deepcopy of online encoder at init (same params), no grad
    _, h1_target = _encoder(x1, ei1, W1, b1, W2, b2)
    _, h2_target = _encoder(x2, ei2, W1, b1, W2, b2)
    h1_target = jax.lax.stop_gradient(h1_target)
    h2_target = jax.lax.stop_gradient(h2_target)
    g1_target = jax.ops.segment_sum(h1_target, batch, num_segments=G)
    g2_target = jax.ops.segment_sum(h2_target, batch, num_segments=G)
    return (g1, g2, h1_pred, h2_pred, g1_target, g2_target)

if __name__ == "__main__":
    import jax
    _d = setup_inputs()
    print(jax.jit(kernel)(*tuple(_d.values())))

</pallas_src>

<mosaic_0001>
#map = affine_map<(d0, d1) -> (0, 0)>
#map1 = affine_map<(d0, d1) -> (0, 0, 0, 0)>
#map2 = affine_map<(d0, d1) -> (0, 0, 0)>
module attributes {stable_mosaic.version = 14 : i64} {
  func.func @_spmm_body(%arg0: i32, %arg1: i32, %arg2: memref<20000x128xf32, #tpu.memory_space<hbm>>, %arg3: memref<2x16x80x128xi32, #tpu.memory_space<hbm>>, %arg4: memref<632x128xf32, #tpu.memory_space<hbm>>, %arg5: memref<2x10000x128xf32, #tpu.memory_space<hbm>>, %arg6: memref<80x128xi32, #tpu.memory_space<vmem>>, %arg7: memref<2x128xi32, #tpu.memory_space<vmem>>, %arg8: memref<2x128xi32, #tpu.memory_space<vmem>>, %arg9: memref<128x128xf32, #tpu.memory_space<vmem>>, %arg10: memref<128x128xf32, #tpu.memory_space<vmem>>, %arg11: memref<10112x128xf32, #tpu.memory_space<vmem_shared>>, %arg12: memref<!tpu.dma_semaphore, #tpu.memory_space<semaphore_mem>>, %arg13: memref<!tpu.dma_semaphore, #tpu.memory_space<semaphore_mem>>, %arg14: memref<!tpu.dma_semaphore, #tpu.memory_space<semaphore_mem>>) attributes {dimension_semantics = [#tpu.dimension_semantics<core_parallel>, #tpu.dimension_semantics<subcore_parallel>], iteration_bounds = array<i64: 2, 16>, scalar_prefetch = 0 : i64, scratch_operands = 9 : i64, tpu.core_type = #tpu.core_type<sc_vector_subcore>, window_params = [{transform_indices = #map}, {transform_indices = #map1}, {transform_indices = #map}, {transform_indices = #map2}]} {
    "tpu.region"() ({
      %run_scoped3A = tpu.sem_alloc : memref<!tpu.dma_semaphore, #tpu.memory_space<semaphore_mem>>
      %dma_start3A_431 = arith.constant 0 : i32
      %dma_start3A_432 = arith.constant 0 : i32
      %dma_start3A_433 = arith.constant 0 : i32
      %dma_start3A_434 = tpu.memref_slice %arg3[%arg0, %dma_start3A_431, %dma_start3A_432, %dma_start3A_433] : memref<2x16x80x128xi32, #tpu.memory_space<hbm>> -> memref<1x16x80x128xi32, #tpu.memory_space<hbm>>
      %dma_start3A_435 = tpu.memref_squeeze %dma_start3A_434 : memref<1x16x80x128xi32, #tpu.memory_space<hbm>> -> memref<16x80x128xi32, #tpu.memory_space<hbm>>
      %dma_start3A_436 = arith.constant 0 : i32
      %dma_start3A_437 = arith.constant 0 : i32
      %dma_start3A_438 = tpu.memref_slice %dma_start3A_435[%arg1, %dma_start3A_436, %dma_start3A_437] : memref<16x80x128xi32, #tpu.memory_space<hbm>> -> memref<1x80x128xi32, #tpu.memory_space<hbm>>
      %dma_start3A_439 = tpu.memref_squeeze %dma_start3A_438 : memref<1x80x128xi32, #tpu.memory_space<hbm>> -> memref<80x128xi32, #tpu.memory_space<hbm>>
      %dma_start3A_440 = arith.constant 0 : i32
      %dma_start3A_441 = arith.constant 0 : i32
      %dma_start3A_442 = arith.constant 0 : i32
      %dma_start3A_443 = tpu.memref_slice %arg3[%arg0, %dma_start3A_440, %dma_start3A_441, %dma_start3A_442] : memref<2x16x80x128xi32, #tpu.memory_space<hbm>> -> memref<1x16x80x128xi32, #tpu.memory_space<hbm>>
      %dma_start3A_444 = tpu.memref_squeeze %dma_start3A_443 : memref<1x16x80x128xi32, #tpu.memory_space<hbm>> -> memref<16x80x128xi32, #tpu.memory_space<hbm>>
      %dma_start3A_445 = arith.constant 0 : i32
      %dma_start3A_446 = arith.constant 0 : i32
      %dma_start3A_447 = tpu.memref_slice %dma_start3A_444[%arg1, %dma_start3A_445, %dma_start3A_446] : memref<16x80x128xi32, #tpu.memory_space<hbm>> -> memref<1x80x128xi32, #tpu.memory_space<hbm>>
      %dma_start3A_448 = tpu.memref_squeeze %dma_start3A_447 : memref<1x80x128xi32, #tpu.memory_space<hbm>> -> memref<80x128xi32, #tpu.memory_space<hbm>>
      tpu.enqueue_dma source(%dma_start3A_448 : memref<80x128xi32, #tpu.memory_space<hbm>>) target(%arg6 : memref<80x128xi32, #tpu.memory_space<vmem>>) target_semaphore(%run_scoped3A : memref<!tpu.dma_semaphore, #tpu.memory_space<semaphore_mem>>)
      %dma_wait3A_449 = arith.constant 0 : i32
      %dma_wait3A_450 = arith.constant 0 : i32
      %dma_wait3A_451 = arith.constant 0 : i32
      %dma_wait3A_452 = tpu.memref_slice %arg3[%arg0, %dma_wait3A_449, %dma_wait3A_450, %dma_wait3A_451] : memref<2x16x80x128xi32, #tpu.memory_space<hbm>> -> memref<1x16x80x128xi32, #tpu.memory_space<hbm>>
      %dma_wait3A_453 = tpu.memref_squeeze %dma_wait3A_452 : memref<1x16x80x128xi32, #tpu.memory_space<hbm>> -> memref<16x80x128xi32, #tpu.memory_space<hbm>>
      %dma_wait3A_454 = arith.constant 0 : i32
      %dma_wait3A_455 = arith.constant 0 : i32
      %dma_wait3A_456 = tpu.memref_slice %dma_wait3A_453[%arg1, %dma_wait3A_454, %dma_wait3A_455] : memref<16x80x128xi32, #tpu.memory_space<hbm>> -> memref<1x80x128xi32, #tpu.memory_space<hbm>>
      %dma_wait3A_457 = tpu.memref_squeeze %dma_wait3A_456 : memref<1x80x128xi32, #tpu.memory_space<hbm>> -> memref<80x128xi32, #tpu.memory_space<hbm>>
      %dma_wait3A_458 = arith.constant 0 : i32
      %dma_wait3A_459 = arith.constant 0 : i32
      %dma_wait3A_460 = arith.constant 0 : i32
      %dma_wait3A_461 = tpu.memref_slice %arg3[%arg0, %dma_wait3A_458, %dma_wait3A_459, %dma_wait3A_460] : memref<2x16x80x128xi32, #tpu.memory_space<hbm>> -> memref<1x16x80x128xi32, #tpu.memory_space<hbm>>
      %dma_wait3A_462 = tpu.memref_squeeze %dma_wait3A_461 : memref<1x16x80x128xi32, #tpu.memory_space<hbm>> -> memref<16x80x128xi32, #tpu.memory_space<hbm>>
      %dma_wait3A_463 = arith.constant 0 : i32
      %dma_wait3A_464 = arith.constant 0 : i32
      %dma_wait3A_465 = tpu.memref_slice %dma_wait3A_462[%arg1, %dma_wait3A_463, %dma_wait3A_464] : memref<16x80x128xi32, #tpu.memory_space<hbm>> -> memref<1x80x128xi32, #tpu.memory_space<hbm>>
      %dma_wait3A_466 = tpu.memref_squeeze %dma_wait3A_465 : memref<1x80x128xi32, #tpu.memory_space<hbm>> -> memref<80x128xi32, #tpu.memory_space<hbm>>
      tpu.wait_dma2 semaphore(%run_scoped3A : memref<!tpu.dma_semaphore, #tpu.memory_space<semaphore_mem>>) src(%dma_wait3A_466 : memref<80x128xi32, #tpu.memory_space<hbm>>) dst(%arg6 : memref<80x128xi32, #tpu.memory_space<vmem>>)
      tpu.yield
    }) : () -> ()
    %mul3A = arith.constant 632 : i32
    %mul3A_0 = arith.muli %arg1, %mul3A : i32
    "tpu.region"() ({
      %run_scoped3A = tpu.sem_alloc : memref<!tpu.dma_semaphore, #tpu.memory_space<semaphore_mem>>
      %dma_start3A_431 = arith.constant 0 : i32
      %dma_start3A_432 = tpu.memref_slice %arg11[%mul3A_0, %dma_start3A_431] : memref<10112x128xf32, #tpu.memory_space<vmem_shared>> -> memref<632x128xf32, #tpu.memory_space<vmem_shared>>
      tpu.enqueue_dma source(%arg4 : memref<632x128xf32, #tpu.memory_space<hbm>>) target(%dma_start3A_432 : memref<632x128xf32, #tpu.memory_space<vmem_shared>>) target_semaphore(%run_scoped3A : memref<!tpu.dma_semaphore, #tpu.memory_space<semaphore_mem>>)
      %dma_wait3A_433 = arith.constant 0 : i32
      %dma_wait3A_434 = tpu.memref_slice %arg11[%mul3A_0, %dma_wait3A_433] : memref<10112x128xf32, #tpu.memory_space<vmem_shared>> -> memref<632x128xf32, #tpu.memory_space<vmem_shared>>
      tpu.wait_dma2 semaphore(%run_scoped3A : memref<!tpu.dma_semaphore, #tpu.memory_space<semaphore_mem>>) src(%arg4 : memref<632x128xf32, #tpu.memory_space<hbm>>) dst(%dma_wait3A_434 : memref<632x128xf32, #tpu.memory_space<vmem_shared>>)
      tpu.yield
    }) : () -> ()
    %barrier3A = arith.constant 0 : index
    tpu.barrier barrier_id(%barrier3A)
    %get3A = arith.constant 0 : i32
    %get3A_1 = arith.index_cast %get3A : i32 to index
    %get3A_2 = arith.constant 0 : index
    %get3A_3 = tpu.vector_load %arg6[%get3A_1, %get3A_2] {strides = array<i32>} : memref<80x128xi32, #tpu.memory_space<vmem>>, vector<1x16xi32>,
    %get3A_4 = vector.shape_cast %get3A_3 : vector<1x16xi32> to vector<16xi32>
    %shift_right_arithmetic3A = arith.constant 14 : i32
    %shift_right_arithmetic3A_5 = vector.broadcast %shift_right_arithmetic3A : i32 to vector<16xi32>
    %shift_right_arithmetic3A_6 = arith.shrsi %get3A_4, %shift_right_arithmetic3A_5 : vector<16xi32>
    %swap3A = arith.constant 0 : i32
    %swap3A_7 = arith.index_cast %swap3A : i32 to index
    %swap3A_8 = arith.constant 0 : index
    %swap3A_9 = tpu.vector_load %arg7[%swap3A_7, %swap3A_8] {strides = array<i32>} : memref<2x128xi32, #tpu.memory_space<vmem>>, vector<1x16xi32>,
    %swap3A_10 = vector.shape_cast %swap3A_9 : vector<1x16xi32> to vector<16xi32>
    %swap3A_11 = vector.shape_cast %shift_right_arithmetic3A_6 : vector<16xi32> to vector<1x16xi32>
    tpu.vector_store %arg7[%swap3A_7, %swap3A_8], %swap3A_11 {strides = array<i32>} : memref<2x128xi32, #tpu.memory_space<vmem>>, vector<1x16xi32>,
    %and3A = arith.constant 16383 : i32
    %and3A_12 = vector.broadcast %and3A : i32 to vector<16xi32>
    %and3A_13 = arith.andi %get3A_4, %and3A_12 : vector<16xi32>
    %swap3A_14 = arith.constant 0 : i32
    %swap3A_15 = arith.index_cast %swap3A_14 : i32 to index
    %swap3A_16 = arith.constant 0 : index
    %swap3A_17 = tpu.vector_load %arg8[%swap3A_15, %swap3A_16] {strides = array<i32>} : memref<2x128xi32, #tpu.memory_space<vmem>>, vector<1x16xi32>,
    %swap3A_18 = vector.shape_cast %swap3A_17 : vector<1x16xi32> to vector<16xi32>
    %swap3A_19 = vector.shape_cast %and3A_13 : vector<16xi32> to vector<1x16xi32>
    tpu.vector_store %arg8[%swap3A_15, %swap3A_16], %swap3A_19 {strides = array<i32>} : memref<2x128xi32, #tpu.memory_space<vmem>>, vector<1x16xi32>,
    %get3A_20 = arith.constant 0 : i32
    %get3A_21 = arith.index_cast %get3A_20 : i32 to index
    %get3A_22 = arith.constant 16 : index
    %get3A_23 = tpu.vector_load %arg6[%get3A_21, %get3A_22] {strides = array<i32>} : memref<80x128xi32, #tpu.memory_space<vmem>>, vector<1x16xi32>,
    %get3A_24 = vector.shape_cast %get3A_23 : vector<1x16xi32> to vector<16xi32>
    %shift_right_arithmetic3A_25 = arith.constant 14 : i32
    %shift_right_arithmetic3A_26 = vector.broadcast %shift_right_arithmetic3A_25 : i32 to vector<16xi32>
    %shift_right_arithmetic3A_27 = arith.shrsi %get3A_24, %shift_right_arithmetic3A_26 : vector<16xi32>
    %swap3A_28 = arith.constant 0 : i32
    %swap3A_29 = arith.index_cast %swap3A_28 : i32 to index
    %swap3A_30 = arith.constant 16 : index
    %swap3A_31 = tpu.vector_load %arg7[%swap3A_29, %swap3A_30] {strides = array<i32>} : memref<2x128xi32, #tpu.memory_space<vmem>>, vector<1x16xi32>,
    %swap3A_32 = vector.shape_cast %swap3A_31 : vector<1x16xi32> to vector<16xi32>
    %swap3A_33 = vector.shape_cast %shift_right_arithmetic3A_27 : vector<16xi32> to vector<1x16xi32>
    tpu.vector_store %arg7[%swap3A_29, %swap3A_30], %swap3A_33 {strides = array<i32>} : memref<2x128xi32, #tpu.memory_space<vmem>>, vector<1x16xi32>,
    %and3A_34 = arith.constant 16383 : i32
    %and3A_35 = vector.broadcast %and3A_34 : i32 to vector<16xi32>
    %and3A_36 = arith.andi %get3A_24, %and3A_35 : vector<16xi32>
    %swap3A_37 = arith.constant 0 : i32
    %swap3A_38 = arith.index_cast %swap3A_37 : i32 to index
    %swap3A_39 = arith.constant 16 : index
    %swap3A_40 = tpu.vector_load %arg8[%swap3A_38, %swap3A_39] {strides = array<i32>} : memref<2x128xi32, #tpu.memory_space<vmem>>, vector<1x16xi32>,
    %swap3A_41 = vector.shape_cast %swap3A_40 : vector<1x16xi32> to vector<16xi32>
    %swap3A_42 = vector.shape_cast %and3A_36 : vector<16xi32> to vector<1x16xi32>
    tpu.vector_store %arg8[%swap3A_38, %swap3A_39], %swap3A_42 {strides = array<i32>} : memref<2x128xi32, #tpu.memory_space<vmem>>, vector<1x16xi32>,
    %get3A_43 = arith.constant 0 : i32
    %get3A_44 = arith.index_cast %get3A_43 : i32 to index
    %get3A_45 = arith.constant 32 : index
    %get3A_46 = tpu.vector_load %arg6[%get3A_44, %get3A_45] {strides = array<i32>} : memref<80x128xi32, #tpu.memory_space<vmem>>, vector<1x16xi32>,
    %get3A_47 = vector.shape_cast %get3A_46 : vector<1x16xi32> to vector<16xi32>
    %shift_right_arithmetic3A_48 = arith.constant 14 : i32
    %shift_right_arithmetic3A_49 = vector.broadcast %shift_right_arithmetic3A_48 : i32 to vector<16xi32>
    %shift_right_arithmetic3A_50 = arith.shrsi %get3A_47, %shift_right_arithmetic3A_49 : vector<16xi32>
    %swap3A_51 = arith.constant 0 : i32
    %swap3A_52 = arith.index_cast %swap3A_51 : i32 to index
    %swap3A_53 = arith.constant 32 : index
    %swap3A_54 = tpu.vector_load %arg7[%swap3A_52, %swap3A_53] {strides = array<i32>} : memref<2x128xi32, #tpu.memory_space<vmem>>, vector<1x16xi32>,
    %swap3A_55 = vector.shape_cast %swap3A_54 : vector<1x16xi32> to vector<16xi32>
    %swap3A_56 = vector.shape_cast %shift_right_arithmetic3A_50 : vector<16xi32> to vector<1x16xi32>
    tpu.vector_store %arg7[%swap3A_52, %swap3A_53], %swap3A_56 {strides = array<i32>} : memref<2x128xi32, #tpu.memory_space<vmem>>, vector<1x16xi32>,
    %and3A_57 = arith.constant 16383 : i32
    %and3A_58 = vector.broadcast %and3A_57 : i32 to vector<16xi32>
    %and3A_59 = arith.andi %get3A_47, %and3A_58 : vector<16xi32>
    %swap3A_60 = arith.constant 0 : i32
    %swap3A_61 = arith.index_cast %swap3A_60 : i32 to index
    %swap3A_62 = arith.constant 32 : index
    %swap3A_63 = tpu.vector_load %arg8[%swap3A_61, %swap3A_62] {strides = array<i32>} : memref<2x128xi32, #tpu.memory_space<vmem>>, vector<1x16xi32>,
    %swap3A_64 = vector.shape_cast %swap3A_63 : vector<1x16xi32> to vector<16xi32>
    %swap3A_65 = vector.shape_cast %and3A_59 : vector<16xi32> to vector<1x16xi32>
    tpu.vector_store %arg8[%swap3A_61, %swap3A_62], %swap3A_65 {strides = array<i32>} : memref<2x128xi32, #tpu.memory_space<vmem>>, vector<1x16xi32>,
    %get3A_66 = arith.constant 0 : i32
    %get3A_67 = arith.index_cast %get3A_66 : i32 to index
    %get3A_68 = arith.constant 48 : index
    %get3A_69 = tpu.vector_load %arg6[%get3A_67, %get3A_68] {strides = array<i32>} : memref<80x128xi32, #tpu.memory_space<vmem>>, vector<1x16xi32>,
    %get3A_70 = vector.shape_cast %get3A_69 : vector<1x16xi32> to vector<16xi32>
    %shift_right_arithmetic3A_71 = arith.constant 14 : i32
    %shift_right_arithmetic3A_72 = vector.broadcast %shift_right_arithmetic3A_71 : i32 to vector<16xi32>
    %shift_right_arithmetic3A_73 = arith.shrsi %get3A_70, %shift_right_arithmetic3A_72 : vector<16xi32>
    %swap3A_74 = arith.constant 0 : i32
    %swap3A_75 = arith.index_cast %swap3A_74 : i32 to index
    %swap3A_76 = arith.constant 48 : index
    %swap3A_77 = tpu.vector_load %arg7[%swap3A_75, %swap3A_76] {strides = array<i32>} : memref<2x128xi32, #tpu.memory_space<vmem>>, vector<1x16xi32>,
    %swap3A_78 = vector.shape_cast %swap3A_77 : vector<1x16xi32> to vector<16xi32>
    %swap3A_79 = vector.shape_cast %shift_right_arithmetic3A_73 : vector<16xi32> to vector<1x16xi32>
    tpu.vector_store %arg7[%swap3A_75, %swap3A_76], %swap3A_79 {strides = array<i32>} : memref<2x128xi32, #tpu.memory_space<vmem>>, vector<1x16xi32>,
    %and3A_80 = arith.constant 16383 : i32
    %and3A_81 = vector.broadcast %and3A_80 : i32 to vector<16xi32>
    %and3A_82 = arith.andi %get3A_70, %and3A_81 : vector<16xi32>
    %swap3A_83 = arith.constant 0 : i32
    %swap3A_84 = arith.index_cast %swap3A_83 : i32 to index
    %swap3A_85 = arith.constant 48 : index
    %swap3A_86 = tpu.vector_load %arg8[%swap3A_84, %swap3A_85] {strides = array<i32>} : memref<2x128xi32, #tpu.memory_space<vmem>>, vector<1x16xi32>,
    %swap3A_87 = vector.shape_cast %swap3A_86 : vector<1x16xi32> to vector<16xi32>
    %swap3A_88 = vector.shape_cast %and3A_82 : vector<16xi32> to vector<1x16xi32>
    tpu.vector_store %arg8[%swap3A_84, %swap3A_85], %swap3A_88 {strides = array<i32>} : memref<2x128xi32, #tpu.memory_space<vmem>>, vector<1x16xi32>,
    %get3A_89 = arith.constant 0 : i32
    %get3A_90 = arith.index_cast %get3A_89 : i32 to index
    %get3A_91 = arith.constant 64 : index
    %get3A_92 = tpu.vector_load %arg6[%get3A_90, %get3A_91] {strides = array<i32>} : memref<80x128xi32, #tpu.memory_space<vmem>>, vector<1x16xi32>,
    %get3A_93 = vector.shape_cast %get3A_92 : vector<1x16xi32> to vector<16xi32>
    %shift_right_arithmetic3A_94 = arith.constant 14 : i32
    %shift_right_arithmetic3A_95 = vector.broadcast %shift_right_arithmetic3A_94 : i32 to vector<16xi32>
    %shift_right_arithmetic3A_96 = arith.shrsi %get3A_93, %shift_right_arithmetic3A_95 : vector<16xi32>
    %swap3A_97 = arith.constant 0 : i32
    %swap3A_98 = arith.index_cast %swap3A_97 : i32 to index
    %swap3A_99 = arith.constant 64 : index
    %swap3A_100 = tpu.vector_load %arg7[%swap3A_98, %swap3A_99] {strides = array<i32>} : memref<2x128xi32, #tpu.memory_space<vmem>>, vector<1x16xi32>,
    %swap3A_101 = vector.shape_cast %swap3A_100 : vector<1x16xi32> to vector<16xi32>
    %swap3A_102 = vector.shape_cast %shift_right_arithmetic3A_96 : vector<16xi32> to vector<1x16xi32>
    tpu.vector_store %arg7[%swap3A_98, %swap3A_99], %swap3A_102 {strides = array<i32>} : memref<2x128xi32, #tpu.memory_space<vmem>>, vector<1x16xi32>,
    %and3A_103 = arith.constant 16383 : i32
    %and3A_104 = vector.broadcast %and3A_103 : i32 to vector<16xi32>
    %and3A_105 = arith.andi %get3A_93, %and3A_104 : vector<16xi32>
    %swap3A_106 = arith.constant 0 : i32
    %swap3A_107 = arith.index_cast %swap3A_106 : i32 to index
    %swap3A_108 = arith.constant 64 : index
    %swap3A_109 = tpu.vector_load %arg8[%swap3A_107, %swap3A_108] {strides = array<i32>} : memref<2x128xi32, #tpu.memory_space<vmem>>, vector<1x16xi32>,
    %swap3A_110 = vector.shape_cast %swap3A_109 : vector<1x16xi32> to vector<16xi32>
    %swap3A_111 = vector.shape_cast %and3A_105 : vector<16xi32> to vector<1x16xi32>
    tpu.vector_store %arg8[%swap3A_107, %swap3A_108], %swap3A_111 {strides = array<i32>} : memref<2x128xi32, #tpu.memory_space<vmem>>, vector<1x16xi32>,
    %get3A_112 = arith.constant 0 : i32
    %get3A_113 = arith.index_cast %get3A_112 : i32 to index
    %get3A_114 = arith.constant 80 : index
    %get3A_115 = tpu.vector_load %arg6[%get3A_113, %get3A_114] {strides = array<i32>} : memref<80x128xi32, #tpu.memory_space<vmem>>, vector<1x16xi32>,
    %get3A_116 = vector.shape_cast %get3A_115 : vector<1x16xi32> to vector<16xi32>
    %shift_right_arithmetic3A_117 = arith.constant 14 : i32
    %shift_right_arithmetic3A_118 = vector.broadcast %shift_right_arithmetic3A_117 : i32 to vector<16xi32>
    %shift_right_arithmetic3A_119 = arith.shrsi %get3A_116, %shift_right_arithmetic3A_118 : vector<16xi32>
    %swap3A_120 = arith.constant 0 : i32
    %swap3A_121 = arith.index_cast %swap3A_120 : i32 to index
    %swap3A_122 = arith.constant 80 : index
    %swap3A_123 = tpu.vector_load %arg7[%swap3A_121, %swap3A_122] {strides = array<i32>} : memref<2x128xi32, #tpu.memory_space<vmem>>, vector<1x16xi32>,
    %swap3A_124 = vector.shape_cast %swap3A_123 : vector<1x16xi32> to vector<16xi32>
    %swap3A_125 = vector.shape_cast %shift_right_arithmetic3A_119 : vector<16xi32> to vector<1x16xi32>
    tpu.vector_store %arg7[%swap3A_121, %swap3A_122], %swap3A_125 {strides = array<i32>} : memref<2x128xi32, #tpu.memory_space<vmem>>, vector<1x16xi32>,
    %and3A_126 = arith.constant 16383 : i32
    %and3A_127 = vector.broadcast %and3A_126 : i32 to vector<16xi32>
    %and3A_128 = arith.andi %get3A_116, %and3A_127 : vector<16xi32>
    %swap3A_129 = arith.constant 0 : i32
    %swap3A_130 = arith.index_cast %swap3A_129 : i32 to index
    %swap3A_131 = arith.constant 80 : index
    %swap3A_132 = tpu.vector_load %arg8[%swap3A_130, %swap3A_131] {strides = array<i32>} : memref<2x128xi32, #tpu.memory_space<vmem>>, vector<1x16xi32>,
    %swap3A_133 = vector.shape_cast %swap3A_132 : vector<1x16xi32> to vector<16xi32>
    %swap3A_134 = vector.shape_cast %and3A_128 : vector<16xi32> to vector<1x16xi32>
    tpu.vector_store %arg8[%swap3A_130, %swap3A_131], %swap3A_134 {strides = array<i32>} : memref<2x128xi32, #tpu.memory_space<vmem>>, vector<1x16xi32>,
    %get3A_135 = arith.constant 0 : i32
    %get3A_136 = arith.index_cast %get3A_135 : i32 to index
    %get3A_137 = arith.constant 96 : index
    %get3A_138 = tpu.vector_load %arg6[%get3A_136, %get3A_137] {strides = array<i32>} : memref<80x128xi32, #tpu.memory_space<vmem>>, vector<1x16xi32>,
    %get3A_139 = vector.shape_cast %get3A_138 : vector<1x16xi32> to vector<16xi32>
    %shift_right_arithmetic3A_140 = arith.constant 14 : i32
    %shift_right_arithmetic3A_141 = vector.broadcast %shift_right_arithmetic3A_140 : i32 to vector<16xi32>
    %shift_right_arithmetic3A_142 = arith.shrsi %get3A_139, %shift_right_arithmetic3A_141 : vector<16xi32>
    %swap3A_143 = arith.constant 0 : i32
    %swap3A_144 = arith.index_cast %swap3A_143 : i32 to index
    %swap3A_145 = arith.constant 96 : index
    %swap3A_146 = tpu.vector_load %arg7[%swap3A_144, %swap3A_145] {strides = array<i32>} : memref<2x128xi32, #tpu.memory_space<vmem>>, vector<1x16xi32>,
    %swap3A_147 = vector.shape_cast %swap3A_146 : vector<1x16xi32> to vector<16xi32>
    %swap3A_148 = vector.shape_cast %shift_right_arithmetic3A_142 : vector<16xi32> to vector<1x16xi32>
    tpu.vector_store %arg7[%swap3A_144, %swap3A_145], %swap3A_148 {strides = array<i32>} : memref<2x128xi32, #tpu.memory_space<vmem>>, vector<1x16xi32>,
    %and3A_149 = arith.constant 16383 : i32
    %and3A_150 = vector.broadcast %and3A_149 : i32 to vector<16xi32>
    %and3A_151 = arith.andi %get3A_139, %and3A_150 : vector<16xi32>
    %swap3A_152 = arith.constant 0 : i32
    %swap3A_153 = arith.index_cast %swap3A_152 : i32 to index
    %swap3A_154 = arith.constant 96 : index
    %swap3A_155 = tpu.vector_load %arg8[%swap3A_153, %swap3A_154] {strides = array<i32>} : memref<2x128xi32, #tpu.memory_space<vmem>>, vector<1x16xi32>,
    %swap3A_156 = vector.shape_cast %swap3A_155 : vector<1x16xi32> to vector<16xi32>
    %swap3A_157 = vector.shape_cast %and3A_151 : vector<16xi32> to vector<1x16xi32>
    tpu.vector_store %arg8[%swap3A_153, %swap3A_154], %swap3A_157 {strides = array<i32>} : memref<2x128xi32, #tpu.memory_space<vmem>>, vector<1x16xi32>,
    %get3A_158 = arith.constant 0 : i32
    %get3A_159 = arith.index_cast %get3A_158 : i32 to index
    %get3A_160 = arith.constant 112 : index
    %get3A_161 = tpu.vector_load %arg6[%get3A_159, %get3A_160] {strides = array<i32>} : memref<80x128xi32, #tpu.memory_space<vmem>>, vector<1x16xi32>,
    %get3A_162 = vector.shape_cast %get3A_161 : vector<1x16xi32> to vector<16xi32>
    %shift_right_arithmetic3A_163 = arith.constant 14 : i32
    %shift_right_arithmetic3A_164 = vector.broadcast %shift_right_arithmetic3A_163 : i32 to vector<16xi32>
    %shift_right_arithmetic3A_165 = arith.shrsi %get3A_162, %shift_right_arithmetic3A_164 : vector<16xi32>
    %swap3A_166 = arith.constant 0 : i32
    %swap3A_167 = arith.index_cast %swap3A_166 : i32 to index
    %swap3A_168 = arith.constant 112 : index
    %swap3A_169 = tpu.vector_load %arg7[%swap3A_167, %swap3A_168] {strides = array<i32>} : memref<2x128xi32, #tpu.memory_space<vmem>>, vector<1x16xi32>,
    %swap3A_170 = vector.shape_cast %swap3A_169 : vector<1x16xi32> to vector<16xi32>
    %swap3A_171 = vector.shape_cast %shift_right_arithmetic3A_165 : vector<16xi32> to vector<1x16xi32>
    tpu.vector_store %arg7[%swap3A_167, %swap3A_168], %swap3A_171 {strides = array<i32>} : memref<2x128xi32, #tpu.memory_space<vmem>>, vector<1x16xi32>,
    %and3A_172 = arith.constant 16383 : i32
    %and3A_173 = vector.broadcast %and3A_172 : i32 to vector<16xi32>
    %and3A_174 = arith.andi %get3A_162, %and3A_173 : vector<16xi32>
    %swap3A_175 = arith.constant 0 : i32
    %swap3A_176 = arith.index_cast %swap3A_175 : i32 to index
    %swap3A_177 = arith.constant 112 : index
    %swap3A_178 = tpu.vector_load %arg8[%swap3A_176, %swap3A_177] {strides = array<i32>} : memref<2x128xi32, #tpu.memory_space<vmem>>, vector<1x16xi32>,
    %swap3A_179 = vector.shape_cast %swap3A_178 : vector<1x16xi32> to vector<16xi32>
    %swap3A_180 = vector.shape_cast %and3A_174 : vector<16xi32> to vector<1x16xi32>
    tpu.vector_store %arg8[%swap3A_176, %swap3A_177], %swap3A_180 {strides = array<i32>} : memref<2x128xi32, #tpu.memory_space<vmem>>, vector<1x16xi32>,
    %dma_start3A = arith.constant 0 : i32
    %dma_start3A_181 = arith.constant 0 : i32
    %dma_start3A_182 = tpu.memref_slice %arg7[%dma_start3A, %dma_start3A_181] : memref<2x128xi32, #tpu.memory_space<vmem>> -> memref<1x128xi32, #tpu.memory_space<vmem>>
    %dma_start3A_183 = tpu.memref_squeeze %dma_start3A_182 : memref<1x128xi32, #tpu.memory_space<vmem>> -> memref<128xi32, #tpu.memory_space<vmem>>
    %dma_start3A_184 = arith.constant 0 : i32
    %dma_start3A_185 = arith.constant 0 : i32
    %dma_start3A_186 = tpu.memref_slice %arg2[%dma_start3A_184, %dma_start3A_185] : memref<20000x128xf32, #tpu.memory_space<hbm>> -> memref<20000x128xf32, #tpu.memory_space<hbm>>
    tpu.enqueue_indirect_dma source(%dma_start3A_186 : memref<20000x128xf32, #tpu.memory_space<hbm>>) target(%arg9 : memref<128x128xf32, #tpu.memory_space<vmem>>) offsets(%dma_start3A_183 : memref<128xi32, #tpu.memory_space<vmem>>) semaphore(%arg12 : memref<!tpu.dma_semaphore, #tpu.memory_space<semaphore_mem>>)
    %dma_wait3A = arith.constant 0 : i32
    %dma_wait3A_187 = arith.constant 0 : i32
    %dma_wait3A_188 = tpu.memref_slice %arg7[%dma_wait3A, %dma_wait3A_187] : memref<2x128xi32, #tpu.memory_space<vmem>> -> memref<1x128xi32, #tpu.memory_space<vmem>>
    %dma_wait3A_189 = tpu.memref_squeeze %dma_wait3A_188 : memref<1x128xi32, #tpu.memory_space<vmem>> -> memref<128xi32, #tpu.memory_space<vmem>>
    %dma_wait3A_190 = arith.constant 0 : i32
    %dma_wait3A_191 = arith.constant 0 : i32
    %dma_wait3A_192 = tpu.memref_slice %arg2[%dma_wait3A_190, %dma_wait3A_191] : memref<20000x128xf32, #tpu.memory_space<hbm>> -> memref<20000x128xf32, #tpu.memory_space<hbm>>
    tpu.wait_indirect_dma semaphore(%arg12 : memref<!tpu.dma_semaphore, #tpu.memory_space<semaphore_mem>>) src(%dma_wait3A_192 : memref<20000x128xf32, #tpu.memory_space<hbm>>) dst(%arg9 : memref<128x128xf32, #tpu.memory_space<vmem>>)
    %dma_start3A_193 = arith.constant 0 : i32
    %dma_start3A_194 = arith.constant 0 : i32
    %dma_start3A_195 = tpu.memref_slice %arg8[%dma_start3A_193, %dma_start3A_194] : memref<2x128xi32, #tpu.memory_space<vmem>> -> memref<1x128xi32, #tpu.memory_space<vmem>>
    %dma_start3A_196 = tpu.memref_squeeze %dma_start3A_195 : memref<1x128xi32, #tpu.memory_space<vmem>> -> memref<128xi32, #tpu.memory_space<vmem>>
    %dma_start3A_197 = arith.constant 0 : i32
    %dma_start3A_198 = arith.constant 0 : i32
    %dma_start3A_199 = tpu.memref_slice %arg11[%dma_start3A_197, %dma_start3A_198] : memref<10112x128xf32, #tpu.memory_space<vmem_shared>> -> memref<10112x128xf32, #tpu.memory_space<vmem_shared>>
    tpu.enqueue_indirect_dma source(%arg9 : memref<128x128xf32, #tpu.memory_space<vmem>>) target(%dma_start3A_199 : memref<10112x128xf32, #tpu.memory_space<vmem_shared>>) offsets(%dma_start3A_196 : memref<128xi32, #tpu.memory_space<vmem>>) semaphore(%arg13 : memref<!tpu.dma_semaphore, #tpu.memory_space<semaphore_mem>>) {add = true}
    %get3A_200 = arith.constant 1 : i32
    %get3A_201 = arith.index_cast %get3A_200 : i32 to index
    %get3A_202 = arith.constant 0 : index
    %get3A_203 = tpu.vector_load %arg6[%get3A_201, %get3A_202] {strides = array<i32>} : memref<80x128xi32, #tpu.memory_space<vmem>>, vector<1x16xi32>,
    %get3A_204 = vector.shape_cast %get3A_203 : vector<1x16xi32> to vector<16xi32>
    %shift_right_arithmetic3A_205 = arith.constant 14 : i32
    %shift_right_arithmetic3A_206 = vector.broadcast %shift_right_arithmetic3A_205 : i32 to vector<16xi32>
    %shift_right_arithmetic3A_207 = arith.shrsi %get3A_204, %shift_right_arithmetic3A_206 : vector<16xi32>
    %swap3A_208 = arith.constant 1 : i32
    %swap3A_209 = arith.index_cast %swap3A_208 : i32 to index
    %swap3A_210 = arith.constant 0 : index
    %swap3A_211 = tpu.vector_load %arg7[%swap3A_209, %swap3A_210] {strides = array<i32>} : memref<2x128xi32, #tpu.memory_space<vmem>>, vector<1x16xi32>,
    %swap3A_212 = vector.shape_cast %swap3A_211 : vector<1x16xi32> to vector<16xi32>
    %swap3A_213 = vector.shape_cast %shift_right_arithmetic3A_207 : vector<16xi32> to vector<1x16xi32>
    tpu.vector_store %arg7[%swap3A_209, %swap3A_210], %swap3A_213 {strides = array<i32>} : memref<2x128xi32, #tpu.memory_space<vmem>>, vector<1x16xi32>,
    %and3A_214 = arith.constant 16383 : i32
    %and3A_215 = vector.broadcast %and3A_214 : i32 to vector<16xi32>
    %and3A_216 = arith.andi %get3A_204, %and3A_215 : vector<16xi32>
    %swap3A_217 = arith.constant 1 : i32
    %swap3A_218 = arith.index_cast %swap3A_217 : i32 to index
    %swap3A_219 = arith.constant 0 : index
    %swap3A_220 = tpu.vector_load %arg8[%swap3A_218, %swap3A_219] {strides = array<i32>} : memref<2x128xi32, #tpu.memory_space<vmem>>, vector<1x16xi32>,
    %swap3A_221 = vector.shape_cast %swap3A_220 : vector<1x16xi32> to vector<16xi32>
    %swap3A_222 = vector.shape_cast %and3A_216 : vector<16xi32> to vector<1x16xi32>
    tpu.vector_store %arg8[%swap3A_218, %swap3A_219], %swap3A_222 {strides = array<i32>} : memref<2x128xi32, #tpu.memory_space<vmem>>, vector<1x16xi32>,
    %get3A_223 = arith.constant 1 : i32
    %get3A_224 = arith.index_cast %get3A_223 : i32 to index
    %get3A_225 = arith.constant 16 : index
    %get3A_226 = tpu.vector_load %arg6[%get3A_224, %get3A_225] {strides = array<i32>} : memref<80x128xi32, #tpu.memory_space<vmem>>, vector<1x16xi32>,
    %get3A_227 = vector.shape_cast %get3A_226 : vector<1x16xi32> to vector<16xi32>
    %shift_right_arithmetic3A_228 = arith.constant 14 : i32
    %shift_right_arithmetic3A_229 = vector.broadcast %shift_right_arithmetic3A_228 : i32 to vector<16xi32>
    %shift_right_arithmetic3A_230 = arith.shrsi %get3A_227, %shift_right_arithmetic3A_229 : vector<16xi32>
    %swap3A_231 = arith.constant 1 : i32
    %swap3A_232 = arith.index_cast %swap3A_231 : i32 to index
    %swap3A_233 = arith.constant 16 : index
    %swap3A_234 = tpu.vector_load %arg7[%swap3A_232, %swap3A_233] {strides = array<i32>} : memref<2x128xi32, #tpu.memory_space<vmem>>, vector<1x16xi32>,
    %swap3A_235 = vector.shape_cast %swap3A_234 : vector<1x16xi32> to vector<16xi32>
    %swap3A_236 = vector.shape_cast %shift_right_arithmetic3A_230 : vector<16xi32> to vector<1x16xi32>
    tpu.vector_store %arg7[%swap3A_232, %swap3A_233], %swap3A_236 {strides = array<i32>} : memref<2x128xi32, #tpu.memory_space<vmem>>, vector<1x16xi32>,
    %and3A_237 = arith.constant 16383 : i32
    %and3A_238 = vector.broadcast %and3A_237 : i32 to vector<16xi32>
    %and3A_239 = arith.andi %get3A_227, %and3A_238 : vector<16xi32>
    %swap3A_240 = arith.constant 1 : i32
    %swap3A_241 = arith.index_cast %swap3A_240 : i32 to index
    %swap3A_242 = arith.constant 16 : index
    %swap3A_243 = tpu.vector_load %arg8[%swap3A_241, %swap3A_242] {strides = array<i32>} : memref<2x128xi32, #tpu.memory_space<vmem>>, vector<1x16xi32>,
    %swap3A_244 = vector.shape_cast %swap3A_243 : vector<1x16xi32> to vector<16xi32>
    %swap3A_245 = vector.shape_cast %and3A_239 : vector<16xi32> to vector<1x16xi32>
    tpu.vector_store %arg8[%swap3A_241, %swap3A_242], %swap3A_245 {strides = array<i32>} : memref<2x128xi32, #tpu.memory_space<vmem>>, vector<1x16xi32>,
    %get3A_246 = arith.constant 1 : i32
    %get3A_247 = arith.index_cast %get3A_246 : i32 to index
    %get3A_248 = arith.constant 32 : index
    %get3A_249 = tpu.vector_load %arg6[%get3A_247, %get3A_248] {strides = array<i32>} : memref<80x128xi32, #tpu.memory_space<vmem>>, vector<1x16xi32>,
    %get3A_250 = vector.shape_cast %get3A_249 : vector<1x16xi32> to vector<16xi32>
    %shift_right_arithmetic3A_251 = arith.constant 14 : i32
    %shift_right_arithmetic3A_252 = vector.broadcast %shift_right_arithmetic3A_251 : i32 to vector<16xi32>
    %shift_right_arithmetic3A_253 = arith.shrsi %get3A_250, %shift_right_arithmetic3A_252 : vector<16xi32>
    %swap3A_254 = arith.constant 1 : i32
    %swap3A_255 = arith.index_cast %swap3A_254 : i32 to index
    %swap3A_256 = arith.constant 32 : index
    %swap3A_257 = tpu.vector_load %arg7[%swap3A_255, %swap3A_256] {strides = array<i32>} : memref<2x128xi32, #tpu.memory_space<vmem>>, vector<1x16xi32>,
    %swap3A_258 = vector.shape_cast %swap3A_257 : vector<1x16xi32> to vector<16xi32>
    %swap3A_259 = vector.shape_cast %shift_right_arithmetic3A_253 : vector<16xi32> to vector<1x16xi32>
    tpu.vector_store %arg7[%swap3A_255, %swap3A_256], %swap3A_259 {strides = array<i32>} : memref<2x128xi32, #tpu.memory_space<vmem>>, vector<1x16xi32>,
    %and3A_260 = arith.constant 16383 : i32
    %and3A_261 = vector.broadcast %and3A_260 : i32 to vector<16xi32>
    %and3A_262 = arith.andi %get3A_250, %and3A_261 : vector<16xi32>
    %swap3A_263 = arith.constant 1 : i32
    %swap3A_264 = arith.index_cast %swap3A_263 : i32 to index
    %swap3A_265 = arith.constant 32 : index
    %swap3A_266 = tpu.vector_load %arg8[%swap3A_264, %swap3A_265] {strides = array<i32>} : memref<2x128xi32, #tpu.memory_space<vmem>>, vector<1x16xi32>,
    %swap3A_267 = vector.shape_cast %swap3A_266 : vector<1x16xi32> to vector<16xi32>
    %swap3A_268 = vector.shape_cast %and3A_262 : vector<16xi32> to vector<1x16xi32>
    tpu.vector_store %arg8[%swap3A_264, %swap3A_265], %swap3A_268 {strides = array<i32>} : memref<2x128xi32, #tpu.memory_space<vmem>>, vector<1x16xi32>,
    %get3A_269 = arith.constant 1 : i32
    %get3A_270 = arith.index_cast %get3A_269 : i32 to index
    %get3A_271 = arith.constant 48 : index
    %get3A_272 = tpu.vector_load %arg6[%get3A_270, %get3A_271] {strides = array<i32>} : memref<80x128xi32, #tpu.memory_space<vmem>>, vector<1x16xi32>,
    %get3A_273 = vector.shape_cast %get3A_272 : vector<1x16xi32> to vector<16xi32>
    %shift_right_arithmetic3A_274 = arith.constant 14 : i32
    %shift_right_arithmetic3A_275 = vector.broadcast %shift_right_arithmetic3A_274 : i32 to vector<16xi32>
    %shift_right_arithmetic3A_276 = arith.shrsi %get3A_273, %shift_right_arithmetic3A_275 : vector<16xi32>
    %swap3A_277 = arith.constant 1 : i32
    %swap3A_278 = arith.index_cast %swap3A_277 : i32 to index
    %swap3A_279 = arith.constant 48 : index
    %swap3A_280 = tpu.vector_load %arg7[%swap3A_278, %swap3A_279] {strides = array<i32>} : memref<2x128xi32, #tpu.memory_space<vmem>>, vector<1x16xi32>,
    %swap3A_281 = vector.shape_cast %swap3A_280 : vector<1x16xi32> to vector<16xi32>
    %swap3A_282 = vector.shape_cast %shift_right_arithmetic3A_276 : vector<16xi32> to vector<1x16xi32>
    tpu.vector_store %arg7[%swap3A_278, %swap3A_279], %swap3A_282 {strides = array<i32>} : memref<2x128xi32, #tpu.memory_space<vmem>>, vector<1x16xi32>,
    %and3A_283 = arith.constant 16383 : i32
    %and3A_284 = vector.broadcast %and3A_283 : i32 to vector<16xi32>
    %and3A_285 = arith.andi %get3A_273, %and3A_284 : vector<16xi32>
    %swap3A_286 = arith.constant 1 : i32
    %swap3A_287 = arith.index_cast %swap3A_286 : i32 to index
    %swap3A_288 = arith.constant 48 : index
    %swap3A_289 = tpu.vector_load %arg8[%swap3A_287, %swap3A_288] {strides = array<i32>} : memref<2x128xi32, #tpu.memory_space<vmem>>, vector<1x16xi32>,
    %swap3A_290 = vector.shape_cast %swap3A_289 : vector<1x16xi32> to vector<16xi32>
    %swap3A_291 = vector.shape_cast %and3A_285 : vector<16xi32> to vector<1x16xi32>
    tpu.vector_store %arg8[%swap3A_287, %swap3A_288], %swap3A_291 {strides = array<i32>} : memref<2x128xi32, #tpu.memory_space<vmem>>, vector<1x16xi32>,
    %get3A_292 = arith.constant 1 : i32
    %get3A_293 = arith.index_cast %get3A_292 : i32 to index
    %get3A_294 = arith.constant 64 : index
    %get3A_295 = tpu.vector_load %arg6[%get3A_293, %get3A_294] {strides = array<i32>} : memref<80x128xi32, #tpu.memory_space<vmem>>, vector<1x16xi32>,
    %get3A_296 = vector.shape_cast %get3A_295 : vector<1x16xi32> to vector<16xi32>
    %shift_right_arithmetic3A_297 = arith.constant 14 : i32
    %shift_right_arithmetic3A_298 = vector.broadcast %shift_right_arithmetic3A_297 : i32 to vector<16xi32>
    %shift_right_arithmetic3A_299 = arith.shrsi %get3A_296, %shift_right_arithmetic3A_298 : vector<16xi32>
    %swap3A_300 = arith.constant 1 : i32
    %swap3A_301 = arith.index_cast %swap3A_300 : i32 to index
    %swap3A_302 = arith.constant 64 : index
    %swap3A_303 = tpu.vector_load %arg7[%swap3A_301, %swap3A_302] {strides = array<i32>} : memref<2x128xi32, #tpu.memory_space<vmem>>, vector<1x16xi32>,
    %swap3A_304 = vector.shape_cast %swap3A_303 : vector<1x16xi32> to vector<16xi32>
    %swap3A_305 = vector.shape_cast %shift_right_arithmetic3A_299 : vector<16xi32> to vector<1x16xi32>
    tpu.vector_store %arg7[%swap3A_301, %swap3A_302], %swap3A_305 {strides = array<i32>} : memref<2x128xi32, #tpu.memory_space<vmem>>, vector<1x16xi32>,
    %and3A_306 = arith.constant 16383 : i32
    %and3A_307 = vector.broadcast %and3A_306 : i32 to vector<16xi32>
    %and3A_308 = arith.andi %get3A_296, %and3A_307 : vector<16xi32>
    %swap3A_309 = arith.constant 1 : i32
    %swap3A_310 = arith.index_cast %swap3A_309 : i32 to index
    %swap3A_311 = arith.constant 64 : index
    %swap3A_312 = tpu.vector_load %arg8[%swap3A_310, %swap3A_311] {strides = array<i32>} : memref<2x128xi32, #tpu.memory_space<vmem>>, vector<1x16xi32>,
    %swap3A_313 = vector.shape_cast %swap3A_312 : vector<1x16xi32> to vector<16xi32>
    %swap3A_314 = vector.shape_cast %and3A_308 : vector<16xi32> to vector<1x16xi32>
    tpu.vector_store %arg8[%swap3A_310, %swap3A_311], %swap3A_314 {strides = array<i32>} : memref<2x128xi32, #tpu.memory_space<vmem>>, vector<1x16xi32>,
    %get3A_315 = arith.constant 1 : i32
    %get3A_316 = arith.index_cast %get3A_315 : i32 to index
    %get3A_317 = arith.constant 80 : index
    %get3A_318 = tpu.vector_load %arg6[%get3A_316, %get3A_317] {strides = array<i32>} : memref<80x128xi32, #tpu.memory_space<vmem>>, vector<1x16xi32>,
    %get3A_319 = vector.shape_cast %get3A_318 : vector<1x16xi32> to vector<16xi32>
    %shift_right_arithmetic3A_320 = arith.constant 14 : i32
    %shift_right_arithmetic3A_321 = vector.broadcast %shift_right_arithmetic3A_320 : i32 to vector<16xi32>
    %shift_right_arithmetic3A_322 = arith.shrsi %get3A_319, %shift_right_arithmetic3A_321 : vector<16xi32>
    %swap3A_323 = arith.constant 1 : i32
    %swap3A_324 = arith.index_cast %swap3A_323 : i32 to index
    %swap3A_325 = arith.constant 80 : index
    %swap3A_326 = tpu.vector_load %arg7[%swap3A_324, %swap3A_325] {strides = array<i32>} : memref<2x128xi32, #tpu.memory_space<vmem>>, vector<1x16xi32>,
    %swap3A_327 = vector.shape_cast %swap3A_326 : vector<1x16xi32> to vector<16xi32>
    %swap3A_328 = vector.shape_cast %shift_right_arithmetic3A_322 : vector<16xi32> to vector<1x16xi32>
    tpu.vector_store %arg7[%swap3A_324, %swap3A_325], %swap3A_328 {strides = array<i32>} : memref<2x128xi32, #tpu.memory_space<vmem>>, vector<1x16xi32>,
    %and3A_329 = arith.constant 16383 : i32
    %and3A_330 = vector.broadcast %and3A_329 : i32 to vector<16xi32>
    %and3A_331 = arith.andi %get3A_319, %and3A_330 : vector<16xi32>
    %swap3A_332 = arith.constant 1 : i32
    %swap3A_333 = arith.index_cast %swap3A_332 : i32 to index
    %swap3A_334 = arith.constant 80 : index
    %swap3A_335 = tpu.vector_load %arg8[%swap3A_333, %swap3A_334] {strides = array<i32>} : memref<2x128xi32, #tpu.memory_space<vmem>>, vector<1x16xi32>,
    %swap3A_336 = vector.shape_cast %swap3A_335 : vector<1x16xi32> to vector<16xi32>
    %swap3A_337 = vector.shape_cast %and3A_331 : vector<16xi32> to vector<1x16xi32>
    tpu.vector_store %arg8[%swap3A_333, %swap3A_334], %swap3A_337 {strides = array<i32>} : memref<2x128xi32, #tpu.memory_space<vmem>>, vector<1x16xi32>,
    %get3A_338 = arith.constant 1 : i32
    %get3A_339 = arith.index_cast %get3A_338 : i32 to index
    %get3A_340 = arith.constant 96 : index
    %get3A_341 = tpu.vector_load %arg6[%get3A_339, %get3A_340] {strides = array<i32>} : memref<80x128xi32, #tpu.memory_space<vmem>>, vector<1x16xi32>,
    %get3A_342 = vector.shape_cast %get3A_341 : vector<1x16xi32> to vector<16xi32>
    %shift_right_arithmetic3A_343 = arith.constant 14 : i32
    %shift_right_arithmetic3A_344 = vector.broadcast %shift_right_arithmetic3A_343 : i32 to vector<16xi32>
    %shift_right_arithmetic3A_345 = arith.shrsi %get3A_342, %shift_right_arithmetic3A_344 : vector<16xi32>
    %swap3A_346 = arith.constant 1 : i32
    %swap3A_347 = arith.index_cast %swap3A_346 : i32 to index
    %swap3A_348 = arith.constant 96 : index
    %swap3A_349 = tpu.vector_load %arg7[%swap3A_347, %swap3A_348] {strides = array<i32>} : memref<2x128xi32, #tpu.memory_space<vmem>>, vector<1x16xi32>,
    %swap3A_350 = vector.shape_cast %swap3A_349 : vector<1x16xi32> to vector<16xi32>
    %swap3A_351 = vector.shape_cast %shift_right_arithmetic3A_345 : vector<16xi32> to vector<1x16xi32>
    tpu.vector_store %arg7[%swap3A_347, %swap3A_348], %swap3A_351 {strides = array<i32>} : memref<2x128xi32, #tpu.memory_space<vmem>>, vector<1x16xi32>,
    %and3A_352 = arith.constant 16383 : i32
    %and3A_353 = vector.broadcast %and3A_352 : i32 to vector<16xi32>
    %and3A_354 = arith.andi %get3A_342, %and3A_353 : vector<16xi32>
    %swap3A_355 = arith.constant 1 : i32
    %swap3A_356 = arith.index_cast %swap3A_355 : i32 to index
    %swap3A_357 = arith.constant 96 : index
    %swap3A_358 = tpu.vector_load %arg8[%swap3A_356, %swap3A_357] {strides = array<i32>} : memref<2x128xi32, #tpu.memory_space<vmem>>, vector<1x16xi32>,
    %swap3A_359 = vector.shape_cast %swap3A_358 : vector<1x16xi32> to vector<16xi32>
    %swap3A_360 = vector.shape_cast %and3A_354 : vector<16xi32> to vector<1x16xi32>
    tpu.vector_store %arg8[%swap3A_356, %swap3A_357], %swap3A_360 {strides = array<i32>} : memref<2x128xi32, #tpu.memory_space<vmem>>, vector<1x16xi32>,
    %get3A_361 = arith.constant 1 : i32
    %get3A_362 = arith.index_cast %get3A_361 : i32 to index
    %get3A_363 = arith.constant 112 : index
    %get3A_364 = tpu.vector_load %arg6[%get3A_362, %get3A_363] {strides = array<i32>} : memref<80x128xi32, #tpu.memory_space<vmem>>, vector<1x16xi32>,
    %get3A_365 = vector.shape_cast %get3A_364 : vector<1x16xi32> to vector<16xi32>
    %shift_right_arithmetic3A_366 = arith.constant 14 : i32
    %shift_right_arithmetic3A_367 = vector.broadcast %shift_right_arithmetic3A_366 : i32 to vector<16xi32>
    %shift_right_arithmetic3A_368 = arith.shrsi %get3A_365, %shift_right_arithmetic3A_367 : vector<16xi32>
    %swap3A_369 = arith.constant 1 : i32
    %swap3A_370 = arith.index_cast %swap3A_369 : i32 to index
    %swap3A_371 = arith.constant 112 : index
    %swap3A_372 = tpu.vector_load %arg7[%swap3A_370, %swap3A_371] {strides = array<i32>} : memref<2x128xi32, #tpu.memory_space<vmem>>, vector<1x16xi32>,
    %swap3A_373 = vector.shape_cast %swap3A_372 : vector<1x16xi32> to vector<16xi32>
    %swap3A_374 = vector.shape_cast %shift_right_arithmetic3A_368 : vector<16xi32> to vector<1x16xi32>
    tpu.vector_store %arg7[%swap3A_370, %swap3A_371], %swap3A_374 {strides = array<i32>} : memref<2x128xi32, #tpu.memory_space<vmem>>, vector<1x16xi32>,
    %and3A_375 = arith.constant 16383 : i32
    %and3A_376 = vector.broadcast %and3A_375 : i32 to vector<16xi32>
    %and3A_377 = arith.andi %get3A_365, %and3A_376 : vector<16xi32>
    %swap3A_378 = arith.constant 1 : i32
    %swap3A_379 = arith.index_cast %swap3A_378 : i32 to index
    %swap3A_380 = arith.constant 112 : index
    %swap3A_381 = tpu.vector_load %arg8[%swap3A_379, %swap3A_380] {strides = array<i32>} : memref<2x128xi32, #tpu.memory_space<vmem>>, vector<1x16xi32>,
    %swap3A_382 = vector.shape_cast %swap3A_381 : vector<1x16xi32> to vector<16xi32>
    %swap3A_383 = vector.shape_cast %and3A_377 : vector<16xi32> to vector<1x16xi32>
    tpu.vector_store %arg8[%swap3A_379, %swap3A_380], %swap3A_383 {strides = array<i32>} : memref<2x128xi32, #tpu.memory_space<vmem>>, vector<1x16xi32>,
    %dma_start3A_384 = arith.constant 1 : i32
    %dma_start3A_385 = arith.constant 0 : i32
    %dma_start3A_386 = tpu.memref_slice %arg7[%dma_start3A_384, %dma_start3A_385] : memref<2x128xi32, #tpu.memory_space<vmem>> -> memref<1x128xi32, #tpu.memory_space<vmem>>
    %dma_start3A_387 = tpu.memref_squeeze %dma_start3A_386 : memref<1x128xi32, #tpu.memory_space<vmem>> -> memref<128xi32, #tpu.memory_space<vmem>>
    %dma_start3A_388 = arith.constant 0 : i32
    %dma_start3A_389 = arith.constant 0 : i32
    %dma_start3A_390 = tpu.memref_slice %arg2[%dma_start3A_388, %dma_start3A_389] : memref<20000x128xf32, #tpu.memory_space<hbm>> -> memref<20000x128xf32, #tpu.memory_space<hbm>>
    tpu.enqueue_indirect_dma source(%dma_start3A_390 : memref<20000x128xf32, #tpu.memory_space<hbm>>) target(%arg10 : memref<128x128xf32, #tpu.memory_space<vmem>>) offsets(%dma_start3A_387 : memref<128xi32, #tpu.memory_space<vmem>>) semaphore(%arg12 : memref<!tpu.dma_semaphore, #tpu.memory_space<semaphore_mem>>)
    %dma_wait3A_391 = arith.constant 1 : i32
    %dma_wait3A_392 = arith.constant 0 : i32
    %dma_wait3A_393 = tpu.memref_slice %arg7[%dma_wait3A_391, %dma_wait3A_392] : memref<2x128xi32, #tpu.memory_space<vmem>> -> memref<1x128xi32, #tpu.memory_space<vmem>>
    %dma_wait3A_394 = tpu.memref_squeeze %dma_wait3A_393 : memref<1x128xi32, #tpu.memory_space<vmem>> -> memref<128xi32, #tpu.memory_space<vmem>>
    %dma_wait3A_395 = arith.constant 0 : i32
    %dma_wait3A_396 = arith.constant 0 : i32
    %dma_wait3A_397 = tpu.memref_slice %arg2[%dma_wait3A_395, %dma_wait3A_396] : memref<20000x128xf32, #tpu.memory_space<hbm>> -> memref<20000x128xf32, #tpu.memory_space<hbm>>
    tpu.wait_indirect_dma semaphore(%arg12 : memref<!tpu.dma_semaphore, #tpu.memory_space<semaphore_mem>>) src(%dma_wait3A_397 : memref<20000x128xf32, #tpu.memory_space<hbm>>) dst(%arg10 : memref<128x128xf32, #tpu.memory_space<vmem>>)
    %dma_start3A_398 = arith.constant 1 : i32
    %dma_start3A_399 = arith.constant 0 : i32
    %dma_start3A_400 = tpu.memref_slice %arg8[%dma_start3A_398, %dma_start3A_399] : memref<2x128xi32, #tpu.memory_space<vmem>> -> memref<1x128xi32, #tpu.memory_space<vmem>>
    %dma_start3A_401 = tpu.memref_squeeze %dma_start3A_400 : memref<1x128xi32, #tpu.memory_space<vmem>> -> memref<128xi32, #tpu.memory_space<vmem>>
    %dma_start3A_402 = arith.constant 0 : i32
    %dma_start3A_403 = arith.constant 0 : i32
    %dma_start3A_404 = tpu.memref_slice %arg11[%dma_start3A_402, %dma_start3A_403] : memref<10112x128xf32, #tpu.memory_space<vmem_shared>> -> memref<10112x128xf32, #tpu.memory_space<vmem_shared>>
    tpu.enqueue_indirect_dma source(%arg10 : memref<128x128xf32, #tpu.memory_space<vmem>>) target(%dma_start3A_404 : memref<10112x128xf32, #tpu.memory_space<vmem_shared>>) offsets(%dma_start3A_401 : memref<128xi32, #tpu.memory_space<vmem>>) semaphore(%arg14 : memref<!tpu.dma_semaphore, #tpu.memory_space<semaphore_mem>>) {add = true}
    %scan3A = arith.constant 0 : i32
    %scan3A_405 = arith.constant 1 : i32
    %scan3A_406 = arith.constant 39 : i32
    %scan3A_407 = arith.addi %scan3A_405, %scan3A_406 : i32
    %scan3A_408 = arith.constant 1 : i32
    scf.for %scan3A_431 = %scan3A_405 to %scan3A_407 step %scan3A_408  : i32 {
      %mul3A_432 = arith.constant 2 : i32
      %mul3A_433 = arith.muli %mul3A_432, %scan3A_431 : i32
      %dma_wait3A_434 = arith.constant 0 : i32
      %dma_wait3A_435 = arith.constant 0 : i32
      %dma_wait3A_436 = tpu.memref_slice %arg8[%dma_wait3A_434, %dma_wait3A_435] : memref<2x128xi32, #tpu.memory_space<vmem>> -> memref<1x128xi32, #tpu.memory_space<vmem>>
      %dma_wait3A_437 = tpu.memref_squeeze %dma_wait3A_436 : memref<1x128xi32, #tpu.memory_space<vmem>> -> memref<128xi32, #tpu.memory_space<vmem>>
      %dma_wait3A_438 = arith.constant 0 : i32
      %dma_wait3A_439 = arith.constant 0 : i32
      %dma_wait3A_440 = tpu.memref_slice %arg11[%dma_wait3A_438, %dma_wait3A_439] : memref<10112x128xf32, #tpu.memory_space<vmem_shared>> -> memref<10112x128xf32, #tpu.memory_space<vmem_shared>>
      tpu.wait_indirect_dma semaphore(%arg13 : memref<!tpu.dma_semaphore, #tpu.memory_space<semaphore_mem>>) src(%arg9 : memref<128x128xf32, #tpu.memory_space<vmem>>) dst(%dma_wait3A_440 : memref<10112x128xf32, #tpu.memory_space<vmem_shared>>)
      %get3A_441 = arith.index_cast %mul3A_433 : i32 to index
      %get3A_442 = arith.constant 0 : index
      %get3A_443 = tpu.vector_load %arg6[%get3A_441, %get3A_442] {strides = array<i32>} : memref<80x128xi32, #tpu.memory_space<vmem>>, vector<1x16xi32>,
      %get3A_444 = vector.shape_cast %get3A_443 : vector<1x16xi32> to vector<16xi32>
      %shift_right_arithmetic3A_445 = arith.constant 14 : i32
      %shift_right_arithmetic3A_446 = vector.broadcast %shift_right_arithmetic3A_445 : i32 to vector<16xi32>
      %shift_right_arithmetic3A_447 = arith.shrsi %get3A_444, %shift_right_arithmetic3A_446 : vector<16xi32>
      %swap3A_448 = arith.constant 0 : i32
      %swap3A_449 = arith.index_cast %swap3A_448 : i32 to index
      %swap3A_450 = arith.constant 0 : index
      %swap3A_451 = tpu.vector_load %arg7[%swap3A_449, %swap3A_450] {strides = array<i32>} : memref<2x128xi32, #tpu.memory_space<vmem>>, vector<1x16xi32>,
      %swap3A_452 = vector.shape_cast %swap3A_451 : vector<1x16xi32> to vector<16xi32>
      %swap3A_453 = vector.shape_cast %shift_right_arithmetic3A_447 : vector<16xi32> to vector<1x16xi32>
      tpu.vector_store %arg7[%swap3A_449, %swap3A_450], %swap3A_453 {strides = array<i32>} : memref<2x128xi32, #tpu.memory_space<vmem>>, vector<1x16xi32>,
      %and3A_454 = arith.constant 16383 : i32
      %and3A_455 = vector.broadcast %and3A_454 : i32 to vector<16xi32>
      %and3A_456 = arith.andi %get3A_444, %and3A_455 : vector<16xi32>
      %swap3A_457 = arith.constant 0 : i32
      %swap3A_458 = arith.index_cast %swap3A_457 : i32 to index
      %swap3A_459 = arith.constant 0 : index
      %swap3A_460 = tpu.vector_load %arg8[%swap3A_458, %swap3A_459] {strides = array<i32>} : memref<2x128xi32, #tpu.memory_space<vmem>>, vector<1x16xi32>,
      %swap3A_461 = vector.shape_cast %swap3A_460 : vector<1x16xi32> to vector<16xi32>
      %swap3A_462 = vector.shape_cast %and3A_456 : vector<16xi32> to vector<1x16xi32>
      tpu.vector_store %arg8[%swap3A_458, %swap3A_459], %swap3A_462 {strides = array<i32>} : memref<2x128xi32, #tpu.memory_space<vmem>>, vector<1x16xi32>,
      %get3A_463 = arith.index_cast %mul3A_433 : i32 to index
      %get3A_464 = arith.constant 16 : index
      %get3A_465 = tpu.vector_load %arg6[%get3A_463, %get3A_464] {strides = array<i32>} : memref<80x128xi32, #tpu.memory_space<vmem>>, vector<1x16xi32>,
      %get3A_466 = vector.shape_cast %get3A_465 : vector<1x16xi32> to vector<16xi32>
      %shift_right_arithmetic3A_467 = arith.constant 14 : i32
      %shift_right_arithmetic3A_468 = vector.broadcast %shift_right_arithmetic3A_467 : i32 to vector<16xi32>
      %shift_right_arithmetic3A_469 = arith.shrsi %get3A_466, %shift_right_arithmetic3A_468 : vector<16xi32>
      %swap3A_470 = arith.constant 0 : i32
      %swap3A_471 = arith.index_cast %swap3A_470 : i32 to index
      %swap3A_472 = arith.constant 16 : index
      %swap3A_473 = tpu.vector_load %arg7[%swap3A_471, %swap3A_472] {strides = array<i32>} : memref<2x128xi32, #tpu.memory_space<vmem>>, vector<1x16xi32>,
      %swap3A_474 = vector.shape_cast %swap3A_473 : vector<1x16xi32> to vector<16xi32>
      %swap3A_475 = vector.shape_cast %shift_right_arithmetic3A_469 : vector<16xi32> to vector<1x16xi32>
      tpu.vector_store %arg7[%swap3A_471, %swap3A_472], %swap3A_475 {strides = array<i32>} : memref<2x128xi32, #tpu.memory_space<vmem>>, vector<1x16xi32>,
      %and3A_476 = arith.constant 16383 : i32
      %and3A_477 = vector.broadcast %and3A_476 : i32 to vector<16xi32>
      %and3A_478 = arith.andi %get3A_466, %and3A_477 : vector<16xi32>
      %swap3A_479 = arith.constant 0 : i32
      %swap3A_480 = arith.index_cast %swap3A_479 : i32 to index
      %swap3A_481 = arith.constant 16 : index
      %swap3A_482 = tpu.vector_load %arg8[%swap3A_480, %swap3A_481] {strides = array<i32>} : memref<2x128xi32, #tpu.memory_space<vmem>>, vector<1x16xi32>,
      %swap3A_483 = vector.shape_cast %swap3A_482 : vector<1x16xi32> to vector<16xi32>
      %swap3A_484 = vector.shape_cast %and3A_478 : vector<16xi32> to vector<1x16xi32>
      tpu.vector_store %arg8[%swap3A_480, %swap3A_481], %swap3A_484 {strides = array<i32>} : memref<2x128xi32, #tpu.memory_space<vmem>>, vector<1x16xi32>,
      %get3A_485 = arith.index_cast %mul3A_433 : i32 to index
      %get3A_486 = arith.constant 32 : index
      %get3A_487 = tpu.vector_load %arg6[%get3A_485, %get3A_486] {strides = array<i32>} : memref<80x128xi32, #tpu.memory_space<vmem>>, vector<1x16xi32>,
      %get3A_488 = vector.shape_cast %get3A_487 : vector<1x16xi32> to vector<16xi32>
      %shift_right_arithmetic3A_489 = arith.constant 14 : i32
      %shift_right_arithmetic3A_490 = vector.broadcast %shift_right_arithmetic3A_489 : i32 to vector<16xi32>
      %shift_right_arithmetic3A_491 = arith.shrsi %get3A_488, %shift_right_arithmetic3A_490 : vector<16xi32>
      %swap3A_492 = arith.constant 0 : i32
      %swap3A_493 = arith.index_cast %swap3A_492 : i32 to index
      %swap3A_494 = arith.constant 32 : index
      %swap3A_495 = tpu.vector_load %arg7[%swap3A_493, %swap3A_494] {strides = array<i32>} : memref<2x128xi32, #tpu.memory_space<vmem>>, vector<1x16xi32>,
      %swap3A_496 = vector.shape_cast %swap3A_495 : vector<1x16xi32> to vector<16xi32>
      %swap3A_497 = vector.shape_cast %shift_right_arithmetic3A_491 : vector<16xi32> to vector<1x16xi32>
      tpu.vector_store %arg7[%swap3A_493, %swap3A_494], %swap3A_497 {strides = array<i32>} : memref<2x128xi32, #tpu.memory_space<vmem>>, vector<1x16xi32>,
      %and3A_498 = arith.constant 16383 : i32
      %and3A_499 = vector.broadcast %and3A_498 : i32 to vector<16xi32>
      %and3A_500 = arith.andi %get3A_488, %and3A_499 : vector<16xi32>
      %swap3A_501 = arith.constant 0 : i32
      %swap3A_502 = arith.index_cast %swap3A_501 : i32 to index
      %swap3A_503 = arith.constant 32 : index
      %swap3A_504 = tpu.vector_load %arg8[%swap3A_502, %swap3A_503] {strides = array<i32>} : memref<2x128xi32, #tpu.memory_space<vmem>>, vector<1x16xi32>,
      %swap3A_505 = vector.shape_cast %swap3A_504 : vector<1x16xi32> to vector<16xi32>
      %swap3A_506 = vector.shape_cast %and3A_500 : vector<16xi32> to vector<1x16xi32>
      tpu.vector_store %arg8[%swap3A_502, %swap3A_503], %swap3A_506 {strides = array<i32>} : memref<2x128xi32, #tpu.memory_space<vmem>>, vector<1x16xi32>,
      %get3A_507 = arith.index_cast %mul3A_433 : i32 to index
      %get3A_508 = arith.constant 48 : index
      %get3A_509 = tpu.vector_load %arg6[%get3A_507, %get3A_508] {strides = array<i32>} : memref<80x128xi32, #tpu.memory_space<vmem>>, vector<1x16xi32>,
      %get3A_510 = vector.shape_cast %get3A_509 : vector<1x16xi32> to vector<16xi32>
      %shift_right_arithmetic3A_511 = arith.constant 14 : i32
      %shift_right_arithmetic3A_512 = vector.broadcast %shift_right_arithmetic3A_511 : i32 to vector<16xi32>
      %shift_right_arithmetic3A_513 = arith.shrsi %get3A_510, %shift_right_arithmetic3A_512 : vector<16xi32>
      %swap3A_514 = arith.constant 0 : i32
      %swap3A_515 = arith.index_cast %swap3A_514 : i32 to index
      %swap3A_516 = arith.constant 48 : index
      %swap3A_517 = tpu.vector_load %arg7[%swap3A_515, %swap3A_516] {strides = array<i32>} : memref<2x128xi32, #tpu.memory_space<vmem>>, vector<1x16xi32>,
      %swap3A_518 = vector.shape_cast %swap3A_517 : vector<1x16xi32> to vector<16xi32>
      %swap3A_519 = vector.shape_cast %shift_right_arithmetic3A_513 : vector<16xi32> to vector<1x16xi32>
      tpu.vector_store %arg7[%swap3A_515, %swap3A_516], %swap3A_519 {strides = array<i32>} : memref<2x128xi32, #tpu.memory_space<vmem>>, vector<1x16xi32>,
      %and3A_520 = arith.constant 16383 : i32
      %and3A_521 = vector.broadcast %and3A_520 : i32 to vector<16xi32>
      %and3A_522 = arith.andi %get3A_510, %and3A_521 : vector<16xi32>
      %swap3A_523 = arith.constant 0 : i32
      %swap3A_524 = arith.index_cast %swap3A_523 : i32 to index
      %swap3A_525 = arith.constant 48 : index
      %swap3A_526 = tpu.vector_load %arg8[%swap3A_524, %swap3A_525] {strides = array<i32>} : memref<2x128xi32, #tpu.memory_space<vmem>>, vector<1x16xi32>,
      %swap3A_527 = vector.shape_cast %swap3A_526 : vector<1x16xi32> to vector<16xi32>
      %swap3A_528 = vector.shape_cast %and3A_522 : vector<16xi32> to vector<1x16xi32>
      tpu.vector_store %arg8[%swap3A_524, %swap3A_525], %swap3A_528 {strides = array<i32>} : memref<2x128xi32, #tpu.memory_space<vmem>>, vector<1x16xi32>,
      %get3A_529 = arith.index_cast %mul3A_433 : i32 to index
      %get3A_530 = arith.constant 64 : index
      %get3A_531 = tpu.vector_load %arg6[%get3A_529, %get3A_530] {strides = array<i32>} : memref<80x128xi32, #tpu.memory_space<vmem>>, vector<1x16xi32>,
      %get3A_532 = vector.shape_cast %get3A_531 : vector<1x16xi32> to vector<16xi32>
      %shift_right_arithmetic3A_533 = arith.constant 14 : i32
      %shift_right_arithmetic3A_534 = vector.broadcast %shift_right_arithmetic3A_533 : i32 to vector<16xi32>
      %shift_right_arithmetic3A_535 = arith.shrsi %get3A_532, %shift_right_arithmetic3A_534 : vector<16xi32>
      %swap3A_536 = arith.constant 0 : i32
      %swap3A_537 = arith.index_cast %swap3A_536 : i32 to index
      %swap3A_538 = arith.constant 64 : index
      %swap3A_539 = tpu.vector_load %arg7[%swap3A_537, %swap3A_538] {strides = array<i32>} : memref<2x128xi32, #tpu.memory_space<vmem>>, vector<1x16xi32>,
      %swap3A_540 = vector.shape_cast %swap3A_539 : vector<1x16xi32> to vector<16xi32>
      %swap3A_541 = vector.shape_cast %shift_right_arithmetic3A_535 : vector<16xi32> to vector<1x16xi32>
      tpu.vector_store %arg7[%swap3A_537, %swap3A_538], %swap3A_541 {strides = array<i32>} : memref<2x128xi32, #tpu.memory_space<vmem>>, vector<1x16xi32>,
      %and3A_542 = arith.constant 16383 : i32
      %and3A_543 = vector.broadcast %and3A_542 : i32 to vector<16xi32>
      %and3A_544 = arith.andi %get3A_532, %and3A_543 : vector<16xi32>
      %swap3A_545 = arith.constant 0 : i32
      %swap3A_546 = arith.index_cast %swap3A_545 : i32 to index
      %swap3A_547 = arith.constant 64 : index
      %swap3A_548 = tpu.vector_load %arg8[%swap3A_546, %swap3A_547] {strides = array<i32>} : memref<2x128xi32, #tpu.memory_space<vmem>>, vector<1x16xi32>,
      %swap3A_549 = vector.shape_cast %swap3A_548 : vector<1x16xi32> to vector<16xi32>
      %swap3A_550 = vector.shape_cast %and3A_544 : vector<16xi32> to vector<1x16xi32>
      tpu.vector_store %arg8[%swap3A_546, %swap3A_547], %swap3A_550 {strides = array<i32>} : memref<2x128xi32, #tpu.memory_space<vmem>>, vector<1x16xi32>,
      %get3A_551 = arith.index_cast %mul3A_433 : i32 to index
      %get3A_552 = arith.constant 80 : index
      %get3A_553 = tpu.vector_load %arg6[%get3A_551, %get3A_552] {strides = array<i32>} : memref<80x128xi32, #tpu.memory_space<vmem>>, vector<1x16xi32>,
      %get3A_554 = vector.shape_cast %get3A_553 : vector<1x16xi32> to vector<16xi32>
      %shift_right_arithmetic3A_555 = arith.constant 14 : i32
      %shift_right_arithmetic3A_556 = vector.broadcast %shift_right_arithmetic3A_555 : i32 to vector<16xi32>
      %shift_right_arithmetic3A_557 = arith.shrsi %get3A_554, %shift_right_arithmetic3A_556 : vector<16xi32>
      %swap3A_558 = arith.constant 0 : i32
      %swap3A_559 = arith.index_cast %swap3A_558 : i32 to index
      %swap3A_560 = arith.constant 80 : index
      %swap3A_561 = tpu.vector_load %arg7[%swap3A_559, %swap3A_560] {strides = array<i32>} : memref<2x128xi32, #tpu.memory_space<vmem>>, vector<1x16xi32>,
      %swap3A_562 = vector.shape_cast %swap3A_561 : vector<1x16xi32> to vector<16xi32>
      %swap3A_563 = vector.shape_cast %shift_right_arithmetic3A_557 : vector<16xi32> to vector<1x16xi32>
      tpu.vector_store %arg7[%swap3A_559, %swap3A_560], %swap3A_563 {strides = array<i32>} : memref<2x128xi32, #tpu.memory_space<vmem>>, vector<1x16xi32>,
      %and3A_564 = arith.constant 16383 : i32
      %and3A_565 = vector.broadcast %and3A_564 : i32 to vector<16xi32>
      %and3A_566 = arith.andi %get3A_554, %and3A_565 : vector<16xi32>
      %swap3A_567 = arith.constant 0 : i32
      %swap3A_568 = arith.index_cast %swap3A_567 : i32 to index
      %swap3A_569 = arith.constant 80 : index
      %swap3A_570 = tpu.vector_load %arg8[%swap3A_568, %swap3A_569] {strides = array<i32>} : memref<2x128xi32, #tpu.memory_space<vmem>>, vector<1x16xi32>,
      %swap3A_571 = vector.shape_cast %swap3A_570 : vector<1x16xi32> to vector<16xi32>
      %swap3A_572 = vector.shape_cast %and3A_566 : vector<16xi32> to vector<1x16xi32>
      tpu.vector_store %arg8[%swap3A_568, %swap3A_569], %swap3A_572 {strides = array<i32>} : memref<2x128xi32, #tpu.memory_space<vmem>>, vector<1x16xi32>,
      %get3A_573 = arith.index_cast %mul3A_433 : i32 to index
      %get3A_574 = arith.constant 96 : index
      %get3A_575 = tpu.vector_load %arg6[%get3A_573, %get3A_574] {strides = array<i32>} : memref<80x128xi32, #tpu.memory_space<vmem>>, vector<1x16xi32>,
      %get3A_576 = vector.shape_cast %get3A_575 : vector<1x16xi32> to vector<16xi32>
      %shift_right_arithmetic3A_577 = arith.constant 14 : i32
      %shift_right_arithmetic3A_578 = vector.broadcast %shift_right_arithmetic3A_577 : i32 to vector<16xi32>
      %shift_right_arithmetic3A_579 = arith.shrsi %get3A_576, %shift_right_arithmetic3A_578 : vector<16xi32>
      %swap3A_580 = arith.constant 0 : i32
      %swap3A_581 = arith.index_cast %swap3A_580 : i32 to index
      %swap3A_582 = arith.constant 96 : index
      %swap3A_583 = tpu.vector_load %arg7[%swap3A_581, %swap3A_582] {strides = array<i32>} : memref<2x128xi32, #tpu.memory_space<vmem>>, vector<1x16xi32>,
      %swap3A_584 = vector.shape_cast %swap3A_583 : vector<1x16xi32> to vector<16xi32>
      %swap3A_585 = vector.shape_cast %shift_right_arithmetic3A_579 : vector<16xi32> to vector<1x16xi32>
      tpu.vector_store %arg7[%swap3A_581, %swap3A_582], %swap3A_585 {strides = array<i32>} : memref<2x128xi32, #tpu.memory_space<vmem>>, vector<1x16xi32>,
      %and3A_586 = arith.constant 16383 : i32
      %and3A_587 = vector.broadcast %and3A_586 : i32 to vector<16xi32>
      %and3A_588 = arith.andi %get3A_576, %and3A_587 : vector<16xi32>
      %swap3A_589 = arith.constant 0 : i32
      %swap3A_590 = arith.index_cast %swap3A_589 : i32 to index
      %swap3A_591 = arith.constant 96 : index
      %swap3A_592 = tpu.vector_load %arg8[%swap3A_590, %swap3A_591] {strides = array<i32>} : memref<2x128xi32, #tpu.memory_space<vmem>>, vector<1x16xi32>,
      %swap3A_593 = vector.shape_cast %swap3A_592 : vector<1x16xi32> to vector<16xi32>
      %swap3A_594 = vector.shape_cast %and3A_588 : vector<16xi32> to vector<1x16xi32>
      tpu.vector_store %arg8[%swap3A_590, %swap3A_591], %swap3A_594 {strides = array<i32>} : memref<2x128xi32, #tpu.memory_space<vmem>>, vector<1x16xi32>,
      %get3A_595 = arith.index_cast %mul3A_433 : i32 to index
      %get3A_596 = arith.constant 112 : index
      %get3A_597 = tpu.vector_load %arg6[%get3A_595, %get3A_596] {strides = array<i32>} : memref<80x128xi32, #tpu.memory_space<vmem>>, vector<1x16xi32>,
      %get3A_598 = vector.shape_cast %get3A_597 : vector<1x16xi32> to vector<16xi32>
      %shift_right_arithmetic3A_599 = arith.constant 14 : i32
      %shift_right_arithmetic3A_600 = vector.broadcast %shift_right_arithmetic3A_599 : i32 to vector<16xi32>
      %shift_right_arithmetic3A_601 = arith.shrsi %get3A_598, %shift_right_arithmetic3A_600 : vector<16xi32>
      %swap3A_602 = arith.constant 0 : i32
      %swap3A_603 = arith.index_cast %swap3A_602 : i32 to index
      %swap3A_604 = arith.constant 112 : index
      %swap3A_605 = tpu.vector_load %arg7[%swap3A_603, %swap3A_604] {strides = array<i32>} : memref<2x128xi32, #tpu.memory_space<vmem>>, vector<1x16xi32>,
      %swap3A_606 = vector.shape_cast %swap3A_605 : vector<1x16xi32> to vector<16xi32>
      %swap3A_607 = vector.shape_cast %shift_right_arithmetic3A_601 : vector<16xi32> to vector<1x16xi32>
      tpu.vector_store %arg7[%swap3A_603, %swap3A_604], %swap3A_607 {strides = array<i32>} : memref<2x128xi32, #tpu.memory_space<vmem>>, vector<1x16xi32>,
      %and3A_608 = arith.constant 16383 : i32
      %and3A_609 = vector.broadcast %and3A_608 : i32 to vector<16xi32>
      %and3A_610 = arith.andi %get3A_598, %and3A_609 : vector<16xi32>
      %swap3A_611 = arith.constant 0 : i32
      %swap3A_612 = arith.index_cast %swap3A_611 : i32 to index
      %swap3A_613 = arith.constant 112 : index
      %swap3A_614 = tpu.vector_load %arg8[%swap3A_612, %swap3A_613] {strides = array<i32>} : memref<2x128xi32, #tpu.memory_space<vmem>>, vector<1x16xi32>,
      %swap3A_615 = vector.shape_cast %swap3A_614 : vector<1x16xi32> to vector<16xi32>
      %swap3A_616 = vector.shape_cast %and3A_610 : vector<16xi32> to vector<1x16xi32>
      tpu.vector_store %arg8[%swap3A_612, %swap3A_613], %swap3A_616 {strides = array<i32>} : memref<2x128xi32, #tpu.memory_space<vmem>>, vector<1x16xi32>,
      %dma_start3A_617 = arith.constant 0 : i32
      %dma_start3A_618 = arith.constant 0 : i32
      %dma_start3A_619 = tpu.memref_slice %arg7[%dma_start3A_617, %dma_start3A_618] : memref<2x128xi32, #tpu.memory_space<vmem>> -> memref<1x128xi32, #tpu.memory_space<vmem>>
      %dma_start3A_620 = tpu.memref_squeeze %dma_start3A_619 : memref<1x128xi32, #tpu.memory_space<vmem>> -> memref<128xi32, #tpu.memory_space<vmem>>
      %dma_start3A_621 = arith.constant 0 : i32
      %dma_start3A_622 = arith.constant 0 : i32
      %dma_start3A_623 = tpu.memref_slice %arg2[%dma_start3A_621, %dma_start3A_622] : memref<20000x128xf32, #tpu.memory_space<hbm>> -> memref<20000x128xf32, #tpu.memory_space<hbm>>
      tpu.enqueue_indirect_dma source(%dma_start3A_623 : memref<20000x128xf32, #tpu.memory_space<hbm>>) target(%arg9 : memref<128x128xf32, #tpu.memory_space<vmem>>) offsets(%dma_start3A_620 : memref<128xi32, #tpu.memory_space<vmem>>) semaphore(%arg12 : memref<!tpu.dma_semaphore, #tpu.memory_space<semaphore_mem>>)
      %dma_wait3A_624 = arith.constant 0 : i32
      %dma_wait3A_625 = arith.constant 0 : i32
      %dma_wait3A_626 = tpu.memref_slice %arg7[%dma_wait3A_624, %dma_wait3A_625] : memref<2x128xi32, #tpu.memory_space<vmem>> -> memref<1x128xi32, #tpu.memory_space<vmem>>
      %dma_wait3A_627 = tpu.memref_squeeze %dma_wait3A_626 : memref<1x128xi32, #tpu.memory_space<vmem>> -> memref<128xi32, #tpu.memory_space<vmem>>
      %dma_wait3A_628 = arith.constant 0 : i32
      %dma_wait3A_629 = arith.constant 0 : i32
      %dma_wait3A_630 = tpu.memref_slice %arg2[%dma_wait3A_628, %dma_wait3A_629] : memref<20000x128xf32, #tpu.memory_space<hbm>> -> memref<20000x128xf32, #tpu.memory_space<hbm>>
      tpu.wait_indirect_dma semaphore(%arg12 : memref<!tpu.dma_semaphore, #tpu.memory_space<semaphore_mem>>) src(%dma_wait3A_630 : memref<20000x128xf32, #tpu.memory_space<hbm>>) dst(%arg9 : memref<128x128xf32, #tpu.memory_space<vmem>>)
      %dma_start3A_631 = arith.constant 0 : i32
      %dma_start3A_632 = arith.constant 0 : i32
      %dma_start3A_633 = tpu.memref_slice %arg8[%dma_start3A_631, %dma_start3A_632] : memref<2x128xi32, #tpu.memory_space<vmem>> -> memref<1x128xi32, #tpu.memory_space<vmem>>
      %dma_start3A_634 = tpu.memref_squeeze %dma_start3A_633 : memref<1x128xi32, #tpu.memory_space<vmem>> -> memref<128xi32, #tpu.memory_space<vmem>>
      %dma_start3A_635 = arith.constant 0 : i32
      %dma_start3A_636 = arith.constant 0 : i32
      %dma_start3A_637 = tpu.memref_slice %arg11[%dma_start3A_635, %dma_start3A_636] : memref<10112x128xf32, #tpu.memory_space<vmem_shared>> -> memref<10112x128xf32, #tpu.memory_space<vmem_shared>>
      tpu.enqueue_indirect_dma source(%arg9 : memref<128x128xf32, #tpu.memory_space<vmem>>) target(%dma_start3A_637 : memref<10112x128xf32, #tpu.memory_space<vmem_shared>>) offsets(%dma_start3A_634 : memref<128xi32, #tpu.memory_space<vmem>>) semaphore(%arg13 : memref<!tpu.dma_semaphore, #tpu.memory_space<semaphore_mem>>) {add = true}
      %dma_wait3A_638 = arith.constant 1 : i32
      %dma_wait3A_639 = arith.constant 0 : i32
      %dma_wait3A_640 = tpu.memref_slice %arg8[%dma_wait3A_638, %dma_wait3A_639] : memref<2x128xi32, #tpu.memory_space<vmem>> -> memref<1x128xi32, #tpu.memory_space<vmem>>
      %dma_wait3A_641 = tpu.memref_squeeze %dma_wait3A_640 : memref<1x128xi32, #tpu.memory_space<vmem>> -> memref<128xi32, #tpu.memory_space<vmem>>
      %dma_wait3A_642 = arith.constant 0 : i32
      %dma_wait3A_643 = arith.constant 0 : i32
      %dma_wait3A_644 = tpu.memref_slice %arg11[%dma_wait3A_642, %dma_wait3A_643] : memref<10112x128xf32, #tpu.memory_space<vmem_shared>> -> memref<10112x128xf32, #tpu.memory_space<vmem_shared>>
      tpu.wait_indirect_dma semaphore(%arg14 : memref<!tpu.dma_semaphore, #tpu.memory_space<semaphore_mem>>) src(%arg10 : memref<128x128xf32, #tpu.memory_space<vmem>>) dst(%dma_wait3A_644 : memref<10112x128xf32, #tpu.memory_space<vmem_shared>>)
      %add3A = arith.constant 1 : i32
      %add3A_645 = arith.addi %mul3A_433, %add3A : i32
      %get3A_646 = arith.index_cast %add3A_645 : i32 to index
      %get3A_647 = arith.constant 0 : index
      %get3A_648 = tpu.vector_load %arg6[%get3A_646, %get3A_647] {strides = array<i32>} : memref<80x128xi32, #tpu.memory_space<vmem>>, vector<1x16xi32>,
      %get3A_649 = vector.shape_cast %get3A_648 : vector<1x16xi32> to vector<16xi32>
      %shift_right_arithmetic3A_650 = arith.constant 14 : i32
      %shift_right_arithmetic3A_651 = vector.broadcast %shift_right_arithmetic3A_650 : i32 to vector<16xi32>
      %shift_right_arithmetic3A_652 = arith.shrsi %get3A_649, %shift_right_arithmetic3A_651 : vector<16xi32>
      %swap3A_653 = arith.constant 1 : i32
      %swap3A_654 = arith.index_cast %swap3A_653 : i32 to index
      %swap3A_655 = arith.constant 0 : index
      %swap3A_656 = tpu.vector_load %arg7[%swap3A_654, %swap3A_655] {strides = array<i32>} : memref<2x128xi32, #tpu.memory_space<vmem>>, vector<1x16xi32>,
      %swap3A_657 = vector.shape_cast %swap3A_656 : vector<1x16xi32> to vector<16xi32>
      %swap3A_658 = vector.shape_cast %shift_right_arithmetic3A_652 : vector<16xi32> to vector<1x16xi32>
      tpu.vector_store %arg7[%swap3A_654, %swap3A_655], %swap3A_658 {strides = array<i32>} : memref<2x128xi32, #tpu.memory_space<vmem>>, vector<1x16xi32>,
      %and3A_659 = arith.constant 16383 : i32
      %and3A_660 = vector.broadcast %and3A_659 : i32 to vector<16xi32>
      %and3A_661 = arith.andi %get3A_649, %and3A_660 : vector<16xi32>
      %swap3A_662 = arith.constant 1 : i32
      %swap3A_663 = arith.index_cast %swap3A_662 : i32 to index
      %swap3A_664 = arith.constant 0 : index
      %swap3A_665 = tpu.vector_load %arg8[%swap3A_663, %swap3A_664] {strides = array<i32>} : memref<2x128xi32, #tpu.memory_space<vmem>>, vector<1x16xi32>,
      %swap3A_666 = vector.shape_cast %swap3A_665 : vector<1x16xi32> to vector<16xi32>
      %swap3A_667 = vector.shape_cast %and3A_661 : vector<16xi32> to vector<1x16xi32>
      tpu.vector_store %arg8[%swap3A_663, %swap3A_664], %swap3A_667 {strides = array<i32>} : memref<2x128xi32, #tpu.memory_space<vmem>>, vector<1x16xi32>,
      %get3A_668 = arith.index_cast %add3A_645 : i32 to index
      %get3A_669 = arith.constant 16 : index
      %get3A_670 = tpu.vector_load %arg6[%get3A_668, %get3A_669] {strides = array<i32>} : memref<80x128xi32, #tpu.memory_space<vmem>>, vector<1x16xi32>,
      %get3A_671 = vector.shape_cast %get3A_670 : vector<1x16xi32> to vector<16xi32>
      %shift_right_arithmetic3A_672 = arith.constant 14 : i32
      %shift_right_arithmetic3A_673 = vector.broadcast %shift_right_arithmetic3A_672 : i32 to vector<16xi32>
      %shift_right_arithmetic3A_674 = arith.shrsi %get3A_671, %shift_right_arithmetic3A_673 : vector<16xi32>
      %swap3A_675 = arith.constant 1 : i32
      %swap3A_676 = arith.index_cast %swap3A_675 : i32 to index
      %swap3A_677 = arith.constant 16 : index
      %swap3A_678 = tpu.vector_load %arg7[%swap3A_676, %swap3A_677] {strides = array<i32>} : memref<2x128xi32, #tpu.memory_space<vmem>>, vector<1x16xi32>,
      %swap3A_679 = vector.shape_cast %swap3A_678 : vector<1x16xi32> to vector<16xi32>
      %swap3A_680 = vector.shape_cast %shift_right_arithmetic3A_674 : vector<16xi32> to vector<1x16xi32>
      tpu.vector_store %arg7[%swap3A_676, %swap3A_677], %swap3A_680 {strides = array<i32>} : memref<2x128xi32, #tpu.memory_space<vmem>>, vector<1x16xi32>,
      %and3A_681 = arith.constant 16383 : i32
      %and3A_682 = vector.broadcast %and3A_681 : i32 to vector<16xi32>
      %and3A_683 = arith.andi %get3A_671, %and3A_682 : vector<16xi32>
      %swap3A_684 = arith.constant 1 : i32
      %swap3A_685 = arith.index_cast %swap3A_684 : i32 to index
      %swap3A_686 = arith.constant 16 : index
      %swap3A_687 = tpu.vector_load %arg8[%swap3A_685, %swap3A_686] {strides = array<i32>} : memref<2x128xi32, #tpu.memory_space<vmem>>, vector<1x16xi32>,
      %swap3A_688 = vector.shape_cast %swap3A_687 : vector<1x16xi32> to vector<16xi32>
      %swap3A_689 = vector.shape_cast %and3A_683 : vector<16xi32> to vector<1x16xi32>
      tpu.vector_store %arg8[%swap3A_685, %swap3A_686], %swap3A_689 {strides = array<i32>} : memref<2x128xi32, #tpu.memory_space<vmem>>, vector<1x16xi32>,
      %get3A_690 = arith.index_cast %add3A_645 : i32 to index
      %get3A_691 = arith.constant 32 : index
      %get3A_692 = tpu.vector_load %arg6[%get3A_690, %get3A_691] {strides = array<i32>} : memref<80x128xi32, #tpu.memory_space<vmem>>, vector<1x16xi32>,
      %get3A_693 = vector.shape_cast %get3A_692 : vector<1x16xi32> to vector<16xi32>
      %shift_right_arithmetic3A_694 = arith.constant 14 : i32
      %shift_right_arithmetic3A_695 = vector.broadcast %shift_right_arithmetic3A_694 : i32 to vector<16xi32>
      %shift_right_arithmetic3A_696 = arith.shrsi %get3A_693, %shift_right_arithmetic3A_695 : vector<16xi32>
      %swap3A_697 = arith.constant 1 : i32
      %swap3A_698 = arith.index_cast %swap3A_697 : i32 to index
      %swap3A_699 = arith.constant 32 : index
      %swap3A_700 = tpu.vector_load %arg7[%swap3A_698, %swap3A_699] {strides = array<i32>} : memref<2x128xi32, #tpu.memory_space<vmem>>, vector<1x16xi32>,
      %swap3A_701 = vector.shape_cast %swap3A_700 : vector<1x16xi32> to vector<16xi32>
      %swap3A_702 = vector.shape_cast %shift_right_arithmetic3A_696 : vector<16xi32> to vector<1x16xi32>
      tpu.vector_store %arg7[%swap3A_698, %swap3A_699], %swap3A_702 {strides = array<i32>} : memref<2x128xi32, #tpu.memory_space<vmem>>, vector<1x16xi32>,
      %and3A_703 = arith.constant 16383 : i32
      %and3A_704 = vector.broadcast %and3A_703 : i32 to vector<16xi32>
      %and3A_705 = arith.andi %get3A_693, %and3A_704 : vector<16xi32>
      %swap3A_706 = arith.constant 1 : i32
      %swap3A_707 = arith.index_cast %swap3A_706 : i32 to index
      %swap3A_708 = arith.constant 32 : index
      %swap3A_709 = tpu.vector_load %arg8[%swap3A_707, %swap3A_708] {strides = array<i32>} : memref<2x128xi32, #tpu.memory_space<vmem>>, vector<1x16xi32>,
      %swap3A_710 = vector.shape_cast %swap3A_709 : vector<1x16xi32> to vector<16xi32>
      %swap3A_711 = vector.shape_cast %and3A_705 : vector<16xi32> to vector<1x16xi32>
      tpu.vector_store %arg8[%swap3A_707, %swap3A_708], %swap3A_711 {strides = array<i32>} : memref<2x128xi32, #tpu.memory_space<vmem>>, vector<1x16xi32>,
      %get3A_712 = arith.index_cast %add3A_645 : i32 to index
      %get3A_713 = arith.constant 48 : index
      %get3A_714 = tpu.vector_load %arg6[%get3A_712, %get3A_713] {strides = array<i32>} : memref<80x128xi32, #tpu.memory_space<vmem>>, vector<1x16xi32>,
      %get3A_715 = vector.shape_cast %get3A_714 : vector<1x16xi32> to vector<16xi32>
      %shift_right_arithmetic3A_716 = arith.constant 14 : i32
      %shift_right_arithmetic3A_717 = vector.broadcast %shift_right_arithmetic3A_716 : i32 to vector<16xi32>
      %shift_right_arithmetic3A_718 = arith.shrsi %get3A_715, %shift_right_arithmetic3A_717 : vector<16xi32>
      %swap3A_719 = arith.constant 1 : i32
      %swap3A_720 = arith.index_cast %swap3A_719 : i32 to index
      %swap3A_721 = arith.constant 48 : index
      %swap3A_722 = tpu.vector_load %arg7[%swap3A_720, %swap3A_721] {strides = array<i32>} : memref<2x128xi32, #tpu.memory_space<vmem>>, vector<1x16xi32>,
      %swap3A_723 = vector.shape_cast %swap3A_722 : vector<1x16xi32> to vector<16xi32>
      %swap3A_724 = vector.shape_cast %shift_right_arithmetic3A_718 : vector<16xi32> to vector<1x16xi32>
      tpu.vector_store %arg7[%swap3A_720, %swap3A_721], %swap3A_724 {strides = array<i32>} : memref<2x128xi32, #tpu.memory_space<vmem>>, vector<1x16xi32>,
      %and3A_725 = arith.constant 16383 : i32
      %and3A_726 = vector.broadcast %and3A_725 : i32 to vector<16xi32>
      %and3A_727 = arith.andi %get3A_715, %and3A_726 : vector<16xi32>
      %swap3A_728 = arith.constant 1 : i32
      %swap3A_729 = arith.index_cast %swap3A_728 : i32 to index
      %swap3A_730 = arith.constant 48 : index
      %swap3A_731 = tpu.vector_load %arg8[%swap3A_729, %swap3A_730] {strides = array<i32>} : memref<2x128xi32, #tpu.memory_space<vmem>>, vector<1x16xi32>,
      %swap3A_732 = vector.shape_cast %swap3A_731 : vector<1x16xi32> to vector<16xi32>
      %swap3A_733 = vector.shape_cast %and3A_727 : vector<16xi32> to vector<1x16xi32>
      tpu.vector_store %arg8[%swap3A_729, %swap3A_730], %swap3A_733 {strides = array<i32>} : memref<2x128xi32, #tpu.memory_space<vmem>>, vector<1x16xi32>,
      %get3A_734 = arith.index_cast %add3A_645 : i32 to index
      %get3A_735 = arith.constant 64 : index
      %get3A_736 = tpu.vector_load %arg6[%get3A_734, %get3A_735] {strides = array<i32>} : memref<80x128xi32, #tpu.memory_space<vmem>>, vector<1x16xi32>,
      %get3A_737 = vector.shape_cast %get3A_736 : vector<1x16xi32> to vector<16xi32>
      %shift_right_arithmetic3A_738 = arith.constant 14 : i32
      %shift_right_arithmetic3A_739 = vector.broadcast %shift_right_arithmetic3A_738 : i32 to vector<16xi32>
      %shift_right_arithmetic3A_740 = arith.shrsi %get3A_737, %shift_right_arithmetic3A_739 : vector<16xi32>
      %swap3A_741 = arith.constant 1 : i32
      %swap3A_742 = arith.index_cast %swap3A_741 : i32 to index
      %swap3A_743 = arith.constant 64 : index
      %swap3A_744 = tpu.vector_load %arg7[%swap3A_742, %swap3A_743] {strides = array<i32>} : memref<2x128xi32, #tpu.memory_space<vmem>>, vector<1x16xi32>,
      %swap3A_745 = vector.shape_cast %swap3A_744 : vector<1x16xi32> to vector<16xi32>
      %swap3A_746 = vector.shape_cast %shift_right_arithmetic3A_740 : vector<16xi32> to vector<1x16xi32>
      tpu.vector_store %arg7[%swap3A_742, %swap3A_743], %swap3A_746 {strides = array<i32>} : memref<2x128xi32, #tpu.memory_space<vmem>>, vector<1x16xi32>,
      %and3A_747 = arith.constant 16383 : i32
      %and3A_748 = vector.broadcast %and3A_747 : i32 to vector<16xi32>
      %and3A_749 = arith.andi %get3A_737, %and3A_748 : vector<16xi32>
      %swap3A_750 = arith.constant 1 : i32
      %swap3A_751 = arith.index_cast %swap3A_750 : i32 to index
      %swap3A_752 = arith.constant 64 : index
      %swap3A_753 = tpu.vector_load %arg8[%swap3A_751, %swap3A_752] {strides = array<i32>} : memref<2x128xi32, #tpu.memory_space<vmem>>, vector<1x16xi32>,
      %swap3A_754 = vector.shape_cast %swap3A_753 : vector<1x16xi32> to vector<16xi32>
      %swap3A_755 = vector.shape_cast %and3A_749 : vector<16xi32> to vector<1x16xi32>
      tpu.vector_store %arg8[%swap3A_751, %swap3A_752], %swap3A_755 {strides = array<i32>} : memref<2x128xi32, #tpu.memory_space<vmem>>, vector<1x16xi32>,
      %get3A_756 = arith.index_cast %add3A_645 : i32 to index
      %get3A_757 = arith.constant 80 : index
      %get3A_758 = tpu.vector_load %arg6[%get3A_756, %get3A_757] {strides = array<i32>} : memref<80x128xi32, #tpu.memory_space<vmem>>, vector<1x16xi32>,
      %get3A_759 = vector.shape_cast %get3A_758 : vector<1x16xi32> to vector<16xi32>
      %shift_right_arithmetic3A_760 = arith.constant 14 : i32
      %shift_right_arithmetic3A_761 = vector.broadcast %shift_right_arithmetic3A_760 : i32 to vector<16xi32>
      %shift_right_arithmetic3A_762 = arith.shrsi %get3A_759, %shift_right_arithmetic3A_761 : vector<16xi32>
      %swap3A_763 = arith.constant 1 : i32
      %swap3A_764 = arith.index_cast %swap3A_763 : i32 to index
      %swap3A_765 = arith.constant 80 : index
      %swap3A_766 = tpu.vector_load %arg7[%swap3A_764, %swap3A_765] {strides = array<i32>} : memref<2x128xi32, #tpu.memory_space<vmem>>, vector<1x16xi32>,
      %swap3A_767 = vector.shape_cast %swap3A_766 : vector<1x16xi32> to vector<16xi32>
      %swap3A_768 = vector.shape_cast %shift_right_arithmetic3A_762 : vector<16xi32> to vector<1x16xi32>
      tpu.vector_store %arg7[%swap3A_764, %swap3A_765], %swap3A_768 {strides = array<i32>} : memref<2x128xi32, #tpu.memory_space<vmem>>, vector<1x16xi32>,
      %and3A_769 = arith.constant 16383 : i32
      %and3A_770 = vector.broadcast %and3A_769 : i32 to vector<16xi32>
      %and3A_771 = arith.andi %get3A_759, %and3A_770 : vector<16xi32>
      %swap3A_772 = arith.constant 1 : i32
      %swap3A_773 = arith.index_cast %swap3A_772 : i32 to index
      %swap3A_774 = arith.constant 80 : index
      %swap3A_775 = tpu.vector_load %arg8[%swap3A_773, %swap3A_774] {strides = array<i32>} : memref<2x128xi32, #tpu.memory_space<vmem>>, vector<1x16xi32>,
      %swap3A_776 = vector.shape_cast %swap3A_775 : vector<1x16xi32> to vector<16xi32>
      %swap3A_777 = vector.shape_cast %and3A_771 : vector<16xi32> to vector<1x16xi32>
      tpu.vector_store %arg8[%swap3A_773, %swap3A_774], %swap3A_777 {strides = array<i32>} : memref<2x128xi32, #tpu.memory_space<vmem>>, vector<1x16xi32>,
      %get3A_778 = arith.index_cast %add3A_645 : i32 to index
      %get3A_779 = arith.constant 96 : index
      %get3A_780 = tpu.vector_load %arg6[%get3A_778, %get3A_779] {strides = array<i32>} : memref<80x128xi32, #tpu.memory_space<vmem>>, vector<1x16xi32>,
      %get3A_781 = vector.shape_cast %get3A_780 : vector<1x16xi32> to vector<16xi32>
      %shift_right_arithmetic3A_782 = arith.constant 14 : i32
      %shift_right_arithmetic3A_783 = vector.broadcast %shift_right_arithmetic3A_782 : i32 to vector<16xi32>
      %shift_right_arithmetic3A_784 = arith.shrsi %get3A_781, %shift_right_arithmetic3A_783 : vector<16xi32>
      %swap3A_785 = arith.constant 1 : i32
      %swap3A_786 = arith.index_cast %swap3A_785 : i32 to index
      %swap3A_787 = arith.constant 96 : index
      %swap3A_788 = tpu.vector_load %arg7[%swap3A_786, %swap3A_787] {strides = array<i32>} : memref<2x128xi32, #tpu.memory_space<vmem>>, vector<1x16xi32>,
      %swap3A_789 = vector.shape_cast %swap3A_788 : vector<1x16xi32> to vector<16xi32>
      %swap3A_790 = vector.shape_cast %shift_right_arithmetic3A_784 : vector<16xi32> to vector<1x16xi32>
      tpu.vector_store %arg7[%swap3A_786, %swap3A_787], %swap3A_790 {strides = array<i32>} : memref<2x128xi32, #tpu.memory_space<vmem>>, vector<1x16xi32>,
      %and3A_791 = arith.constant 16383 : i32
      %and3A_792 = vector.broadcast %and3A_791 : i32 to vector<16xi32>
      %and3A_793 = arith.andi %get3A_781, %and3A_792 : vector<16xi32>
      %swap3A_794 = arith.constant 1 : i32
      %swap3A_795 = arith.index_cast %swap3A_794 : i32 to index
      %swap3A_796 = arith.constant 96 : index
      %swap3A_797 = tpu.vector_load %arg8[%swap3A_795, %swap3A_796] {strides = array<i32>} : memref<2x128xi32, #tpu.memory_space<vmem>>, vector<1x16xi32>,
      %swap3A_798 = vector.shape_cast %swap3A_797 : vector<1x16xi32> to vector<16xi32>
      %swap3A_799 = vector.shape_cast %and3A_793 : vector<16xi32> to vector<1x16xi32>
      tpu.vector_store %arg8[%swap3A_795, %swap3A_796], %swap3A_799 {strides = array<i32>} : memref<2x128xi32, #tpu.memory_space<vmem>>, vector<1x16xi32>,
      %get3A_800 = arith.index_cast %add3A_645 : i32 to index
      %get3A_801 = arith.constant 112 : index
      %get3A_802 = tpu.vector_load %arg6[%get3A_800, %get3A_801] {strides = array<i32>} : memref<80x128xi32, #tpu.memory_space<vmem>>, vector<1x16xi32>,
      %get3A_803 = vector.shape_cast %get3A_802 : vector<1x16xi32> to vector<16xi32>
      %shift_right_arithmetic3A_804 = arith.constant 14 : i32
      %shift_right_arithmetic3A_805 = vector.broadcast %shift_right_arithmetic3A_804 : i32 to vector<16xi32>
      %shift_right_arithmetic3A_806 = arith.shrsi %get3A_803, %shift_right_arithmetic3A_805 : vector<16xi32>
      %swap3A_807 = arith.constant 1 : i32
      %swap3A_808 = arith.index_cast %swap3A_807 : i32 to index
      %swap3A_809 = arith.constant 112 : index
      %swap3A_810 = tpu.vector_load %arg7[%swap3A_808, %swap3A_809] {strides = array<i32>} : memref<2x128xi32, #tpu.memory_space<vmem>>, vector<1x16xi32>,
      %swap3A_811 = vector.shape_cast %swap3A_810 : vector<1x16xi32> to vector<16xi32>
      %swap3A_812 = vector.shape_cast %shift_right_arithmetic3A_806 : vector<16xi32> to vector<1x16xi32>
      tpu.vector_store %arg7[%swap3A_808, %swap3A_809], %swap3A_812 {strides = array<i32>} : memref<2x128xi32, #tpu.memory_space<vmem>>, vector<1x16xi32>,
      %and3A_813 = arith.constant 16383 : i32
      %and3A_814 = vector.broadcast %and3A_813 : i32 to vector<16xi32>
      %and3A_815 = arith.andi %get3A_803, %and3A_814 : vector<16xi32>
      %swap3A_816 = arith.constant 1 : i32
      %swap3A_817 = arith.index_cast %swap3A_816 : i32 to index
      %swap3A_818 = arith.constant 112 : index
      %swap3A_819 = tpu.vector_load %arg8[%swap3A_817, %swap3A_818] {strides = array<i32>} : memref<2x128xi32, #tpu.memory_space<vmem>>, vector<1x16xi32>,
      %swap3A_820 = vector.shape_cast %swap3A_819 : vector<1x16xi32> to vector<16xi32>
      %swap3A_821 = vector.shape_cast %and3A_815 : vector<16xi32> to vector<1x16xi32>
      tpu.vector_store %arg8[%swap3A_817, %swap3A_818], %swap3A_821 {strides = array<i32>} : memref<2x128xi32, #tpu.memory_space<vmem>>, vector<1x16xi32>,
      %dma_start3A_822 = arith.constant 1 : i32
      %dma_start3A_823 = arith.constant 0 : i32
      %dma_start3A_824 = tpu.memref_slice %arg7[%dma_start3A_822, %dma_start3A_823] : memref<2x128xi32, #tpu.memory_space<vmem>> -> memref<1x128xi32, #tpu.memory_space<vmem>>
      %dma_start3A_825 = tpu.memref_squeeze %dma_start3A_824 : memref<1x128xi32, #tpu.memory_space<vmem>> -> memref<128xi32, #tpu.memory_space<vmem>>
      %dma_start3A_826 = arith.constant 0 : i32
      %dma_start3A_827 = arith.constant 0 : i32
      %dma_start3A_828 = tpu.memref_slice %arg2[%dma_start3A_826, %dma_start3A_827] : memref<20000x128xf32, #tpu.memory_space<hbm>> -> memref<20000x128xf32, #tpu.memory_space<hbm>>
      tpu.enqueue_indirect_dma source(%dma_start3A_828 : memref<20000x128xf32, #tpu.memory_space<hbm>>) target(%arg10 : memref<128x128xf32, #tpu.memory_space<vmem>>) offsets(%dma_start3A_825 : memref<128xi32, #tpu.memory_space<vmem>>) semaphore(%arg12 : memref<!tpu.dma_semaphore, #tpu.memory_space<semaphore_mem>>)
      %dma_wait3A_829 = arith.constant 1 : i32
      %dma_wait3A_830 = arith.constant 0 : i32
      %dma_wait3A_831 = tpu.memref_slice %arg7[%dma_wait3A_829, %dma_wait3A_830] : memref<2x128xi32, #tpu.memory_space<vmem>> -> memref<1x128xi32, #tpu.memory_space<vmem>>
      %dma_wait3A_832 = tpu.memref_squeeze %dma_wait3A_831 : memref<1x128xi32, #tpu.memory_space<vmem>> -> memref<128xi32, #tpu.memory_space<vmem>>
      %dma_wait3A_833 = arith.constant 0 : i32
      %dma_wait3A_834 = arith.constant 0 : i32
      %dma_wait3A_835 = tpu.memref_slice %arg2[%dma_wait3A_833, %dma_wait3A_834] : memref<20000x128xf32, #tpu.memory_space<hbm>> -> memref<20000x128xf32, #tpu.memory_space<hbm>>
      tpu.wait_indirect_dma semaphore(%arg12 : memref<!tpu.dma_semaphore, #tpu.memory_space<semaphore_mem>>) src(%dma_wait3A_835 : memref<20000x128xf32, #tpu.memory_space<hbm>>) dst(%arg10 : memref<128x128xf32, #tpu.memory_space<vmem>>)
      %dma_start3A_836 = arith.constant 1 : i32
      %dma_start3A_837 = arith.constant 0 : i32
      %dma_start3A_838 = tpu.memref_slice %arg8[%dma_start3A_836, %dma_start3A_837] : memref<2x128xi32, #tpu.memory_space<vmem>> -> memref<1x128xi32, #tpu.memory_space<vmem>>
      %dma_start3A_839 = tpu.memref_squeeze %dma_start3A_838 : memref<1x128xi32, #tpu.memory_space<vmem>> -> memref<128xi32, #tpu.memory_space<vmem>>
      %dma_start3A_840 = arith.constant 0 : i32
      %dma_start3A_841 = arith.constant 0 : i32
      %dma_start3A_842 = tpu.memref_slice %arg11[%dma_start3A_840, %dma_start3A_841] : memref<10112x128xf32, #tpu.memory_space<vmem_shared>> -> memref<10112x128xf32, #tpu.memory_space<vmem_shared>>
      tpu.enqueue_indirect_dma source(%arg10 : memref<128x128xf32, #tpu.memory_space<vmem>>) target(%dma_start3A_842 : memref<10112x128xf32, #tpu.memory_space<vmem_shared>>) offsets(%dma_start3A_839 : memref<128xi32, #tpu.memory_space<vmem>>) semaphore(%arg14 : memref<!tpu.dma_semaphore, #tpu.memory_space<semaphore_mem>>) {add = true}
    }
    %scan3A_409 = arith.constant 39 : i32
    %dma_wait3A_410 = arith.constant 0 : i32
    %dma_wait3A_411 = arith.constant 0 : i32
    %dma_wait3A_412 = tpu.memref_slice %arg8[%dma_wait3A_410, %dma_wait3A_411] : memref<2x128xi32, #tpu.memory_space<vmem>> -> memref<1x128xi32, #tpu.memory_space<vmem>>
    %dma_wait3A_413 = tpu.memref_squeeze %dma_wait3A_412 : memref<1x128xi32, #tpu.memory_space<vmem>> -> memref<128xi32, #tpu.memory_space<vmem>>
    %dma_wait3A_414 = arith.constant 0 : i32
    %dma_wait3A_415 = arith.constant 0 : i32
    %dma_wait3A_416 = tpu.memref_slice %arg11[%dma_wait3A_414, %dma_wait3A_415] : memref<10112x128xf32, #tpu.memory_space<vmem_shared>> -> memref<10112x128xf32, #tpu.memory_space<vmem_shared>>
    tpu.wait_indirect_dma semaphore(%arg13 : memref<!tpu.dma_semaphore, #tpu.memory_space<semaphore_mem>>) src(%arg9 : memref<128x128xf32, #tpu.memory_space<vmem>>) dst(%dma_wait3A_416 : memref<10112x128xf32, #tpu.memory_space<vmem_shared>>)
    %dma_wait3A_417 = arith.constant 1 : i32
    %dma_wait3A_418 = arith.constant 0 : i32
    %dma_wait3A_419 = tpu.memref_slice %arg8[%dma_wait3A_417, %dma_wait3A_418] : memref<2x128xi32, #tpu.memory_space<vmem>> -> memref<1x128xi32, #tpu.memory_space<vmem>>
    %dma_wait3A_420 = tpu.memref_squeeze %dma_wait3A_419 : memref<1x128xi32, #tpu.memory_space<vmem>> -> memref<128xi32, #tpu.memory_space<vmem>>
    %dma_wait3A_421 = arith.constant 0 : i32
    %dma_wait3A_422 = arith.constant 0 : i32
    %dma_wait3A_423 = tpu.memref_slice %arg11[%dma_wait3A_421, %dma_wait3A_422] : memref<10112x128xf32, #tpu.memory_space<vmem_shared>> -> memref<10112x128xf32, #tpu.memory_space<vmem_shared>>
    tpu.wait_indirect_dma semaphore(%arg14 : memref<!tpu.dma_semaphore, #tpu.memory_space<semaphore_mem>>) src(%arg10 : memref<128x128xf32, #tpu.memory_space<vmem>>) dst(%dma_wait3A_423 : memref<10112x128xf32, #tpu.memory_space<vmem_shared>>)
    %barrier3A_424 = arith.constant 0 : index
    tpu.barrier barrier_id(%barrier3A_424)
    %lt3A = arith.constant 15 : i32
    %lt3A_425 = arith.cmpi slt, %arg1, %lt3A : i32
    %convert_element_type3A = arith.extui %lt3A_425 : i1 to i32
    %cond3A = arith.constant 0 : i32
    %cond3A_426 = arith.cmpi ne, %convert_element_type3A, %cond3A : i32
    scf.if %cond3A_426 {
      %mul3A_431 = arith.constant 624 : i32
      %mul3A_432 = arith.muli %arg1, %mul3A_431 : i32
      %mul3A_433 = arith.constant 624 : i32
      %mul3A_434 = arith.muli %arg1, %mul3A_433 : i32
      "tpu.region"() ({
        %run_scoped3A = tpu.sem_alloc : memref<!tpu.dma_semaphore, #tpu.memory_space<semaphore_mem>>
        %dma_start3A_435 = arith.constant 0 : i32
        %dma_start3A_436 = arith.constant 0 : i32
        %dma_start3A_437 = tpu.memref_slice %arg5[%arg0, %dma_start3A_435, %dma_start3A_436] : memref<2x10000x128xf32, #tpu.memory_space<hbm>> -> memref<1x10000x128xf32, #tpu.memory_space<hbm>>
        %dma_start3A_438 = tpu.memref_squeeze %dma_start3A_437 : memref<1x10000x128xf32, #tpu.memory_space<hbm>> -> memref<10000x128xf32, #tpu.memory_space<hbm>>
        %dma_start3A_439 = arith.constant 0 : i32
        %dma_start3A_440 = tpu.memref_slice %dma_start3A_438[%mul3A_434, %dma_start3A_439] : memref<10000x128xf32, #tpu.memory_space<hbm>> -> memref<624x128xf32, #tpu.memory_space<hbm>>
        %dma_start3A_441 = arith.constant 0 : i32
        %dma_start3A_442 = tpu.memref_slice %arg11[%mul3A_432, %dma_start3A_441] : memref<10112x128xf32, #tpu.memory_space<vmem_shared>> -> memref<624x128xf32, #tpu.memory_space<vmem_shared>>
        tpu.enqueue_dma source(%dma_start3A_442 : memref<624x128xf32, #tpu.memory_space<vmem_shared>>) target(%dma_start3A_440 : memref<624x128xf32, #tpu.memory_space<hbm>>) target_semaphore(%run_scoped3A : memref<!tpu.dma_semaphore, #tpu.memory_space<semaphore_mem>>)
        %dma_wait3A_443 = arith.constant 0 : i32
        %dma_wait3A_444 = arith.constant 0 : i32
        %dma_wait3A_445 = tpu.memref_slice %arg5[%arg0, %dma_wait3A_443, %dma_wait3A_444] : memref<2x10000x128xf32, #tpu.memory_space<hbm>> -> memref<1x10000x128xf32, #tpu.memory_space<hbm>>
        %dma_wait3A_446 = tpu.memref_squeeze %dma_wait3A_445 : memref<1x10000x128xf32, #tpu.memory_space<hbm>> -> memref<10000x128xf32, #tpu.memory_space<hbm>>
        %dma_wait3A_447 = arith.constant 0 : i32
        %dma_wait3A_448 = tpu.memref_slice %dma_wait3A_446[%mul3A_434, %dma_wait3A_447] : memref<10000x128xf32, #tpu.memory_space<hbm>> -> memref<624x128xf32, #tpu.memory_space<hbm>>
        %dma_wait3A_449 = arith.constant 0 : i32
        %dma_wait3A_450 = tpu.memref_slice %arg11[%mul3A_432, %dma_wait3A_449] : memref<10112x128xf32, #tpu.memory_space<vmem_shared>> -> memref<624x128xf32, #tpu.memory_space<vmem_shared>>
        tpu.wait_dma2 semaphore(%run_scoped3A : memref<!tpu.dma_semaphore, #tpu.memory_space<semaphore_mem>>) src(%dma_wait3A_450 : memref<624x128xf32, #tpu.memory_space<vmem_shared>>) dst(%dma_wait3A_448 : memref<624x128xf32, #tpu.memory_space<hbm>>)
        tpu.yield
      }) : () -> ()
    } else {
    }
    %eq3A = arith.constant 15 : i32
    %eq3A_427 = arith.cmpi eq, %arg1, %eq3A : i32
    %convert_element_type3A_428 = arith.extui %eq3A_427 : i1 to i32
    %cond3A_429 = arith.constant 0 : i32
    %cond3A_430 = arith.cmpi ne, %convert_element_type3A_428, %cond3A_429 : i32
    scf.if %cond3A_430 {
      "tpu.region"() ({
        %run_scoped3A = tpu.sem_alloc : memref<!tpu.dma_semaphore, #tpu.memory_space<semaphore_mem>>
        %dma_start3A_431 = arith.constant 0 : i32
        %dma_start3A_432 = arith.constant 0 : i32
        %dma_start3A_433 = tpu.memref_slice %arg5[%arg0, %dma_start3A_431, %dma_start3A_432] : memref<2x10000x128xf32, #tpu.memory_space<hbm>> -> memref<1x10000x128xf32, #tpu.memory_space<hbm>>
        %dma_start3A_434 = tpu.memref_squeeze %dma_start3A_433 : memref<1x10000x128xf32, #tpu.memory_space<hbm>> -> memref<10000x128xf32, #tpu.memory_space<hbm>>
        %dma_start3A_435 = arith.constant 9360 : i32
        %dma_start3A_436 = arith.constant 0 : i32
        %dma_start3A_437 = tpu.memref_slice %dma_start3A_434[%dma_start3A_435, %dma_start3A_436] : memref<10000x128xf32, #tpu.memory_space<hbm>> -> memref<640x128xf32, #tpu.memory_space<hbm>>
        %dma_start3A_438 = arith.constant 9360 : i32
        %dma_start3A_439 = arith.constant 0 : i32
        %dma_start3A_440 = tpu.memref_slice %arg11[%dma_start3A_438, %dma_start3A_439] : memref<10112x128xf32, #tpu.memory_space<vmem_shared>> -> memref<640x128xf32, #tpu.memory_space<vmem_shared>>
        tpu.enqueue_dma source(%dma_start3A_440 : memref<640x128xf32, #tpu.memory_space<vmem_shared>>) target(%dma_start3A_437 : memref<640x128xf32, #tpu.memory_space<hbm>>) target_semaphore(%run_scoped3A : memref<!tpu.dma_semaphore, #tpu.memory_space<semaphore_mem>>)
        %dma_wait3A_441 = arith.constant 0 : i32
        %dma_wait3A_442 = arith.constant 0 : i32
        %dma_wait3A_443 = tpu.memref_slice %arg5[%arg0, %dma_wait3A_441, %dma_wait3A_442] : memref<2x10000x128xf32, #tpu.memory_space<hbm>> -> memref<1x10000x128xf32, #tpu.memory_space<hbm>>
        %dma_wait3A_444 = tpu.memref_squeeze %dma_wait3A_443 : memref<1x10000x128xf32, #tpu.memory_space<hbm>> -> memref<10000x128xf32, #tpu.memory_space<hbm>>
        %dma_wait3A_445 = arith.constant 9360 : i32
        %dma_wait3A_446 = arith.constant 0 : i32
        %dma_wait3A_447 = tpu.memref_slice %dma_wait3A_444[%dma_wait3A_445, %dma_wait3A_446] : memref<10000x128xf32, #tpu.memory_space<hbm>> -> memref<640x128xf32, #tpu.memory_space<hbm>>
        %dma_wait3A_448 = arith.constant 9360 : i32
        %dma_wait3A_449 = arith.constant 0 : i32
        %dma_wait3A_450 = tpu.memref_slice %arg11[%dma_wait3A_448, %dma_wait3A_449] : memref<10112x128xf32, #tpu.memory_space<vmem_shared>> -> memref<640x128xf32, #tpu.memory_space<vmem_shared>>
        tpu.wait_dma2 semaphore(%run_scoped3A : memref<!tpu.dma_semaphore, #tpu.memory_space<semaphore_mem>>) src(%dma_wait3A_450 : memref<640x128xf32, #tpu.memory_space<vmem_shared>>) dst(%dma_wait3A_447 : memref<640x128xf32, #tpu.memory_space<hbm>>)
        tpu.yield
      }) : () -> ()
    } else {
    }
    return
  }
}

#map = affine_map<(d0, d1) -> (0, 0)>
#map1 = affine_map<(d0, d1) -> (0, 0, 0, 0)>
#map2 = affine_map<(d0, d1) -> (0, 0, 0)>
module attributes {stable_mosaic.version = 14 : i64} {
  func.func @_spmm_body(%arg0: i32, %arg1: i32, %arg2: memref<20000x128xf32, #tpu.memory_space<hbm>>, %arg3: memref<2x16x80x128xi32, #tpu.memory_space<hbm>>, %arg4: memref<632x128xf32, #tpu.memory_space<hbm>>, %arg5: memref<2x10000x128xf32, #tpu.memory_space<hbm>>, %arg6: memref<80x128xi32, #tpu.memory_space<vmem>>, %arg7: memref<2x128xi32, #tpu.memory_space<vmem>>, %arg8: memref<2x128xi32, #tpu.memory_space<vmem>>, %arg9: memref<128x128xf32, #tpu.memory_space<vmem>>, %arg10: memref<128x128xf32, #tpu.memory_space<vmem>>, %arg11: memref<10112x128xf32, #tpu.memory_space<vmem_shared>>, %arg12: memref<!tpu.dma_semaphore, #tpu.memory_space<semaphore_mem>>, %arg13: memref<!tpu.dma_semaphore, #tpu.memory_space<semaphore_mem>>, %arg14: memref<!tpu.dma_semaphore, #tpu.memory_space<semaphore_mem>>) attributes {dimension_semantics = [#tpu.dimension_semantics<core_parallel>, #tpu.dimension_semantics<subcore_parallel>], iteration_bounds = array<i64: 2, 16>, scalar_prefetch = 0 : i64, scratch_operands = 9 : i64, tpu.core_type = #tpu.core_type<sc_vector_subcore>, window_params = [{transform_indices = #map}, {transform_indices = #map1}, {transform_indices = #map}, {transform_indices = #map2}]} {
    "tpu.region"() ({
      %run_scoped3A = tpu.sem_alloc : memref<!tpu.dma_semaphore, #tpu.memory_space<semaphore_mem>>
      %dma_start3A_431 = arith.constant 0 : i32
      %dma_start3A_432 = arith.constant 0 : i32
      %dma_start3A_433 = arith.constant 0 : i32
      %dma_start3A_434 = tpu.memref_slice %arg3[%arg0, %dma_start3A_431, %dma_start3A_432, %dma_start3A_433] : memref<2x16x80x128xi32, #tpu.memory_space<hbm>> -> memref<1x16x80x128xi32, #tpu.memory_space<hbm>>
      %dma_start3A_435 = tpu.memref_squeeze %dma_start3A_434 : memref<1x16x80x128xi32, #tpu.memory_space<hbm>> -> memref<16x80x128xi32, #tpu.memory_space<hbm>>
      %dma_start3A_436 = arith.constant 0 : i32
      %dma_start3A_437 = arith.constant 0 : i32
      %dma_start3A_438 = tpu.memref_slice %dma_start3A_435[%arg1, %dma_start3A_436, %dma_start3A_437] : memref<16x80x128xi32, #tpu.memory_space<hbm>> -> memref<1x80x128xi32, #tpu.memory_space<hbm>>
      %dma_start3A_439 = tpu.memref_squeeze %dma_start3A_438 : memref<1x80x128xi32, #tpu.memory_space<hbm>> -> memref<80x128xi32, #tpu.memory_space<hbm>>
      %dma_start3A_440 = arith.constant 0 : i32
      %dma_start3A_441 = arith.constant 0 : i32
      %dma_start3A_442 = arith.constant 0 : i32
      %dma_start3A_443 = tpu.memref_slice %arg3[%arg0, %dma_start3A_440, %dma_start3A_441, %dma_start3A_442] : memref<2x16x80x128xi32, #tpu.memory_space<hbm>> -> memref<1x16x80x128xi32, #tpu.memory_space<hbm>>
      %dma_start3A_444 = tpu.memref_squeeze %dma_start3A_443 : memref<1x16x80x128xi32, #tpu.memory_space<hbm>> -> memref<16x80x128xi32, #tpu.memory_space<hbm>>
      %dma_start3A_445 = arith.constant 0 : i32
      %dma_start3A_446 = arith.constant 0 : i32
      %dma_start3A_447 = tpu.memref_slice %dma_start3A_444[%arg1, %dma_start3A_445, %dma_start3A_446] : memref<16x80x128xi32, #tpu.memory_space<hbm>> -> memref<1x80x128xi32, #tpu.memory_space<hbm>>
      %dma_start3A_448 = tpu.memref_squeeze %dma_start3A_447 : memref<1x80x128xi32, #tpu.memory_space<hbm>> -> memref<80x128xi32, #tpu.memory_space<hbm>>
      tpu.enqueue_dma source(%dma_start3A_448 : memref<80x128xi32, #tpu.memory_space<hbm>>) target(%arg6 : memref<80x128xi32, #tpu.memory_space<vmem>>) target_semaphore(%run_scoped3A : memref<!tpu.dma_semaphore, #tpu.memory_space<semaphore_mem>>)
      %dma_wait3A_449 = arith.constant 0 : i32
      %dma_wait3A_450 = arith.constant 0 : i32
      %dma_wait3A_451 = arith.constant 0 : i32
      %dma_wait3A_452 = tpu.memref_slice %arg3[%arg0, %dma_wait3A_449, %dma_wait3A_450, %dma_wait3A_451] : memref<2x16x80x128xi32, #tpu.memory_space<hbm>> -> memref<1x16x80x128xi32, #tpu.memory_space<hbm>>
      %dma_wait3A_453 = tpu.memref_squeeze %dma_wait3A_452 : memref<1x16x80x128xi32, #tpu.memory_space<hbm>> -> memref<16x80x128xi32, #tpu.memory_space<hbm>>
      %dma_wait3A_454 = arith.constant 0 : i32
      %dma_wait3A_455 = arith.constant 0 : i32
      %dma_wait3A_456 = tpu.memref_slice %dma_wait3A_453[%arg1, %dma_wait3A_454, %dma_wait3A_455] : memref<16x80x128xi32, #tpu.memory_space<hbm>> -> memref<1x80x128xi32, #tpu.memory_space<hbm>>
      %dma_wait3A_457 = tpu.memref_squeeze %dma_wait3A_456 : memref<1x80x128xi32, #tpu.memory_space<hbm>> -> memref<80x128xi32, #tpu.memory_space<hbm>>
      %dma_wait3A_458 = arith.constant 0 : i32
      %dma_wait3A_459 = arith.constant 0 : i32
      %dma_wait3A_460 = arith.constant 0 : i32
      %dma_wait3A_461 = tpu.memref_slice %arg3[%arg0, %dma_wait3A_458, %dma_wait3A_459, %dma_wait3A_460] : memref<2x16x80x128xi32, #tpu.memory_space<hbm>> -> memref<1x16x80x128xi32, #tpu.memory_space<hbm>>
      %dma_wait3A_462 = tpu.memref_squeeze %dma_wait3A_461 : memref<1x16x80x128xi32, #tpu.memory_space<hbm>> -> memref<16x80x128xi32, #tpu.memory_space<hbm>>
      %dma_wait3A_463 = arith.constant 0 : i32
      %dma_wait3A_464 = arith.constant 0 : i32
      %dma_wait3A_465 = tpu.memref_slice %dma_wait3A_462[%arg1, %dma_wait3A_463, %dma_wait3A_464] : memref<16x80x128xi32, #tpu.memory_space<hbm>> -> memref<1x80x128xi32, #tpu.memory_space<hbm>>
      %dma_wait3A_466 = tpu.memref_squeeze %dma_wait3A_465 : memref<1x80x128xi32, #tpu.memory_space<hbm>> -> memref<80x128xi32, #tpu.memory_space<hbm>>
      tpu.wait_dma2 semaphore(%run_scoped3A : memref<!tpu.dma_semaphore, #tpu.memory_space<semaphore_mem>>) src(%dma_wait3A_466 : memref<80x128xi32, #tpu.memory_space<hbm>>) dst(%arg6 : memref<80x128xi32, #tpu.memory_space<vmem>>)
      tpu.yield
    }) : () -> ()
    %mul3A = arith.constant 632 : i32
    %mul3A_0 = arith.muli %arg1, %mul3A : i32
    "tpu.region"() ({
      %run_scoped3A = tpu.sem_alloc : memref<!tpu.dma_semaphore, #tpu.memory_space<semaphore_mem>>
      %dma_start3A_431 = arith.constant 0 : i32
      %dma_start3A_432 = tpu.memref_slice %arg11[%mul3A_0, %dma_start3A_431] : memref<10112x128xf32, #tpu.memory_space<vmem_shared>> -> memref<632x128xf32, #tpu.memory_space<vmem_shared>>
      tpu.enqueue_dma source(%arg4 : memref<632x128xf32, #tpu.memory_space<hbm>>) target(%dma_start3A_432 : memref<632x128xf32, #tpu.memory_space<vmem_shared>>) target_semaphore(%run_scoped3A : memref<!tpu.dma_semaphore, #tpu.memory_space<semaphore_mem>>)
      %dma_wait3A_433 = arith.constant 0 : i32
      %dma_wait3A_434 = tpu.memref_slice %arg11[%mul3A_0, %dma_wait3A_433] : memref<10112x128xf32, #tpu.memory_space<vmem_shared>> -> memref<632x128xf32, #tpu.memory_space<vmem_shared>>
      tpu.wait_dma2 semaphore(%run_scoped3A : memref<!tpu.dma_semaphore, #tpu.memory_space<semaphore_mem>>) src(%arg4 : memref<632x128xf32, #tpu.memory_space<hbm>>) dst(%dma_wait3A_434 : memref<632x128xf32, #tpu.memory_space<vmem_shared>>)
      tpu.yield
    }) : () -> ()
    %barrier3A = arith.constant 0 : index
    tpu.barrier barrier_id(%barrier3A)
    %get3A = arith.constant 0 : i32
    %get3A_1 = arith.index_cast %get3A : i32 to index
    %get3A_2 = arith.constant 0 : index
    %get3A_3 = tpu.vector_load %arg6[%get3A_1, %get3A_2] {strides = array<i32>} : memref<80x128xi32, #tpu.memory_space<vmem>>, vector<1x16xi32>,
    %get3A_4 = vector.shape_cast %get3A_3 : vector<1x16xi32> to vector<16xi32>
    %shift_right_arithmetic3A = arith.constant 14 : i32
    %shift_right_arithmetic3A_5 = vector.broadcast %shift_right_arithmetic3A : i32 to vector<16xi32>
    %shift_right_arithmetic3A_6 = arith.shrsi %get3A_4, %shift_right_arithmetic3A_5 : vector<16xi32>
    %swap3A = arith.constant 0 : i32
    %swap3A_7 = arith.index_cast %swap3A : i32 to index
    %swap3A_8 = arith.constant 0 : index
    %swap3A_9 = tpu.vector_load %arg7[%swap3A_7, %swap3A_8] {strides = array<i32>} : memref<2x128xi32, #tpu.memory_space<vmem>>, vector<1x16xi32>,
    %swap3A_10 = vector.shape_cast %swap3A_9 : vector<1x16xi32> to vector<16xi32>
    %swap3A_11 = vector.shape_cast %shift_right_arithmetic3A_6 : vector<16xi32> to vector<1x16xi32>
    tpu.vector_store %arg7[%swap3A_7, %swap3A_8], %swap3A_11 {strides = array<i32>} : memref<2x128xi32, #tpu.memory_space<vmem>>, vector<1x16xi32>,
    %and3A = arith.constant 16383 : i32
    %and3A_12 = vector.broadcast %and3A : i32 to vector<16xi32>
    %and3A_13 = arith.andi %get3A_4, %and3A_12 : vector<16xi32>
    %swap3A_14 = arith.constant 0 : i32
    %swap3A_15 = arith.index_cast %swap3A_14 : i32 to index
    %swap3A_16 = arith.constant 0 : index
    %swap3A_17 = tpu.vector_load %arg8[%swap3A_15, %swap3A_16] {strides = array<i32>} : memref<2x128xi32, #tpu.memory_space<vmem>>, vector<1x16xi32>,
    %swap3A_18 = vector.shape_cast %swap3A_17 : vector<1x16xi32> to vector<16xi32>
    %swap3A_19 = vector.shape_cast %and3A_13 : vector<16xi32> to vector<1x16xi32>
    tpu.vector_store %arg8[%swap3A_15, %swap3A_16], %swap3A_19 {strides = array<i32>} : memref<2x128xi32, #tpu.memory_space<vmem>>, vector<1x16xi32>,
    %get3A_20 = arith.constant 0 : i32
    %get3A_21 = arith.index_cast %get3A_20 : i32 to index
    %get3A_22 = arith.constant 16 : index
    %get3A_23 = tpu.vector_load %arg6[%get3A_21, %get3A_22] {strides = array<i32>} : memref<80x128xi32, #tpu.memory_space<vmem>>, vector<1x16xi32>,
    %get3A_24 = vector.shape_cast %get3A_23 : vector<1x16xi32> to vector<16xi32>
    %shift_right_arithmetic3A_25 = arith.constant 14 : i32
    %shift_right_arithmetic3A_26 = vector.broadcast %shift_right_arithmetic3A_25 : i32 to vector<16xi32>
    %shift_right_arithmetic3A_27 = arith.shrsi %get3A_24, %shift_right_arithmetic3A_26 : vector<16xi32>
    %swap3A_28 = arith.constant 0 : i32
    %swap3A_29 = arith.index_cast %swap3A_28 : i32 to index
    %swap3A_30 = arith.constant 16 : index
    %swap3A_31 = tpu.vector_load %arg7[%swap3A_29, %swap3A_30] {strides = array<i32>} : memref<2x128xi32, #tpu.memory_space<vmem>>, vector<1x16xi32>,
    %swap3A_32 = vector.shape_cast %swap3A_31 : vector<1x16xi32> to vector<16xi32>
    %swap3A_33 = vector.shape_cast %shift_right_arithmetic3A_27 : vector<16xi32> to vector<1x16xi32>
    tpu.vector_store %arg7[%swap3A_29, %swap3A_30], %swap3A_33 {strides = array<i32>} : memref<2x128xi32, #tpu.memory_space<vmem>>, vector<1x16xi32>,
    %and3A_34 = arith.constant 16383 : i32
    %and3A_35 = vector.broadcast %and3A_34 : i32 to vector<16xi32>
    %and3A_36 = arith.andi %get3A_24, %and3A_35 : vector<16xi32>
    %swap3A_37 = arith.constant 0 : i32
    %swap3A_38 = arith.index_cast %swap3A_37 : i32 to index
    %swap3A_39 = arith.constant 16 : index
    %swap3A_40 = tpu.vector_load %arg8[%swap3A_38, %swap3A_39] {strides = array<i32>} : memref<2x128xi32, #tpu.memory_space<vmem>>, vector<1x16xi32>,
    %swap3A_41 = vector.shape_cast %swap3A_40 : vector<1x16xi32> to vector<16xi32>
    %swap3A_42 = vector.shape_cast %and3A_36 : vector<16xi32> to vector<1x16xi32>
    tpu.vector_store %arg8[%swap3A_38, %swap3A_39], %swap3A_42 {strides = array<i32>} : memref<2x128xi32, #tpu.memory_space<vmem>>, vector<1x16xi32>,
    %get3A_43 = arith.constant 0 : i32
    %get3A_44 = arith.index_cast %get3A_43 : i32 to index
    %get3A_45 = arith.constant 32 : index
    %get3A_46 = tpu.vector_load %arg6[%get3A_44, %get3A_45] {strides = array<i32>} : memref<80x128xi32, #tpu.memory_space<vmem>>, vector<1x16xi32>,
    %get3A_47 = vector.shape_cast %get3A_46 : vector<1x16xi32> to vector<16xi32>
    %shift_right_arithmetic3A_48 = arith.constant 14 : i32
    %shift_right_arithmetic3A_49 = vector.broadcast %shift_right_arithmetic3A_48 : i32 to vector<16xi32>
    %shift_right_arithmetic3A_50 = arith.shrsi %get3A_47, %shift_right_arithmetic3A_49 : vector<16xi32>
    %swap3A_51 = arith.constant 0 : i32
    %swap3A_52 = arith.index_cast %swap3A_51 : i32 to index
    %swap3A_53 = arith.constant 32 : index
    %swap3A_54 = tpu.vector_load %arg7[%swap3A_52, %swap3A_53] {strides = array<i32>} : memref<2x128xi32, #tpu.memory_space<vmem>>, vector<1x16xi32>,
    %swap3A_55 = vector.shape_cast %swap3A_54 : vector<1x16xi32> to vector<16xi32>
    %swap3A_56 = vector.shape_cast %shift_right_arithmetic3A_50 : vector<16xi32> to vector<1x16xi32>
    tpu.vector_store %arg7[%swap3A_52, %swap3A_53], %swap3A_56 {strides = array<i32>} : memref<2x128xi32, #tpu.memory_space<vmem>>, vector<1x16xi32>,
    %and3A_57 = arith.constant 16383 : i32
    %and3A_58 = vector.broadcast %and3A_57 : i32 to vector<16xi32>
    %and3A_59 = arith.andi %get3A_47, %and3A_58 : vector<16xi32>
    %swap3A_60 = arith.constant 0 : i32
    %swap3A_61 = arith.index_cast %swap3A_60 : i32 to index
    %swap3A_62 = arith.constant 32 : index
    %swap3A_63 = tpu.vector_load %arg8[%swap3A_61, %swap3A_62] {strides = array<i32>} : memref<2x128xi32, #tpu.memory_space<vmem>>, vector<1x16xi32>,
    %swap3A_64 = vector.shape_cast %swap3A_63 : vector<1x16xi32> to vector<16xi32>
    %swap3A_65 = vector.shape_cast %and3A_59 : vector<16xi32> to vector<1x16xi32>
    tpu.vector_store %arg8[%swap3A_61, %swap3A_62], %swap3A_65 {strides = array<i32>} : memref<2x128xi32, #tpu.memory_space<vmem>>, vector<1x16xi32>,
    %get3A_66 = arith.constant 0 : i32
    %get3A_67 = arith.index_cast %get3A_66 : i32 to index
    %get3A_68 = arith.constant 48 : index
    %get3A_69 = tpu.vector_load %arg6[%get3A_67, %get3A_68] {strides = array<i32>} : memref<80x128xi32, #tpu.memory_space<vmem>>, vector<1x16xi32>,
    %get3A_70 = vector.shape_cast %get3A_69 : vector<1x16xi32> to vector<16xi32>
    %shift_right_arithmetic3A_71 = arith.constant 14 : i32
    %shift_right_arithmetic3A_72 = vector.broadcast %shift_right_arithmetic3A_71 : i32 to vector<16xi32>
    %shift_right_arithmetic3A_73 = arith.shrsi %get3A_70, %shift_right_arithmetic3A_72 : vector<16xi32>
    %swap3A_74 = arith.constant 0 : i32
    %swap3A_75 = arith.index_cast %swap3A_74 : i32 to index
    %swap3A_76 = arith.constant 48 : index
    %swap3A_77 = tpu.vector_load %arg7[%swap3A_75, %swap3A_76] {strides = array<i32>} : memref<2x128xi32, #tpu.memory_space<vmem>>, vector<1x16xi32>,
    %swap3A_78 = vector.shape_cast %swap3A_77 : vector<1x16xi32> to vector<16xi32>
    %swap3A_79 = vector.shape_cast %shift_right_arithmetic3A_73 : vector<16xi32> to vector<1x16xi32>
    tpu.vector_store %arg7[%swap3A_75, %swap3A_76], %swap3A_79 {strides = array<i32>} : memref<2x128xi32, #tpu.memory_space<vmem>>, vector<1x16xi32>,
    %and3A_80 = arith.constant 16383 : i32
    %and3A_81 = vector.broadcast %and3A_80 : i32 to vector<16xi32>
    %and3A_82 = arith.andi %get3A_70, %and3A_81 : vector<16xi32>
    %swap3A_83 = arith.constant 0 : i32
    %swap3A_84 = arith.index_cast %swap3A_83 : i32 to index
    %swap3A_85 = arith.constant 48 : index
    %swap3A_86 = tpu.vector_load %arg8[%swap3A_84, %swap3A_85] {strides = array<i32>} : memref<2x128xi32, #tpu.memory_space<vmem>>, vector<1x16xi32>,
    %swap3A_87 = vector.shape_cast %swap3A_86 : vector<1x16xi32> to vector<16xi32>
    %swap3A_88 = vector.shape_cast %and3A_82 : vector<16xi32> to vector<1x16xi32>
    tpu.vector_store %arg8[%swap3A_84, %swap3A_85], %swap3A_88 {strides = array<i32>} : memref<2x128xi32, #tpu.memory_space<vmem>>, vector<1x16xi32>,
    %get3A_89 = arith.constant 0 : i32
    %get3A_90 = arith.index_cast %get3A_89 : i32 to index
    %get3A_91 = arith.constant 64 : index
    %get3A_92 = tpu.vector_load %arg6[%get3A_90, %get3A_91] {strides = array<i32>} : memref<80x128xi32, #tpu.memory_space<vmem>>, vector<1x16xi32>,
    %get3A_93 = vector.shape_cast %get3A_92 : vector<1x16xi32> to vector<16xi32>
    %shift_right_arithmetic3A_94 = arith.constant 14 : i32
    %shift_right_arithmetic3A_95 = vector.broadcast %shift_right_arithmetic3A_94 : i32 to vector<16xi32>
    %shift_right_arithmetic3A_96 = arith.shrsi %get3A_93, %shift_right_arithmetic3A_95 : vector<16xi32>
    %swap3A_97 = arith.constant 0 : i32
    %swap3A_98 = arith.index_cast %swap3A_97 : i32 to index
    %swap3A_99 = arith.constant 64 : index
    %swap3A_100 = tpu.vector_load %arg7[%swap3A_98, %swap3A_99] {strides = array<i32>} : memref<2x128xi32, #tpu.memory_space<vmem>>, vector<1x16xi32>,
    %swap3A_101 = vector.shape_cast %swap3A_100 : vector<1x16xi32> to vector<16xi32>
    %swap3A_102 = vector.shape_cast %shift_right_arithmetic3A_96 : vector<16xi32> to vector<1x16xi32>
    tpu.vector_store %arg7[%swap3A_98, %swap3A_99], %swap3A_102 {strides = array<i32>} : memref<2x128xi32, #tpu.memory_space<vmem>>, vector<1x16xi32>,
    %and3A_103 = arith.constant 16383 : i32
    %and3A_104 = vector.broadcast %and3A_103 : i32 to vector<16xi32>
    %and3A_105 = arith.andi %get3A_93, %and3A_104 : vector<16xi32>
    %swap3A_106 = arith.constant 0 : i32
    %swap3A_107 = arith.index_cast %swap3A_106 : i32 to index
    %swap3A_108 = arith.constant 64 : index
    %swap3A_109 = tpu.vector_load %arg8[%swap3A_107, %swap3A_108] {strides = array<i32>} : memref<2x128xi32, #tpu.memory_space<vmem>>, vector<1x16xi32>,
    %swap3A_110 = vector.shape_cast %swap3A_109 : vector<1x16xi32> to vector<16xi32>
    %swap3A_111 = vector.shape_cast %and3A_105 : vector<16xi32> to vector<1x16xi32>
    tpu.vector_store %arg8[%swap3A_107, %swap3A_108], %swap3A_111 {strides = array<i32>} : memref<2x128xi32, #tpu.memory_space<vmem>>, vector<1x16xi32>,
    %get3A_112 = arith.constant 0 : i32
    %get3A_113 = arith.index_cast %get3A_112 : i32 to index
    %get3A_114 = arith.constant 80 : index
    %get3A_115 = tpu.vector_load %arg6[%get3A_113, %get3A_114] {strides = array<i32>} : memref<80x128xi32, #tpu.memory_space<vmem>>, vector<1x16xi32>,
    %get3A_116 = vector.shape_cast %get3A_115 : vector<1x16xi32> to vector<16xi32>
    %shift_right_arithmetic3A_117 = arith.constant 14 : i32
    %shift_right_arithmetic3A_118 = vector.broadcast %shift_right_arithmetic3A_117 : i32 to vector<16xi32>
    %shift_right_arithmetic3A_119 = arith.shrsi %get3A_116, %shift_right_arithmetic3A_118 : vector<16xi32>
    %swap3A_120 = arith.constant 0 : i32
    %swap3A_121 = arith.index_cast %swap3A_120 : i32 to index
    %swap3A_122 = arith.constant 80 : index
    %swap3A_123 = tpu.vector_load %arg7[%swap3A_121, %swap3A_122] {strides = array<i32>} : memref<2x128xi32, #tpu.memory_space<vmem>>, vector<1x16xi32>,
    %swap3A_124 = vector.shape_cast %swap3A_123 : vector<1x16xi32> to vector<16xi32>
    %swap3A_125 = vector.shape_cast %shift_right_arithmetic3A_119 : vector<16xi32> to vector<1x16xi32>
    tpu.vector_store %arg7[%swap3A_121, %swap3A_122], %swap3A_125 {strides = array<i32>} : memref<2x128xi32, #tpu.memory_space<vmem>>, vector<1x16xi32>,
    %and3A_126 = arith.constant 16383 : i32
    %and3A_127 = vector.broadcast %and3A_126 : i32 to vector<16xi32>
    %and3A_128 = arith.andi %get3A_116, %and3A_127 : vector<16xi32>
    %swap3A_129 = arith.constant 0 : i32
    %swap3A_130 = arith.index_cast %swap3A_129 : i32 to index
    %swap3A_131 = arith.constant 80 : index
    %swap3A_132 = tpu.vector_load %arg8[%swap3A_130, %swap3A_131] {strides = array<i32>} : memref<2x128xi32, #tpu.memory_space<vmem>>, vector<1x16xi32>,
    %swap3A_133 = vector.shape_cast %swap3A_132 : vector<1x16xi32> to vector<16xi32>
    %swap3A_134 = vector.shape_cast %and3A_128 : vector<16xi32> to vector<1x16xi32>
    tpu.vector_store %arg8[%swap3A_130, %swap3A_131], %swap3A_134 {strides = array<i32>} : memref<2x128xi32, #tpu.memory_space<vmem>>, vector<1x16xi32>,
    %get3A_135 = arith.constant 0 : i32
    %get3A_136 = arith.index_cast %get3A_135 : i32 to index
    %get3A_137 = arith.constant 96 : index
    %get3A_138 = tpu.vector_load %arg6[%get3A_136, %get3A_137] {strides = array<i32>} : memref<80x128xi32, #tpu.memory_space<vmem>>, vector<1x16xi32>,
    %get3A_139 = vector.shape_cast %get3A_138 : vector<1x16xi32> to vector<16xi32>
    %shift_right_arithmetic3A_140 = arith.constant 14 : i32
    %shift_right_arithmetic3A_141 = vector.broadcast %shift_right_arithmetic3A_140 : i32 to vector<16xi32>
    %shift_right_arithmetic3A_142 = arith.shrsi %get3A_139, %shift_right_arithmetic3A_141 : vector<16xi32>
    %swap3A_143 = arith.constant 0 : i32
    %swap3A_144 = arith.index_cast %swap3A_143 : i32 to index
    %swap3A_145 = arith.constant 96 : index
    %swap3A_146 = tpu.vector_load %arg7[%swap3A_144, %swap3A_145] {strides = array<i32>} : memref<2x128xi32, #tpu.memory_space<vmem>>, vector<1x16xi32>,
    %swap3A_147 = vector.shape_cast %swap3A_146 : vector<1x16xi32> to vector<16xi32>
    %swap3A_148 = vector.shape_cast %shift_right_arithmetic3A_142 : vector<16xi32> to vector<1x16xi32>
    tpu.vector_store %arg7[%swap3A_144, %swap3A_145], %swap3A_148 {strides = array<i32>} : memref<2x128xi32, #tpu.memory_space<vmem>>, vector<1x16xi32>,
    %and3A_149 = arith.constant 16383 : i32
    %and3A_150 = vector.broadcast %and3A_149 : i32 to vector<16xi32>
    %and3A_151 = arith.andi %get3A_139, %and3A_150 : vector<16xi32>
    %swap3A_152 = arith.constant 0 : i32
    %swap3A_153 = arith.index_cast %swap3A_152 : i32 to index
    %swap3A_154 = arith.constant 96 : index
    %swap3A_155 = tpu.vector_load %arg8[%swap3A_153, %swap3A_154] {strides = array<i32>} : memref<2x128xi32, #tpu.memory_space<vmem>>, vector<1x16xi32>,
    %swap3A_156 = vector.shape_cast %swap3A_155 : vector<1x16xi32> to vector<16xi32>
    %swap3A_157 = vector.shape_cast %and3A_151 : vector<16xi32> to vector<1x16xi32>
    tpu.vector_store %arg8[%swap3A_153, %swap3A_154], %swap3A_157 {strides = array<i32>} : memref<2x128xi32, #tpu.memory_space<vmem>>, vector<1x16xi32>,
    %get3A_158 = arith.constant 0 : i32
    %get3A_159 = arith.index_cast %get3A_158 : i32 to index
    %get3A_160 = arith.constant 112 : index
    %get3A_161 = tpu.vector_load %arg6[%get3A_159, %get3A_160] {strides = array<i32>} : memref<80x128xi32, #tpu.memory_space<vmem>>, vector<1x16xi32>,
    %get3A_162 = vector.shape_cast %get3A_161 : vector<1x16xi32> to vector<16xi32>
    %shift_right_arithmetic3A_163 = arith.constant 14 : i32
    %shift_right_arithmetic3A_164 = vector.broadcast %shift_right_arithmetic3A_163 : i32 to vector<16xi32>
    %shift_right_arithmetic3A_165 = arith.shrsi %get3A_162, %shift_right_arithmetic3A_164 : vector<16xi32>
    %swap3A_166 = arith.constant 0 : i32
    %swap3A_167 = arith.index_cast %swap3A_166 : i32 to index
    %swap3A_168 = arith.constant 112 : index
    %swap3A_169 = tpu.vector_load %arg7[%swap3A_167, %swap3A_168] {strides = array<i32>} : memref<2x128xi32, #tpu.memory_space<vmem>>, vector<1x16xi32>,
    %swap3A_170 = vector.shape_cast %swap3A_169 : vector<1x16xi32> to vector<16xi32>
    %swap3A_171 = vector.shape_cast %shift_right_arithmetic3A_165 : vector<16xi32> to vector<1x16xi32>
    tpu.vector_store %arg7[%swap3A_167, %swap3A_168], %swap3A_171 {strides = array<i32>} : memref<2x128xi32, #tpu.memory_space<vmem>>, vector<1x16xi32>,
    %and3A_172 = arith.constant 16383 : i32
    %and3A_173 = vector.broadcast %and3A_172 : i32 to vector<16xi32>
    %and3A_174 = arith.andi %get3A_162, %and3A_173 : vector<16xi32>
    %swap3A_175 = arith.constant 0 : i32
    %swap3A_176 = arith.index_cast %swap3A_175 : i32 to index
    %swap3A_177 = arith.constant 112 : index
    %swap3A_178 = tpu.vector_load %arg8[%swap3A_176, %swap3A_177] {strides = array<i32>} : memref<2x128xi32, #tpu.memory_space<vmem>>, vector<1x16xi32>,
    %swap3A_179 = vector.shape_cast %swap3A_178 : vector<1x16xi32> to vector<16xi32>
    %swap3A_180 = vector.shape_cast %and3A_174 : vector<16xi32> to vector<1x16xi32>
    tpu.vector_store %arg8[%swap3A_176, %swap3A_177], %swap3A_180 {strides = array<i32>} : memref<2x128xi32, #tpu.memory_space<vmem>>, vector<1x16xi32>,
    %dma_start3A = arith.constant 0 : i32
    %dma_start3A_181 = arith.constant 0 : i32
    %dma_start3A_182 = tpu.memref_slice %arg7[%dma_start3A, %dma_start3A_181] : memref<2x128xi32, #tpu.memory_space<vmem>> -> memref<1x128xi32, #tpu.memory_space<vmem>>
    %dma_start3A_183 = tpu.memref_squeeze %dma_start3A_182 : memref<1x128xi32, #tpu.memory_space<vmem>> -> memref<128xi32, #tpu.memory_space<vmem>>
    %dma_start3A_184 = arith.constant 0 : i32
    %dma_start3A_185 = arith.constant 0 : i32
    %dma_start3A_186 = tpu.memref_slice %arg2[%dma_start3A_184, %dma_start3A_185] : memref<20000x128xf32, #tpu.memory_space<hbm>> -> memref<20000x128xf32, #tpu.memory_space<hbm>>
    tpu.enqueue_indirect_dma source(%dma_start3A_186 : memref<20000x128xf32, #tpu.memory_space<hbm>>) target(%arg9 : memref<128x128xf32, #tpu.memory_space<vmem>>) offsets(%dma_start3A_183 : memref<128xi32, #tpu.memory_space<vmem>>) semaphore(%arg12 : memref<!tpu.dma_semaphore, #tpu.memory_space<semaphore_mem>>)
    %dma_wait3A = arith.constant 0 : i32
    %dma_wait3A_187 = arith.constant 0 : i32
    %dma_wait3A_188 = tpu.memref_slice %arg7[%dma_wait3A, %dma_wait3A_187] : memref<2x128xi32, #tpu.memory_space<vmem>> -> memref<1x128xi32, #tpu.memory_space<vmem>>
    %dma_wait3A_189 = tpu.memref_squeeze %dma_wait3A_188 : memref<1x128xi32, #tpu.memory_space<vmem>> -> memref<128xi32, #tpu.memory_space<vmem>>
    %dma_wait3A_190 = arith.constant 0 : i32
    %dma_wait3A_191 = arith.constant 0 : i32
    %dma_wait3A_192 = tpu.memref_slice %arg2[%dma_wait3A_190, %dma_wait3A_191] : memref<20000x128xf32, #tpu.memory_space<hbm>> -> memref<20000x128xf32, #tpu.memory_space<hbm>>
    tpu.wait_indirect_dma semaphore(%arg12 : memref<!tpu.dma_semaphore, #tpu.memory_space<semaphore_mem>>) src(%dma_wait3A_192 : memref<20000x128xf32, #tpu.memory_space<hbm>>) dst(%arg9 : memref<128x128xf32, #tpu.memory_space<vmem>>)
    %dma_start3A_193 = arith.constant 0 : i32
    %dma_start3A_194 = arith.constant 0 : i32
    %dma_start3A_195 = tpu.memref_slice %arg8[%dma_start3A_193, %dma_start3A_194] : memref<2x128xi32, #tpu.memory_space<vmem>> -> memref<1x128xi32, #tpu.memory_space<vmem>>
    %dma_start3A_196 = tpu.memref_squeeze %dma_start3A_195 : memref<1x128xi32, #tpu.memory_space<vmem>> -> memref<128xi32, #tpu.memory_space<vmem>>
    %dma_start3A_197 = arith.constant 0 : i32
    %dma_start3A_198 = arith.constant 0 : i32
    %dma_start3A_199 = tpu.memref_slice %arg11[%dma_start3A_197, %dma_start3A_198] : memref<10112x128xf32, #tpu.memory_space<vmem_shared>> -> memref<10112x128xf32, #tpu.memory_space<vmem_shared>>
    tpu.enqueue_indirect_dma source(%arg9 : memref<128x128xf32, #tpu.memory_space<vmem>>) target(%dma_start3A_199 : memref<10112x128xf32, #tpu.memory_space<vmem_shared>>) offsets(%dma_start3A_196 : memref<128xi32, #tpu.memory_space<vmem>>) semaphore(%arg13 : memref<!tpu.dma_semaphore, #tpu.memory_space<semaphore_mem>>) {add = true}
    %get3A_200 = arith.constant 1 : i32
    %get3A_201 = arith.index_cast %get3A_200 : i32 to index
    %get3A_202 = arith.constant 0 : index
    %get3A_203 = tpu.vector_load %arg6[%get3A_201, %get3A_202] {strides = array<i32>} : memref<80x128xi32, #tpu.memory_space<vmem>>, vector<1x16xi32>,
    %get3A_204 = vector.shape_cast %get3A_203 : vector<1x16xi32> to vector<16xi32>
    %shift_right_arithmetic3A_205 = arith.constant 14 : i32
    %shift_right_arithmetic3A_206 = vector.broadcast %shift_right_arithmetic3A_205 : i32 to vector<16xi32>
    %shift_right_arithmetic3A_207 = arith.shrsi %get3A_204, %shift_right_arithmetic3A_206 : vector<16xi32>
    %swap3A_208 = arith.constant 1 : i32
    %swap3A_209 = arith.index_cast %swap3A_208 : i32 to index
    %swap3A_210 = arith.constant 0 : index
    %swap3A_211 = tpu.vector_load %arg7[%swap3A_209, %swap3A_210] {strides = array<i32>} : memref<2x128xi32, #tpu.memory_space<vmem>>, vector<1x16xi32>,
    %swap3A_212 = vector.shape_cast %swap3A_211 : vector<1x16xi32> to vector<16xi32>
    %swap3A_213 = vector.shape_cast %shift_right_arithmetic3A_207 : vector<16xi32> to vector<1x16xi32>
    tpu.vector_store %arg7[%swap3A_209, %swap3A_210], %swap3A_213 {strides = array<i32>} : memref<2x128xi32, #tpu.memory_space<vmem>>, vector<1x16xi32>,
    %and3A_214 = arith.constant 16383 : i32
    %and3A_215 = vector.broadcast %and3A_214 : i32 to vector<16xi32>
    %and3A_216 = arith.andi %get3A_204, %and3A_215 : vector<16xi32>
    %swap3A_217 = arith.constant 1 : i32
    %swap3A_218 = arith.index_cast %swap3A_217 : i32 to index
    %swap3A_219 = arith.constant 0 : index
    %swap3A_220 = tpu.vector_load %arg8[%swap3A_218, %swap3A_219] {strides = array<i32>} : memref<2x128xi32, #tpu.memory_space<vmem>>, vector<1x16xi32>,
    %swap3A_221 = vector.shape_cast %swap3A_220 : vector<1x16xi32> to vector<16xi32>
    %swap3A_222 = vector.shape_cast %and3A_216 : vector<16xi32> to vector<1x16xi32>
    tpu.vector_store %arg8[%swap3A_218, %swap3A_219], %swap3A_222 {strides = array<i32>} : memref<2x128xi32, #tpu.memory_space<vmem>>, vector<1x16xi32>,
    %get3A_223 = arith.constant 1 : i32
    %get3A_224 = arith.index_cast %get3A_223 : i32 to index
    %get3A_225 = arith.constant 16 : index
    %get3A_226 = tpu.vector_load %arg6[%get3A_224, %get3A_225] {strides = array<i32>} : memref<80x128xi32, #tpu.memory_space<vmem>>, vector<1x16xi32>,
    %get3A_227 = vector.shape_cast %get3A_226 : vector<1x16xi32> to vector<16xi32>
    %shift_right_arithmetic3A_228 = arith.constant 14 : i32
    %shift_right_arithmetic3A_229 = vector.broadcast %shift_right_arithmetic3A_228 : i32 to vector<16xi32>
    %shift_right_arithmetic3A_230 = arith.shrsi %get3A_227, %shift_right_arithmetic3A_229 : vector<16xi32>
    %swap3A_231 = arith.constant 1 : i32
    %swap3A_232 = arith.index_cast %swap3A_231 : i32 to index
    %swap3A_233 = arith.constant 16 : index
    %swap3A_234 = tpu.vector_load %arg7[%swap3A_232, %swap3A_233] {strides = array<i32>} : memref<2x128xi32, #tpu.memory_space<vmem>>, vector<1x16xi32>,
    %swap3A_235 = vector.shape_cast %swap3A_234 : vector<1x16xi32> to vector<16xi32>
    %swap3A_236 = vector.shape_cast %shift_right_arithmetic3A_230 : vector<16xi32> to vector<1x16xi32>
    tpu.vector_store %arg7[%swap3A_232, %swap3A_233], %swap3A_236 {strides = array<i32>} : memref<2x128xi32, #tpu.memory_space<vmem>>, vector<1x16xi32>,
    %and3A_237 = arith.constant 16383 : i32
    %and3A_238 = vector.broadcast %and3A_237 : i32 to vector<16xi32>
    %and3A_239 = arith.andi %get3A_227, %and3A_238 : vector<16xi32>
    %swap3A_240 = arith.constant 1 : i32
    %swap3A_241 = arith.index_cast %swap3A_240 : i32 to index
    %swap3A_242 = arith.constant 16 : index
    %swap3A_243 = tpu.vector_load %arg8[%swap3A_241, %swap3A_242] {strides = array<i32>} : memref<2x128xi32, #tpu.memory_space<vmem>>, vector<1x16xi32>,
    %swap3A_244 = vector.shape_cast %swap3A_243 : vector<1x16xi32> to vector<16xi32>
    %swap3A_245 = vector.shape_cast %and3A_239 : vector<16xi32> to vector<1x16xi32>
    tpu.vector_store %arg8[%swap3A_241, %swap3A_242], %swap3A_245 {strides = array<i32>} : memref<2x128xi32, #tpu.memory_space<vmem>>, vector<1x16xi32>,
    %get3A_246 = arith.constant 1 : i32
    %get3A_247 = arith.index_cast %get3A_246 : i32 to index
    %get3A_248 = arith.constant 32 : index
    %get3A_249 = tpu.vector_load %arg6[%get3A_247, %get3A_248] {strides = array<i32>} : memref<80x128xi32, #tpu.memory_space<vmem>>, vector<1x16xi32>,
    %get3A_250 = vector.shape_cast %get3A_249 : vector<1x16xi32> to vector<16xi32>
    %shift_right_arithmetic3A_251 = arith.constant 14 : i32
    %shift_right_arithmetic3A_252 = vector.broadcast %shift_right_arithmetic3A_251 : i32 to vector<16xi32>
    %shift_right_arithmetic3A_253 = arith.shrsi %get3A_250, %shift_right_arithmetic3A_252 : vector<16xi32>
    %swap3A_254 = arith.constant 1 : i32
    %swap3A_255 = arith.index_cast %swap3A_254 : i32 to index
    %swap3A_256 = arith.constant 32 : index
    %swap3A_257 = tpu.vector_load %arg7[%swap3A_255, %swap3A_256] {strides = array<i32>} : memref<2x128xi32, #tpu.memory_space<vmem>>, vector<1x16xi32>,
    %swap3A_258 = vector.shape_cast %swap3A_257 : vector<1x16xi32> to vector<16xi32>
    %swap3A_259 = vector.shape_cast %shift_right_arithmetic3A_253 : vector<16xi32> to vector<1x16xi32>
    tpu.vector_store %arg7[%swap3A_255, %swap3A_256], %swap3A_259 {strides = array<i32>} : memref<2x128xi32, #tpu.memory_space<vmem>>, vector<1x16xi32>,
    %and3A_260 = arith.constant 16383 : i32
    %and3A_261 = vector.broadcast %and3A_260 : i32 to vector<16xi32>
    %and3A_262 = arith.andi %get3A_250, %and3A_261 : vector<16xi32>
    %swap3A_263 = arith.constant 1 : i32
    %swap3A_264 = arith.index_cast %swap3A_263 : i32 to index
    %swap3A_265 = arith.constant 32 : index
    %swap3A_266 = tpu.vector_load %arg8[%swap3A_264, %swap3A_265] {strides = array<i32>} : memref<2x128xi32, #tpu.memory_space<vmem>>, vector<1x16xi32>,
    %swap3A_267 = vector.shape_cast %swap3A_266 : vector<1x16xi32> to vector<16xi32>
    %swap3A_268 = vector.shape_cast %and3A_262 : vector<16xi32> to vector<1x16xi32>
    tpu.vector_store %arg8[%swap3A_264, %swap3A_265], %swap3A_268 {strides = array<i32>} : memref<2x128xi32, #tpu.memory_space<vmem>>, vector<1x16xi32>,
    %get3A_269 = arith.constant 1 : i32
    %get3A_270 = arith.index_cast %get3A_269 : i32 to index
    %get3A_271 = arith.constant 48 : index
    %get3A_272 = tpu.vector_load %arg6[%get3A_270, %get3A_271] {strides = array<i32>} : memref<80x128xi32, #tpu.memory_space<vmem>>, vector<1x16xi32>,
    %get3A_273 = vector.shape_cast %get3A_272 : vector<1x16xi32> to vector<16xi32>
    %shift_right_arithmetic3A_274 = arith.constant 14 : i32
    %shift_right_arithmetic3A_275 = vector.broadcast %shift_right_arithmetic3A_274 : i32 to vector<16xi32>
    %shift_right_arithmetic3A_276 = arith.shrsi %get3A_273, %shift_right_arithmetic3A_275 : vector<16xi32>
    %swap3A_277 = arith.constant 1 : i32
    %swap3A_278 = arith.index_cast %swap3A_277 : i32 to index
    %swap3A_279 = arith.constant 48 : index
    %swap3A_280 = tpu.vector_load %arg7[%swap3A_278, %swap3A_279] {strides = array<i32>} : memref<2x128xi32, #tpu.memory_space<vmem>>, vector<1x16xi32>,
    %swap3A_281 = vector.shape_cast %swap3A_280 : vector<1x16xi32> to vector<16xi32>
    %swap3A_282 = vector.shape_cast %shift_right_arithmetic3A_276 : vector<16xi32> to vector<1x16xi32>
    tpu.vector_store %arg7[%swap3A_278, %swap3A_279], %swap3A_282 {strides = array<i32>} : memref<2x128xi32, #tpu.memory_space<vmem>>, vector<1x16xi32>,
    %and3A_283 = arith.constant 16383 : i32
    %and3A_284 = vector.broadcast %and3A_283 : i32 to vector<16xi32>
    %and3A_285 = arith.andi %get3A_273, %and3A_284 : vector<16xi32>
    %swap3A_286 = arith.constant 1 : i32
    %swap3A_287 = arith.index_cast %swap3A_286 : i32 to index
    %swap3A_288 = arith.constant 48 : index
    %swap3A_289 = tpu.vector_load %arg8[%swap3A_287, %swap3A_288] {strides = array<i32>} : memref<2x128xi32, #tpu.memory_space<vmem>>, vector<1x16xi32>,
    %swap3A_290 = vector.shape_cast %swap3A_289 : vector<1x16xi32> to vector<16xi32>
    %swap3A_291 = vector.shape_cast %and3A_285 : vector<16xi32> to vector<1x16xi32>
    tpu.vector_store %arg8[%swap3A_287, %swap3A_288], %swap3A_291 {strides = array<i32>} : memref<2x128xi32, #tpu.memory_space<vmem>>, vector<1x16xi32>,
    %get3A_292 = arith.constant 1 : i32
    %get3A_293 = arith.index_cast %get3A_292 : i32 to index
    %get3A_294 = arith.constant 64 : index
    %get3A_295 = tpu.vector_load %arg6[%get3A_293, %get3A_294] {strides = array<i32>} : memref<80x128xi32, #tpu.memory_space<vmem>>, vector<1x16xi32>,
    %get3A_296 = vector.shape_cast %get3A_295 : vector<1x16xi32> to vector<16xi32>
    %shift_right_arithmetic3A_297 = arith.constant 14 : i32
    %shift_right_arithmetic3A_298 = vector.broadcast %shift_right_arithmetic3A_297 : i32 to vector<16xi32>
    %shift_right_arithmetic3A_299 = arith.shrsi %get3A_296, %shift_right_arithmetic3A_298 : vector<16xi32>
    %swap3A_300 = arith.constant 1 : i32
    %swap3A_301 = arith.index_cast %swap3A_300 : i32 to index
    %swap3A_302 = arith.constant 64 : index
    %swap3A_303 = tpu.vector_load %arg7[%swap3A_301, %swap3A_302] {strides = array<i32>} : memref<2x128xi32, #tpu.memory_space<vmem>>, vector<1x16xi32>,
    %swap3A_304 = vector.shape_cast %swap3A_303 : vector<1x16xi32> to vector<16xi32>
    %swap3A_305 = vector.shape_cast %shift_right_arithmetic3A_299 : vector<16xi32> to vector<1x16xi32>
    tpu.vector_store %arg7[%swap3A_301, %swap3A_302], %swap3A_305 {strides = array<i32>} : memref<2x128xi32, #tpu.memory_space<vmem>>, vector<1x16xi32>,
    %and3A_306 = arith.constant 16383 : i32
    %and3A_307 = vector.broadcast %and3A_306 : i32 to vector<16xi32>
    %and3A_308 = arith.andi %get3A_296, %and3A_307 : vector<16xi32>
    %swap3A_309 = arith.constant 1 : i32
    %swap3A_310 = arith.index_cast %swap3A_309 : i32 to index
    %swap3A_311 = arith.constant 64 : index
    %swap3A_312 = tpu.vector_load %arg8[%swap3A_310, %swap3A_311] {strides = array<i32>} : memref<2x128xi32, #tpu.memory_space<vmem>>, vector<1x16xi32>,
    %swap3A_313 = vector.shape_cast %swap3A_312 : vector<1x16xi32> to vector<16xi32>
    %swap3A_314 = vector.shape_cast %and3A_308 : vector<16xi32> to vector<1x16xi32>
    tpu.vector_store %arg8[%swap3A_310, %swap3A_311], %swap3A_314 {strides = array<i32>} : memref<2x128xi32, #tpu.memory_space<vmem>>, vector<1x16xi32>,
    %get3A_315 = arith.constant 1 : i32
    %get3A_316 = arith.index_cast %get3A_315 : i32 to index
    %get3A_317 = arith.constant 80 : index
    %get3A_318 = tpu.vector_load %arg6[%get3A_316, %get3A_317] {strides = array<i32>} : memref<80x128xi32, #tpu.memory_space<vmem>>, vector<1x16xi32>,
    %get3A_319 = vector.shape_cast %get3A_318 : vector<1x16xi32> to vector<16xi32>
    %shift_right_arithmetic3A_320 = arith.constant 14 : i32
    %shift_right_arithmetic3A_321 = vector.broadcast %shift_right_arithmetic3A_320 : i32 to vector<16xi32>
    %shift_right_arithmetic3A_322 = arith.shrsi %get3A_319, %shift_right_arithmetic3A_321 : vector<16xi32>
    %swap3A_323 = arith.constant 1 : i32
    %swap3A_324 = arith.index_cast %swap3A_323 : i32 to index
    %swap3A_325 = arith.constant 80 : index
    %swap3A_326 = tpu.vector_load %arg7[%swap3A_324, %swap3A_325] {strides = array<i32>} : memref<2x128xi32, #tpu.memory_space<vmem>>, vector<1x16xi32>,
    %swap3A_327 = vector.shape_cast %swap3A_326 : vector<1x16xi32> to vector<16xi32>
    %swap3A_328 = vector.shape_cast %shift_right_arithmetic3A_322 : vector<16xi32> to vector<1x16xi32>
    tpu.vector_store %arg7[%swap3A_324, %swap3A_325], %swap3A_328 {strides = array<i32>} : memref<2x128xi32, #tpu.memory_space<vmem>>, vector<1x16xi32>,
    %and3A_329 = arith.constant 16383 : i32
    %and3A_330 = vector.broadcast %and3A_329 : i32 to vector<16xi32>
    %and3A_331 = arith.andi %get3A_319, %and3A_330 : vector<16xi32>
    %swap3A_332 = arith.constant 1 : i32
    %swap3A_333 = arith.index_cast %swap3A_332 : i32 to index
    %swap3A_334 = arith.constant 80 : index
    %swap3A_335 = tpu.vector_load %arg8[%swap3A_333, %swap3A_334] {strides = array<i32>} : memref<2x128xi32, #tpu.memory_space<vmem>>, vector<1x16xi32>,
    %swap3A_336 = vector.shape_cast %swap3A_335 : vector<1x16xi32> to vector<16xi32>
    %swap3A_337 = vector.shape_cast %and3A_331 : vector<16xi32> to vector<1x16xi32>
    tpu.vector_store %arg8[%swap3A_333, %swap3A_334], %swap3A_337 {strides = array<i32>} : memref<2x128xi32, #tpu.memory_space<vmem>>, vector<1x16xi32>,
    %get3A_338 = arith.constant 1 : i32
    %get3A_339 = arith.index_cast %get3A_338 : i32 to index
    %get3A_340 = arith.constant 96 : index
    %get3A_341 = tpu.vector_load %arg6[%get3A_339, %get3A_340] {strides = array<i32>} : memref<80x128xi32, #tpu.memory_space<vmem>>, vector<1x16xi32>,
    %get3A_342 = vector.shape_cast %get3A_341 : vector<1x16xi32> to vector<16xi32>
    %shift_right_arithmetic3A_343 = arith.constant 14 : i32
    %shift_right_arithmetic3A_344 = vector.broadcast %shift_right_arithmetic3A_343 : i32 to vector<16xi32>
    %shift_right_arithmetic3A_345 = arith.shrsi %get3A_342, %shift_right_arithmetic3A_344 : vector<16xi32>
    %swap3A_346 = arith.constant 1 : i32
    %swap3A_347 = arith.index_cast %swap3A_346 : i32 to index
    %swap3A_348 = arith.constant 96 : index
    %swap3A_349 = tpu.vector_load %arg7[%swap3A_347, %swap3A_348] {strides = array<i32>} : memref<2x128xi32, #tpu.memory_space<vmem>>, vector<1x16xi32>,
    %swap3A_350 = vector.shape_cast %swap3A_349 : vector<1x16xi32> to vector<16xi32>
    %swap3A_351 = vector.shape_cast %shift_right_arithmetic3A_345 : vector<16xi32> to vector<1x16xi32>
    tpu.vector_store %arg7[%swap3A_347, %swap3A_348], %swap3A_351 {strides = array<i32>} : memref<2x128xi32, #tpu.memory_space<vmem>>, vector<1x16xi32>,
    %and3A_352 = arith.constant 16383 : i32
    %and3A_353 = vector.broadcast %and3A_352 : i32 to vector<16xi32>
    %and3A_354 = arith.andi %get3A_342, %and3A_353 : vector<16xi32>
    %swap3A_355 = arith.constant 1 : i32
    %swap3A_356 = arith.index_cast %swap3A_355 : i32 to index
    %swap3A_357 = arith.constant 96 : index
    %swap3A_358 = tpu.vector_load %arg8[%swap3A_356, %swap3A_357] {strides = array<i32>} : memref<2x128xi32, #tpu.memory_space<vmem>>, vector<1x16xi32>,
    %swap3A_359 = vector.shape_cast %swap3A_358 : vector<1x16xi32> to vector<16xi32>
    %swap3A_360 = vector.shape_cast %and3A_354 : vector<16xi32> to vector<1x16xi32>
    tpu.vector_store %arg8[%swap3A_356, %swap3A_357], %swap3A_360 {strides = array<i32>} : memref<2x128xi32, #tpu.memory_space<vmem>>, vector<1x16xi32>,
    %get3A_361 = arith.constant 1 : i32
    %get3A_362 = arith.index_cast %get3A_361 : i32 to index
    %get3A_363 = arith.constant 112 : index
    %get3A_364 = tpu.vector_load %arg6[%get3A_362, %get3A_363] {strides = array<i32>} : memref<80x128xi32, #tpu.memory_space<vmem>>, vector<1x16xi32>,
    %get3A_365 = vector.shape_cast %get3A_364 : vector<1x16xi32> to vector<16xi32>
    %shift_right_arithmetic3A_366 = arith.constant 14 : i32
    %shift_right_arithmetic3A_367 = vector.broadcast %shift_right_arithmetic3A_366 : i32 to vector<16xi32>
    %shift_right_arithmetic3A_368 = arith.shrsi %get3A_365, %shift_right_arithmetic3A_367 : vector<16xi32>
    %swap3A_369 = arith.constant 1 : i32
    %swap3A_370 = arith.index_cast %swap3A_369 : i32 to index
    %swap3A_371 = arith.constant 112 : index
    %swap3A_372 = tpu.vector_load %arg7[%swap3A_370, %swap3A_371] {strides = array<i32>} : memref<2x128xi32, #tpu.memory_space<vmem>>, vector<1x16xi32>,
    %swap3A_373 = vector.shape_cast %swap3A_372 : vector<1x16xi32> to vector<16xi32>
    %swap3A_374 = vector.shape_cast %shift_right_arithmetic3A_368 : vector<16xi32> to vector<1x16xi32>
    tpu.vector_store %arg7[%swap3A_370, %swap3A_371], %swap3A_374 {strides = array<i32>} : memref<2x128xi32, #tpu.memory_space<vmem>>, vector<1x16xi32>,
    %and3A_375 = arith.constant 16383 : i32
    %and3A_376 = vector.broadcast %and3A_375 : i32 to vector<16xi32>
    %and3A_377 = arith.andi %get3A_365, %and3A_376 : vector<16xi32>
    %swap3A_378 = arith.constant 1 : i32
    %swap3A_379 = arith.index_cast %swap3A_378 : i32 to index
    %swap3A_380 = arith.constant 112 : index
    %swap3A_381 = tpu.vector_load %arg8[%swap3A_379, %swap3A_380] {strides = array<i32>} : memref<2x128xi32, #tpu.memory_space<vmem>>, vector<1x16xi32>,
    %swap3A_382 = vector.shape_cast %swap3A_381 : vector<1x16xi32> to vector<16xi32>
    %swap3A_383 = vector.shape_cast %and3A_377 : vector<16xi32> to vector<1x16xi32>
    tpu.vector_store %arg8[%swap3A_379, %swap3A_380], %swap3A_383 {strides = array<i32>} : memref<2x128xi32, #tpu.memory_space<vmem>>, vector<1x16xi32>,
    %dma_start3A_384 = arith.constant 1 : i32
    %dma_start3A_385 = arith.constant 0 : i32
    %dma_start3A_386 = tpu.memref_slice %arg7[%dma_start3A_384, %dma_start3A_385] : memref<2x128xi32, #tpu.memory_space<vmem>> -> memref<1x128xi32, #tpu.memory_space<vmem>>
    %dma_start3A_387 = tpu.memref_squeeze %dma_start3A_386 : memref<1x128xi32, #tpu.memory_space<vmem>> -> memref<128xi32, #tpu.memory_space<vmem>>
    %dma_start3A_388 = arith.constant 0 : i32
    %dma_start3A_389 = arith.constant 0 : i32
    %dma_start3A_390 = tpu.memref_slice %arg2[%dma_start3A_388, %dma_start3A_389] : memref<20000x128xf32, #tpu.memory_space<hbm>> -> memref<20000x128xf32, #tpu.memory_space<hbm>>
    tpu.enqueue_indirect_dma source(%dma_start3A_390 : memref<20000x128xf32, #tpu.memory_space<hbm>>) target(%arg10 : memref<128x128xf32, #tpu.memory_space<vmem>>) offsets(%dma_start3A_387 : memref<128xi32, #tpu.memory_space<vmem>>) semaphore(%arg12 : memref<!tpu.dma_semaphore, #tpu.memory_space<semaphore_mem>>)
    %dma_wait3A_391 = arith.constant 1 : i32
    %dma_wait3A_392 = arith.constant 0 : i32
    %dma_wait3A_393 = tpu.memref_slice %arg7[%dma_wait3A_391, %dma_wait3A_392] : memref<2x128xi32, #tpu.memory_space<vmem>> -> memref<1x128xi32, #tpu.memory_space<vmem>>
    %dma_wait3A_394 = tpu.memref_squeeze %dma_wait3A_393 : memref<1x128xi32, #tpu.memory_space<vmem>> -> memref<128xi32, #tpu.memory_space<vmem>>
    %dma_wait3A_395 = arith.constant 0 : i32
    %dma_wait3A_396 = arith.constant 0 : i32
    %dma_wait3A_397 = tpu.memref_slice %arg2[%dma_wait3A_395, %dma_wait3A_396] : memref<20000x128xf32, #tpu.memory_space<hbm>> -> memref<20000x128xf32, #tpu.memory_space<hbm>>
    tpu.wait_indirect_dma semaphore(%arg12 : memref<!tpu.dma_semaphore, #tpu.memory_space<semaphore_mem>>) src(%dma_wait3A_397 : memref<20000x128xf32, #tpu.memory_space<hbm>>) dst(%arg10 : memref<128x128xf32, #tpu.memory_space<vmem>>)
    %dma_start3A_398 = arith.constant 1 : i32
    %dma_start3A_399 = arith.constant 0 : i32
    %dma_start3A_400 = tpu.memref_slice %arg8[%dma_start3A_398, %dma_start3A_399] : memref<2x128xi32, #tpu.memory_space<vmem>> -> memref<1x128xi32, #tpu.memory_space<vmem>>
    %dma_start3A_401 = tpu.memref_squeeze %dma_start3A_400 : memref<1x128xi32, #tpu.memory_space<vmem>> -> memref<128xi32, #tpu.memory_space<vmem>>
    %dma_start3A_402 = arith.constant 0 : i32
    %dma_start3A_403 = arith.constant 0 : i32
    %dma_start3A_404 = tpu.memref_slice %arg11[%dma_start3A_402, %dma_start3A_403] : memref<10112x128xf32, #tpu.memory_space<vmem_shared>> -> memref<10112x128xf32, #tpu.memory_space<vmem_shared>>
    tpu.enqueue_indirect_dma source(%arg10 : memref<128x128xf32, #tpu.memory_space<vmem>>) target(%dma_start3A_404 : memref<10112x128xf32, #tpu.memory_space<vmem_shared>>) offsets(%dma_start3A_401 : memref<128xi32, #tpu.memory_space<vmem>>) semaphore(%arg14 : memref<!tpu.dma_semaphore, #tpu.memory_space<semaphore_mem>>) {add = true}
    %scan3A = arith.constant 0 : i32
    %scan3A_405 = arith.constant 1 : i32
    %scan3A_406 = arith.constant 39 : i32
    %scan3A_407 = arith.addi %scan3A_405, %scan3A_406 : i32
    %scan3A_408 = arith.constant 1 : i32
    scf.for %scan3A_431 = %scan3A_405 to %scan3A_407 step %scan3A_408  : i32 {
      %mul3A_432 = arith.constant 2 : i32
      %mul3A_433 = arith.muli %mul3A_432, %scan3A_431 : i32
      %dma_wait3A_434 = arith.constant 0 : i32
      %dma_wait3A_435 = arith.constant 0 : i32
      %dma_wait3A_436 = tpu.memref_slice %arg8[%dma_wait3A_434, %dma_wait3A_435] : memref<2x128xi32, #tpu.memory_space<vmem>> -> memref<1x128xi32, #tpu.memory_space<vmem>>
      %dma_wait3A_437 = tpu.memref_squeeze %dma_wait3A_436 : memref<1x128xi32, #tpu.memory_space<vmem>> -> memref<128xi32, #tpu.memory_space<vmem>>
      %dma_wait3A_438 = arith.constant 0 : i32
      %dma_wait3A_439 = arith.constant 0 : i32
      %dma_wait3A_440 = tpu.memref_slice %arg11[%dma_wait3A_438, %dma_wait3A_439] : memref<10112x128xf32, #tpu.memory_space<vmem_shared>> -> memref<10112x128xf32, #tpu.memory_space<vmem_shared>>
      tpu.wait_indirect_dma semaphore(%arg13 : memref<!tpu.dma_semaphore, #tpu.memory_space<semaphore_mem>>) src(%arg9 : memref<128x128xf32, #tpu.memory_space<vmem>>) dst(%dma_wait3A_440 : memref<10112x128xf32, #tpu.memory_space<vmem_shared>>)
      %get3A_441 = arith.index_cast %mul3A_433 : i32 to index
      %get3A_442 = arith.constant 0 : index
      %get3A_443 = tpu.vector_load %arg6[%get3A_441, %get3A_442] {strides = array<i32>} : memref<80x128xi32, #tpu.memory_space<vmem>>, vector<1x16xi32>,
      %get3A_444 = vector.shape_cast %get3A_443 : vector<1x16xi32> to vector<16xi32>
      %shift_right_arithmetic3A_445 = arith.constant 14 : i32
      %shift_right_arithmetic3A_446 = vector.broadcast %shift_right_arithmetic3A_445 : i32 to vector<16xi32>
      %shift_right_arithmetic3A_447 = arith.shrsi %get3A_444, %shift_right_arithmetic3A_446 : vector<16xi32>
      %swap3A_448 = arith.constant 0 : i32
      %swap3A_449 = arith.index_cast %swap3A_448 : i32 to index
      %swap3A_450 = arith.constant 0 : index
      %swap3A_451 = tpu.vector_load %arg7[%swap3A_449, %swap3A_450] {strides = array<i32>} : memref<2x128xi32, #tpu.memory_space<vmem>>, vector<1x16xi32>,
      %swap3A_452 = vector.shape_cast %swap3A_451 : vector<1x16xi32> to vector<16xi32>
      %swap3A_453 = vector.shape_cast %shift_right_arithmetic3A_447 : vector<16xi32> to vector<1x16xi32>
      tpu.vector_store %arg7[%swap3A_449, %swap3A_450], %swap3A_453 {strides = array<i32>} : memref<2x128xi32, #tpu.memory_space<vmem>>, vector<1x16xi32>,
      %and3A_454 = arith.constant 16383 : i32
      %and3A_455 = vector.broadcast %and3A_454 : i32 to vector<16xi32>
      %and3A_456 = arith.andi %get3A_444, %and3A_455 : vector<16xi32>
      %swap3A_457 = arith.constant 0 : i32
      %swap3A_458 = arith.index_cast %swap3A_457 : i32 to index
      %swap3A_459 = arith.constant 0 : index
      %swap3A_460 = tpu.vector_load %arg8[%swap3A_458, %swap3A_459] {strides = array<i32>} : memref<2x128xi32, #tpu.memory_space<vmem>>, vector<1x16xi32>,
      %swap3A_461 = vector.shape_cast %swap3A_460 : vector<1x16xi32> to vector<16xi32>
      %swap3A_462 = vector.shape_cast %and3A_456 : vector<16xi32> to vector<1x16xi32>
      tpu.vector_store %arg8[%swap3A_458, %swap3A_459], %swap3A_462 {strides = array<i32>} : memref<2x128xi32, #tpu.memory_space<vmem>>, vector<1x16xi32>,
      %get3A_463 = arith.index_cast %mul3A_433 : i32 to index
      %get3A_464 = arith.constant 16 : index
      %get3A_465 = tpu.vector_load %arg6[%get3A_463, %get3A_464] {strides = array<i32>} : memref<80x128xi32, #tpu.memory_space<vmem>>, vector<1x16xi32>,
      %get3A_466 = vector.shape_cast %get3A_465 : vector<1x16xi32> to vector<16xi32>
      %shift_right_arithmetic3A_467 = arith.constant 14 : i32
      %shift_right_arithmetic3A_468 = vector.broadcast %shift_right_arithmetic3A_467 : i32 to vector<16xi32>
      %shift_right_arithmetic3A_469 = arith.shrsi %get3A_466, %shift_right_arithmetic3A_468 : vector<16xi32>
      %swap3A_470 = arith.constant 0 : i32
      %swap3A_471 = arith.index_cast %swap3A_470 : i32 to index
      %swap3A_472 = arith.constant 16 : index
      %swap3A_473 = tpu.vector_load %arg7[%swap3A_471, %swap3A_472] {strides = array<i32>} : memref<2x128xi32, #tpu.memory_space<vmem>>, vector<1x16xi32>,
      %swap3A_474 = vector.shape_cast %swap3A_473 : vector<1x16xi32> to vector<16xi32>
      %swap3A_475 = vector.shape_cast %shift_right_arithmetic3A_469 : vector<16xi32> to vector<1x16xi32>
      tpu.vector_store %arg7[%swap3A_471, %swap3A_472], %swap3A_475 {strides = array<i32>} : memref<2x128xi32, #tpu.memory_space<vmem>>, vector<1x16xi32>,
      %and3A_476 = arith.constant 16383 : i32
      %and3A_477 = vector.broadcast %and3A_476 : i32 to vector<16xi32>
      %and3A_478 = arith.andi %get3A_466, %and3A_477 : vector<16xi32>
      %swap3A_479 = arith.constant 0 : i32
      %swap3A_480 = arith.index_cast %swap3A_479 : i32 to index
      %swap3A_481 = arith.constant 16 : index
      %swap3A_482 = tpu.vector_load %arg8[%swap3A_480, %swap3A_481] {strides = array<i32>} : memref<2x128xi32, #tpu.memory_space<vmem>>, vector<1x16xi32>,
      %swap3A_483 = vector.shape_cast %swap3A_482 : vector<1x16xi32> to vector<16xi32>
      %swap3A_484 = vector.shape_cast %and3A_478 : vector<16xi32> to vector<1x16xi32>
      tpu.vector_store %arg8[%swap3A_480, %swap3A_481], %swap3A_484 {strides = array<i32>} : memref<2x128xi32, #tpu.memory_space<vmem>>, vector<1x16xi32>,
      %get3A_485 = arith.index_cast %mul3A_433 : i32 to index
      %get3A_486 = arith.constant 32 : index
      %get3A_487 = tpu.vector_load %arg6[%get3A_485, %get3A_486] {strides = array<i32>} : memref<80x128xi32, #tpu.memory_space<vmem>>, vector<1x16xi32>,
      %get3A_488 = vector.shape_cast %get3A_487 : vector<1x16xi32> to vector<16xi32>
      %shift_right_arithmetic3A_489 = arith.constant 14 : i32
      %shift_right_arithmetic3A_490 = vector.broadcast %shift_right_arithmetic3A_489 : i32 to vector<16xi32>
      %shift_right_arithmetic3A_491 = arith.shrsi %get3A_488, %shift_right_arithmetic3A_490 : vector<16xi32>
      %swap3A_492 = arith.constant 0 : i32
      %swap3A_493 = arith.index_cast %swap3A_492 : i32 to index
      %swap3A_494 = arith.constant 32 : index
      %swap3A_495 = tpu.vector_load %arg7[%swap3A_493, %swap3A_494] {strides = array<i32>} : memref<2x128xi32, #tpu.memory_space<vmem>>, vector<1x16xi32>,
      %swap3A_496 = vector.shape_cast %swap3A_495 : vector<1x16xi32> to vector<16xi32>
      %swap3A_497 = vector.shape_cast %shift_right_arithmetic3A_491 : vector<16xi32> to vector<1x16xi32>
      tpu.vector_store %arg7[%swap3A_493, %swap3A_494], %swap3A_497 {strides = array<i32>} : memref<2x128xi32, #tpu.memory_space<vmem>>, vector<1x16xi32>,
      %and3A_498 = arith.constant 16383 : i32
      %and3A_499 = vector.broadcast %and3A_498 : i32 to vector<16xi32>
      %and3A_500 = arith.andi %get3A_488, %and3A_499 : vector<16xi32>
      %swap3A_501 = arith.constant 0 : i32
      %swap3A_502 = arith.index_cast %swap3A_501 : i32 to index
      %swap3A_503 = arith.constant 32 : index
      %swap3A_504 = tpu.vector_load %arg8[%swap3A_502, %swap3A_503] {strides = array<i32>} : memref<2x128xi32, #tpu.memory_space<vmem>>, vector<1x16xi32>,
      %swap3A_505 = vector.shape_cast %swap3A_504 : vector<1x16xi32> to vector<16xi32>
      %swap3A_506 = vector.shape_cast %and3A_500 : vector<16xi32> to vector<1x16xi32>
      tpu.vector_store %arg8[%swap3A_502, %swap3A_503], %swap3A_506 {strides = array<i32>} : memref<2x128xi32, #tpu.memory_space<vmem>>, vector<1x16xi32>,
      %get3A_507 = arith.index_cast %mul3A_433 : i32 to index
      %get3A_508 = arith.constant 48 : index
      %get3A_509 = tpu.vector_load %arg6[%get3A_507, %get3A_508] {strides = array<i32>} : memref<80x128xi32, #tpu.memory_space<vmem>>, vector<1x16xi32>,
      %get3A_510 = vector.shape_cast %get3A_509 : vector<1x16xi32> to vector<16xi32>
      %shift_right_arithmetic3A_511 = arith.constant 14 : i32
      %shift_right_arithmetic3A_512 = vector.broadcast %shift_right_arithmetic3A_511 : i32 to vector<16xi32>
      %shift_right_arithmetic3A_513 = arith.shrsi %get3A_510, %shift_right_arithmetic3A_512 : vector<16xi32>
      %swap3A_514 = arith.constant 0 : i32
      %swap3A_515 = arith.index_cast %swap3A_514 : i32 to index
      %swap3A_516 = arith.constant 48 : index
      %swap3A_517 = tpu.vector_load %arg7[%swap3A_515, %swap3A_516] {strides = array<i32>} : memref<2x128xi32, #tpu.memory_space<vmem>>, vector<1x16xi32>,
      %swap3A_518 = vector.shape_cast %swap3A_517 : vector<1x16xi32> to vector<16xi32>
      %swap3A_519 = vector.shape_cast %shift_right_arithmetic3A_513 : vector<16xi32> to vector<1x16xi32>
      tpu.vector_store %arg7[%swap3A_515, %swap3A_516], %swap3A_519 {strides = array<i32>} : memref<2x128xi32, #tpu.memory_space<vmem>>, vector<1x16xi32>,
      %and3A_520 = arith.constant 16383 : i32
      %and3A_521 = vector.broadcast %and3A_520 : i32 to vector<16xi32>
      %and3A_522 = arith.andi %get3A_510, %and3A_521 : vector<16xi32>
      %swap3A_523 = arith.constant 0 : i32
      %swap3A_524 = arith.index_cast %swap3A_523 : i32 to index
      %swap3A_525 = arith.constant 48 : index
      %swap3A_526 = tpu.vector_load %arg8[%swap3A_524, %swap3A_525] {strides = array<i32>} : memref<2x128xi32, #tpu.memory_space<vmem>>, vector<1x16xi32>,
      %swap3A_527 = vector.shape_cast %swap3A_526 : vector<1x16xi32> to vector<16xi32>
      %swap3A_528 = vector.shape_cast %and3A_522 : vector<16xi32> to vector<1x16xi32>
      tpu.vector_store %arg8[%swap3A_524, %swap3A_525], %swap3A_528 {strides = array<i32>} : memref<2x128xi32, #tpu.memory_space<vmem>>, vector<1x16xi32>,
      %get3A_529 = arith.index_cast %mul3A_433 : i32 to index
      %get3A_530 = arith.constant 64 : index
      %get3A_531 = tpu.vector_load %arg6[%get3A_529, %get3A_530] {strides = array<i32>} : memref<80x128xi32, #tpu.memory_space<vmem>>, vector<1x16xi32>,
      %get3A_532 = vector.shape_cast %get3A_531 : vector<1x16xi32> to vector<16xi32>
      %shift_right_arithmetic3A_533 = arith.constant 14 : i32
      %shift_right_arithmetic3A_534 = vector.broadcast %shift_right_arithmetic3A_533 : i32 to vector<16xi32>
      %shift_right_arithmetic3A_535 = arith.shrsi %get3A_532, %shift_right_arithmetic3A_534 : vector<16xi32>
      %swap3A_536 = arith.constant 0 : i32
      %swap3A_537 = arith.index_cast %swap3A_536 : i32 to index
      %swap3A_538 = arith.constant 64 : index
      %swap3A_539 = tpu.vector_load %arg7[%swap3A_537, %swap3A_538] {strides = array<i32>} : memref<2x128xi32, #tpu.memory_space<vmem>>, vector<1x16xi32>,
      %swap3A_540 = vector.shape_cast %swap3A_539 : vector<1x16xi32> to vector<16xi32>
      %swap3A_541 = vector.shape_cast %shift_right_arithmetic3A_535 : vector<16xi32> to vector<1x16xi32>
      tpu.vector_store %arg7[%swap3A_537, %swap3A_538], %swap3A_541 {strides = array<i32>} : memref<2x128xi32, #tpu.memory_space<vmem>>, vector<1x16xi32>,
      %and3A_542 = arith.constant 16383 : i32
      %and3A_543 = vector.broadcast %and3A_542 : i32 to vector<16xi32>
      %and3A_544 = arith.andi %get3A_532, %and3A_543 : vector<16xi32>
      %swap3A_545 = arith.constant 0 : i32
      %swap3A_546 = arith.index_cast %swap3A_545 : i32 to index
      %swap3A_547 = arith.constant 64 : index
      %swap3A_548 = tpu.vector_load %arg8[%swap3A_546, %swap3A_547] {strides = array<i32>} : memref<2x128xi32, #tpu.memory_space<vmem>>, vector<1x16xi32>,
      %swap3A_549 = vector.shape_cast %swap3A_548 : vector<1x16xi32> to vector<16xi32>
      %swap3A_550 = vector.shape_cast %and3A_544 : vector<16xi32> to vector<1x16xi32>
      tpu.vector_store %arg8[%swap3A_546, %swap3A_547], %swap3A_550 {strides = array<i32>} : memref<2x128xi32, #tpu.memory_space<vmem>>, vector<1x16xi32>,
      %get3A_551 = arith.index_cast %mul3A_433 : i32 to index
      %get3A_552 = arith.constant 80 : index
      %get3A_553 = tpu.vector_load %arg6[%get3A_551, %get3A_552] {strides = array<i32>} : memref<80x128xi32, #tpu.memory_space<vmem>>, vector<1x16xi32>,
      %get3A_554 = vector.shape_cast %get3A_553 : vector<1x16xi32> to vector<16xi32>
      %shift_right_arithmetic3A_555 = arith.constant 14 : i32
      %shift_right_arithmetic3A_556 = vector.broadcast %shift_right_arithmetic3A_555 : i32 to vector<16xi32>
      %shift_right_arithmetic3A_557 = arith.shrsi %get3A_554, %shift_right_arithmetic3A_556 : vector<16xi32>
      %swap3A_558 = arith.constant 0 : i32
      %swap3A_559 = arith.index_cast %swap3A_558 : i32 to index
      %swap3A_560 = arith.constant 80 : index
      %swap3A_561 = tpu.vector_load %arg7[%swap3A_559, %swap3A_560] {strides = array<i32>} : memref<2x128xi32, #tpu.memory_space<vmem>>, vector<1x16xi32>,
      %swap3A_562 = vector.shape_cast %swap3A_561 : vector<1x16xi32> to vector<16xi32>
      %swap3A_563 = vector.shape_cast %shift_right_arithmetic3A_557 : vector<16xi32> to vector<1x16xi32>
      tpu.vector_store %arg7[%swap3A_559, %swap3A_560], %swap3A_563 {strides = array<i32>} : memref<2x128xi32, #tpu.memory_space<vmem>>, vector<1x16xi32>,
      %and3A_564 = arith.constant 16383 : i32
      %and3A_565 = vector.broadcast %and3A_564 : i32 to vector<16xi32>
      %and3A_566 = arith.andi %get3A_554, %and3A_565 : vector<16xi32>
      %swap3A_567 = arith.constant 0 : i32
      %swap3A_568 = arith.index_cast %swap3A_567 : i32 to index
      %swap3A_569 = arith.constant 80 : index
      %swap3A_570 = tpu.vector_load %arg8[%swap3A_568, %swap3A_569] {strides = array<i32>} : memref<2x128xi32, #tpu.memory_space<vmem>>, vector<1x16xi32>,
      %swap3A_571 = vector.shape_cast %swap3A_570 : vector<1x16xi32> to vector<16xi32>
      %swap3A_572 = vector.shape_cast %and3A_566 : vector<16xi32> to vector<1x16xi32>
      tpu.vector_store %arg8[%swap3A_568, %swap3A_569], %swap3A_572 {strides = array<i32>} : memref<2x128xi32, #tpu.memory_space<vmem>>, vector<1x16xi32>,
      %get3A_573 = arith.index_cast %mul3A_433 : i32 to index
      %get3A_574 = arith.constant 96 : index
      %get3A_575 = tpu.vector_load %arg6[%get3A_573, %get3A_574] {strides = array<i32>} : memref<80x128xi32, #tpu.memory_space<vmem>>, vector<1x16xi32>,
      %get3A_576 = vector.shape_cast %get3A_575 : vector<1x16xi32> to vector<16xi32>
      %shift_right_arithmetic3A_577 = arith.constant 14 : i32
      %shift_right_arithmetic3A_578 = vector.broadcast %shift_right_arithmetic3A_577 : i32 to vector<16xi32>
      %shift_right_arithmetic3A_579 = arith.shrsi %get3A_576, %shift_right_arithmetic3A_578 : vector<16xi32>
      %swap3A_580 = arith.constant 0 : i32
      %swap3A_581 = arith.index_cast %swap3A_580 : i32 to index
      %swap3A_582 = arith.constant 96 : index
      %swap3A_583 = tpu.vector_load %arg7[%swap3A_581, %swap3A_582] {strides = array<i32>} : memref<2x128xi32, #tpu.memory_space<vmem>>, vector<1x16xi32>,
      %swap3A_584 = vector.shape_cast %swap3A_583 : vector<1x16xi32> to vector<16xi32>
      %swap3A_585 = vector.shape_cast %shift_right_arithmetic3A_579 : vector<16xi32> to vector<1x16xi32>
      tpu.vector_store %arg7[%swap3A_581, %swap3A_582], %swap3A_585 {strides = array<i32>} : memref<2x128xi32, #tpu.memory_space<vmem>>, vector<1x16xi32>,
      %and3A_586 = arith.constant 16383 : i32
      %and3A_587 = vector.broadcast %and3A_586 : i32 to vector<16xi32>
      %and3A_588 = arith.andi %get3A_576, %and3A_587 : vector<16xi32>
      %swap3A_589 = arith.constant 0 : i32
      %swap3A_590 = arith.index_cast %swap3A_589 : i32 to index
      %swap3A_591 = arith.constant 96 : index
      %swap3A_592 = tpu.vector_load %arg8[%swap3A_590, %swap3A_591] {strides = array<i32>} : memref<2x128xi32, #tpu.memory_space<vmem>>, vector<1x16xi32>,
      %swap3A_593 = vector.shape_cast %swap3A_592 : vector<1x16xi32> to vector<16xi32>
      %swap3A_594 = vector.shape_cast %and3A_588 : vector<16xi32> to vector<1x16xi32>
      tpu.vector_store %arg8[%swap3A_590, %swap3A_591], %swap3A_594 {strides = array<i32>} : memref<2x128xi32, #tpu.memory_space<vmem>>, vector<1x16xi32>,
      %get3A_595 = arith.index_cast %mul3A_433 : i32 to index
      %get3A_596 = arith.constant 112 : index
      %get3A_597 = tpu.vector_load %arg6[%get3A_595, %get3A_596] {strides = array<i32>} : memref<80x128xi32, #tpu.memory_space<vmem>>, vector<1x16xi32>,
      %get3A_598 = vector.shape_cast %get3A_597 : vector<1x16xi32> to vector<16xi32>
      %shift_right_arithmetic3A_599 = arith.constant 14 : i32
      %shift_right_arithmetic3A_600 = vector.broadcast %shift_right_arithmetic3A_599 : i32 to vector<16xi32>
      %shift_right_arithmetic3A_601 = arith.shrsi %get3A_598, %shift_right_arithmetic3A_600 : vector<16xi32>
      %swap3A_602 = arith.constant 0 : i32
      %swap3A_603 = arith.index_cast %swap3A_602 : i32 to index
      %swap3A_604 = arith.constant 112 : index
      %swap3A_605 = tpu.vector_load %arg7[%swap3A_603, %swap3A_604] {strides = array<i32>} : memref<2x128xi32, #tpu.memory_space<vmem>>, vector<1x16xi32>,
      %swap3A_606 = vector.shape_cast %swap3A_605 : vector<1x16xi32> to vector<16xi32>
      %swap3A_607 = vector.shape_cast %shift_right_arithmetic3A_601 : vector<16xi32> to vector<1x16xi32>
      tpu.vector_store %arg7[%swap3A_603, %swap3A_604], %swap3A_607 {strides = array<i32>} : memref<2x128xi32, #tpu.memory_space<vmem>>, vector<1x16xi32>,
      %and3A_608 = arith.constant 16383 : i32
      %and3A_609 = vector.broadcast %and3A_608 : i32 to vector<16xi32>
      %and3A_610 = arith.andi %get3A_598, %and3A_609 : vector<16xi32>
      %swap3A_611 = arith.constant 0 : i32
      %swap3A_612 = arith.index_cast %swap3A_611 : i32 to index
      %swap3A_613 = arith.constant 112 : index
      %swap3A_614 = tpu.vector_load %arg8[%swap3A_612, %swap3A_613] {strides = array<i32>} : memref<2x128xi32, #tpu.memory_space<vmem>>, vector<1x16xi32>,
      %swap3A_615 = vector.shape_cast %swap3A_614 : vector<1x16xi32> to vector<16xi32>
      %swap3A_616 = vector.shape_cast %and3A_610 : vector<16xi32> to vector<1x16xi32>
      tpu.vector_store %arg8[%swap3A_612, %swap3A_613], %swap3A_616 {strides = array<i32>} : memref<2x128xi32, #tpu.memory_space<vmem>>, vector<1x16xi32>,
      %dma_start3A_617 = arith.constant 0 : i32
      %dma_start3A_618 = arith.constant 0 : i32
      %dma_start3A_619 = tpu.memref_slice %arg7[%dma_start3A_617, %dma_start3A_618] : memref<2x128xi32, #tpu.memory_space<vmem>> -> memref<1x128xi32, #tpu.memory_space<vmem>>
      %dma_start3A_620 = tpu.memref_squeeze %dma_start3A_619 : memref<1x128xi32, #tpu.memory_space<vmem>> -> memref<128xi32, #tpu.memory_space<vmem>>
      %dma_start3A_621 = arith.constant 0 : i32
      %dma_start3A_622 = arith.constant 0 : i32
      %dma_start3A_623 = tpu.memref_slice %arg2[%dma_start3A_621, %dma_start3A_622] : memref<20000x128xf32, #tpu.memory_space<hbm>> -> memref<20000x128xf32, #tpu.memory_space<hbm>>
      tpu.enqueue_indirect_dma source(%dma_start3A_623 : memref<20000x128xf32, #tpu.memory_space<hbm>>) target(%arg9 : memref<128x128xf32, #tpu.memory_space<vmem>>) offsets(%dma_start3A_620 : memref<128xi32, #tpu.memory_space<vmem>>) semaphore(%arg12 : memref<!tpu.dma_semaphore, #tpu.memory_space<semaphore_mem>>)
      %dma_wait3A_624 = arith.constant 0 : i32
      %dma_wait3A_625 = arith.constant 0 : i32
      %dma_wait3A_626 = tpu.memref_slice %arg7[%dma_wait3A_624, %dma_wait3A_625] : memref<2x128xi32, #tpu.memory_space<vmem>> -> memref<1x128xi32, #tpu.memory_space<vmem>>
      %dma_wait3A_627 = tpu.memref_squeeze %dma_wait3A_626 : memref<1x128xi32, #tpu.memory_space<vmem>> -> memref<128xi32, #tpu.memory_space<vmem>>
      %dma_wait3A_628 = arith.constant 0 : i32
      %dma_wait3A_629 = arith.constant 0 : i32
      %dma_wait3A_630 = tpu.memref_slice %arg2[%dma_wait3A_628, %dma_wait3A_629] : memref<20000x128xf32, #tpu.memory_space<hbm>> -> memref<20000x128xf32, #tpu.memory_space<hbm>>
      tpu.wait_indirect_dma semaphore(%arg12 : memref<!tpu.dma_semaphore, #tpu.memory_space<semaphore_mem>>) src(%dma_wait3A_630 : memref<20000x128xf32, #tpu.memory_space<hbm>>) dst(%arg9 : memref<128x128xf32, #tpu.memory_space<vmem>>)
      %dma_start3A_631 = arith.constant 0 : i32
      %dma_start3A_632 = arith.constant 0 : i32
      %dma_start3A_633 = tpu.memref_slice %arg8[%dma_start3A_631, %dma_start3A_632] : memref<2x128xi32, #tpu.memory_space<vmem>> -> memref<1x128xi32, #tpu.memory_space<vmem>>
      %dma_start3A_634 = tpu.memref_squeeze %dma_start3A_633 : memref<1x128xi32, #tpu.memory_space<vmem>> -> memref<128xi32, #tpu.memory_space<vmem>>
      %dma_start3A_635 = arith.constant 0 : i32
      %dma_start3A_636 = arith.constant 0 : i32
      %dma_start3A_637 = tpu.memref_slice %arg11[%dma_start3A_635, %dma_start3A_636] : memref<10112x128xf32, #tpu.memory_space<vmem_shared>> -> memref<10112x128xf32, #tpu.memory_space<vmem_shared>>
      tpu.enqueue_indirect_dma source(%arg9 : memref<128x128xf32, #tpu.memory_space<vmem>>) target(%dma_start3A_637 : memref<10112x128xf32, #tpu.memory_space<vmem_shared>>) offsets(%dma_start3A_634 : memref<128xi32, #tpu.memory_space<vmem>>) semaphore(%arg13 : memref<!tpu.dma_semaphore, #tpu.memory_space<semaphore_mem>>) {add = true}
      %dma_wait3A_638 = arith.constant 1 : i32
      %dma_wait3A_639 = arith.constant 0 : i32
      %dma_wait3A_640 = tpu.memref_slice %arg8[%dma_wait3A_638, %dma_wait3A_639] : memref<2x128xi32, #tpu.memory_space<vmem>> -> memref<1x128xi32, #tpu.memory_space<vmem>>
      %dma_wait3A_641 = tpu.memref_squeeze %dma_wait3A_640 : memref<1x128xi32, #tpu.memory_space<vmem>> -> memref<128xi32, #tpu.memory_space<vmem>>
      %dma_wait3A_642 = arith.constant 0 : i32
      %dma_wait3A_643 = arith.constant 0 : i32
      %dma_wait3A_644 = tpu.memref_slice %arg11[%dma_wait3A_642, %dma_wait3A_643] : memref<10112x128xf32, #tpu.memory_space<vmem_shared>> -> memref<10112x128xf32, #tpu.memory_space<vmem_shared>>
      tpu.wait_indirect_dma semaphore(%arg14 : memref<!tpu.dma_semaphore, #tpu.memory_space<semaphore_mem>>) src(%arg10 : memref<128x128xf32, #tpu.memory_space<vmem>>) dst(%dma_wait3A_644 : memref<10112x128xf32, #tpu.memory_space<vmem_shared>>)
      %add3A = arith.constant 1 : i32
      %add3A_645 = arith.addi %mul3A_433, %add3A : i32
      %get3A_646 = arith.index_cast %add3A_645 : i32 to index
      %get3A_647 = arith.constant 0 : index
      %get3A_648 = tpu.vector_load %arg6[%get3A_646, %get3A_647] {strides = array<i32>} : memref<80x128xi32, #tpu.memory_space<vmem>>, vector<1x16xi32>,
      %get3A_649 = vector.shape_cast %get3A_648 : vector<1x16xi32> to vector<16xi32>
      %shift_right_arithmetic3A_650 = arith.constant 14 : i32
      %shift_right_arithmetic3A_651 = vector.broadcast %shift_right_arithmetic3A_650 : i32 to vector<16xi32>
      %shift_right_arithmetic3A_652 = arith.shrsi %get3A_649, %shift_right_arithmetic3A_651 : vector<16xi32>
      %swap3A_653 = arith.constant 1 : i32
      %swap3A_654 = arith.index_cast %swap3A_653 : i32 to index
      %swap3A_655 = arith.constant 0 : index
      %swap3A_656 = tpu.vector_load %arg7[%swap3A_654, %swap3A_655] {strides = array<i32>} : memref<2x128xi32, #tpu.memory_space<vmem>>, vector<1x16xi32>,
      %swap3A_657 = vector.shape_cast %swap3A_656 : vector<1x16xi32> to vector<16xi32>
      %swap3A_658 = vector.shape_cast %shift_right_arithmetic3A_652 : vector<16xi32> to vector<1x16xi32>
      tpu.vector_store %arg7[%swap3A_654, %swap3A_655], %swap3A_658 {strides = array<i32>} : memref<2x128xi32, #tpu.memory_space<vmem>>, vector<1x16xi32>,
      %and3A_659 = arith.constant 16383 : i32
      %and3A_660 = vector.broadcast %and3A_659 : i32 to vector<16xi32>
      %and3A_661 = arith.andi %get3A_649, %and3A_660 : vector<16xi32>
      %swap3A_662 = arith.constant 1 : i32
      %swap3A_663 = arith.index_cast %swap3A_662 : i32 to index
      %swap3A_664 = arith.constant 0 : index
      %swap3A_665 = tpu.vector_load %arg8[%swap3A_663, %swap3A_664] {strides = array<i32>} : memref<2x128xi32, #tpu.memory_space<vmem>>, vector<1x16xi32>,
      %swap3A_666 = vector.shape_cast %swap3A_665 : vector<1x16xi32> to vector<16xi32>
      %swap3A_667 = vector.shape_cast %and3A_661 : vector<16xi32> to vector<1x16xi32>
      tpu.vector_store %arg8[%swap3A_663, %swap3A_664], %swap3A_667 {strides = array<i32>} : memref<2x128xi32, #tpu.memory_space<vmem>>, vector<1x16xi32>,
      %get3A_668 = arith.index_cast %add3A_645 : i32 to index
      %get3A_669 = arith.constant 16 : index
      %get3A_670 = tpu.vector_load %arg6[%get3A_668, %get3A_669] {strides = array<i32>} : memref<80x128xi32, #tpu.memory_space<vmem>>, vector<1x16xi32>,
      %get3A_671 = vector.shape_cast %get3A_670 : vector<1x16xi32> to vector<16xi32>
      %shift_right_arithmetic3A_672 = arith.constant 14 : i32
      %shift_right_arithmetic3A_673 = vector.broadcast %shift_right_arithmetic3A_672 : i32 to vector<16xi32>
      %shift_right_arithmetic3A_674 = arith.shrsi %get3A_671, %shift_right_arithmetic3A_673 : vector<16xi32>
      %swap3A_675 = arith.constant 1 : i32
      %swap3A_676 = arith.index_cast %swap3A_675 : i32 to index
      %swap3A_677 = arith.constant 16 : index
      %swap3A_678 = tpu.vector_load %arg7[%swap3A_676, %swap3A_677] {strides = array<i32>} : memref<2x128xi32, #tpu.memory_space<vmem>>, vector<1x16xi32>,
      %swap3A_679 = vector.shape_cast %swap3A_678 : vector<1x16xi32> to vector<16xi32>
      %swap3A_680 = vector.shape_cast %shift_right_arithmetic3A_674 : vector<16xi32> to vector<1x16xi32>
      tpu.vector_store %arg7[%swap3A_676, %swap3A_677], %swap3A_680 {strides = array<i32>} : memref<2x128xi32, #tpu.memory_space<vmem>>, vector<1x16xi32>,
      %and3A_681 = arith.constant 16383 : i32
      %and3A_682 = vector.broadcast %and3A_681 : i32 to vector<16xi32>
      %and3A_683 = arith.andi %get3A_671, %and3A_682 : vector<16xi32>
      %swap3A_684 = arith.constant 1 : i32
      %swap3A_685 = arith.index_cast %swap3A_684 : i32 to index
      %swap3A_686 = arith.constant 16 : index
      %swap3A_687 = tpu.vector_load %arg8[%swap3A_685, %swap3A_686] {strides = array<i32>} : memref<2x128xi32, #tpu.memory_space<vmem>>, vector<1x16xi32>,
      %swap3A_688 = vector.shape_cast %swap3A_687 : vector<1x16xi32> to vector<16xi32>
      %swap3A_689 = vector.shape_cast %and3A_683 : vector<16xi32> to vector<1x16xi32>
      tpu.vector_store %arg8[%swap3A_685, %swap3A_686], %swap3A_689 {strides = array<i32>} : memref<2x128xi32, #tpu.memory_space<vmem>>, vector<1x16xi32>,
      %get3A_690 = arith.index_cast %add3A_645 : i32 to index
      %get3A_691 = arith.constant 32 : index
      %get3A_692 = tpu.vector_load %arg6[%get3A_690, %get3A_691] {strides = array<i32>} : memref<80x128xi32, #tpu.memory_space<vmem>>, vector<1x16xi32>,
      %get3A_693 = vector.shape_cast %get3A_692 : vector<1x16xi32> to vector<16xi32>
      %shift_right_arithmetic3A_694 = arith.constant 14 : i32
      %shift_right_arithmetic3A_695 = vector.broadcast %shift_right_arithmetic3A_694 : i32 to vector<16xi32>
      %shift_right_arithmetic3A_696 = arith.shrsi %get3A_693, %shift_right_arithmetic3A_695 : vector<16xi32>
      %swap3A_697 = arith.constant 1 : i32
      %swap3A_698 = arith.index_cast %swap3A_697 : i32 to index
      %swap3A_699 = arith.constant 32 : index
      %swap3A_700 = tpu.vector_load %arg7[%swap3A_698, %swap3A_699] {strides = array<i32>} : memref<2x128xi32, #tpu.memory_space<vmem>>, vector<1x16xi32>,
      %swap3A_701 = vector.shape_cast %swap3A_700 : vector<1x16xi32> to vector<16xi32>
      %swap3A_702 = vector.shape_cast %shift_right_arithmetic3A_696 : vector<16xi32> to vector<1x16xi32>
      tpu.vector_store %arg7[%swap3A_698, %swap3A_699], %swap3A_702 {strides = array<i32>} : memref<2x128xi32, #tpu.memory_space<vmem>>, vector<1x16xi32>,
      %and3A_703 = arith.constant 16383 : i32
      %and3A_704 = vector.broadcast %and3A_703 : i32 to vector<16xi32>
      %and3A_705 = arith.andi %get3A_693, %and3A_704 : vector<16xi32>
      %swap3A_706 = arith.constant 1 : i32
      %swap3A_707 = arith.index_cast %swap3A_706 : i32 to index
      %swap3A_708 = arith.constant 32 : index
      %swap3A_709 = tpu.vector_load %arg8[%swap3A_707, %swap3A_708] {strides = array<i32>} : memref<2x128xi32, #tpu.memory_space<vmem>>, vector<1x16xi32>,
      %swap3A_710 = vector.shape_cast %swap3A_709 : vector<1x16xi32> to vector<16xi32>
      %swap3A_711 = vector.shape_cast %and3A_705 : vector<16xi32> to vector<1x16xi32>
      tpu.vector_store %arg8[%swap3A_707, %swap3A_708], %swap3A_711 {strides = array<i32>} : memref<2x128xi32, #tpu.memory_space<vmem>>, vector<1x16xi32>,
      %get3A_712 = arith.index_cast %add3A_645 : i32 to index
      %get3A_713 = arith.constant 48 : index
      %get3A_714 = tpu.vector_load %arg6[%get3A_712, %get3A_713] {strides = array<i32>} : memref<80x128xi32, #tpu.memory_space<vmem>>, vector<1x16xi32>,
      %get3A_715 = vector.shape_cast %get3A_714 : vector<1x16xi32> to vector<16xi32>
      %shift_right_arithmetic3A_716 = arith.constant 14 : i32
      %shift_right_arithmetic3A_717 = vector.broadcast %shift_right_arithmetic3A_716 : i32 to vector<16xi32>
      %shift_right_arithmetic3A_718 = arith.shrsi %get3A_715, %shift_right_arithmetic3A_717 : vector<16xi32>
      %swap3A_719 = arith.constant 1 : i32
      %swap3A_720 = arith.index_cast %swap3A_719 : i32 to index
      %swap3A_721 = arith.constant 48 : index
      %swap3A_722 = tpu.vector_load %arg7[%swap3A_720, %swap3A_721] {strides = array<i32>} : memref<2x128xi32, #tpu.memory_space<vmem>>, vector<1x16xi32>,
      %swap3A_723 = vector.shape_cast %swap3A_722 : vector<1x16xi32> to vector<16xi32>
      %swap3A_724 = vector.shape_cast %shift_right_arithmetic3A_718 : vector<16xi32> to vector<1x16xi32>
      tpu.vector_store %arg7[%swap3A_720, %swap3A_721], %swap3A_724 {strides = array<i32>} : memref<2x128xi32, #tpu.memory_space<vmem>>, vector<1x16xi32>,
      %and3A_725 = arith.constant 16383 : i32
      %and3A_726 = vector.broadcast %and3A_725 : i32 to vector<16xi32>
      %and3A_727 = arith.andi %get3A_715, %and3A_726 : vector<16xi32>
      %swap3A_728 = arith.constant 1 : i32
      %swap3A_729 = arith.index_cast %swap3A_728 : i32 to index
      %swap3A_730 = arith.constant 48 : index
      %swap3A_731 = tpu.vector_load %arg8[%swap3A_729, %swap3A_730] {strides = array<i32>} : memref<2x128xi32, #tpu.memory_space<vmem>>, vector<1x16xi32>,
      %swap3A_732 = vector.shape_cast %swap3A_731 : vector<1x16xi32> to vector<16xi32>
      %swap3A_733 = vector.shape_cast %and3A_727 : vector<16xi32> to vector<1x16xi32>
      tpu.vector_store %arg8[%swap3A_729, %swap3A_730], %swap3A_733 {strides = array<i32>} : memref<2x128xi32, #tpu.memory_space<vmem>>, vector<1x16xi32>,
      %get3A_734 = arith.index_cast %add3A_645 : i32 to index
      %get3A_735 = arith.constant 64 : index
      %get3A_736 = tpu.vector_load %arg6[%get3A_734, %get3A_735] {strides = array<i32>} : memref<80x128xi32, #tpu.memory_space<vmem>>, vector<1x16xi32>,
      %get3A_737 = vector.shape_cast %get3A_736 : vector<1x16xi32> to vector<16xi32>
      %shift_right_arithmetic3A_738 = arith.constant 14 : i32
      %shift_right_arithmetic3A_739 = vector.broadcast %shift_right_arithmetic3A_738 : i32 to vector<16xi32>
      %shift_right_arithmetic3A_740 = arith.shrsi %get3A_737, %shift_right_arithmetic3A_739 : vector<16xi32>
      %swap3A_741 = arith.constant 1 : i32
      %swap3A_742 = arith.index_cast %swap3A_741 : i32 to index
      %swap3A_743 = arith.constant 64 : index
      %swap3A_744 = tpu.vector_load %arg7[%swap3A_742, %swap3A_743] {strides = array<i32>} : memref<2x128xi32, #tpu.memory_space<vmem>>, vector<1x16xi32>,
      %swap3A_745 = vector.shape_cast %swap3A_744 : vector<1x16xi32> to vector<16xi32>
      %swap3A_746 = vector.shape_cast %shift_right_arithmetic3A_740 : vector<16xi32> to vector<1x16xi32>
      tpu.vector_store %arg7[%swap3A_742, %swap3A_743], %swap3A_746 {strides = array<i32>} : memref<2x128xi32, #tpu.memory_space<vmem>>, vector<1x16xi32>,
      %and3A_747 = arith.constant 16383 : i32
      %and3A_748 = vector.broadcast %and3A_747 : i32 to vector<16xi32>
      %and3A_749 = arith.andi %get3A_737, %and3A_748 : vector<16xi32>
      %swap3A_750 = arith.constant 1 : i32
      %swap3A_751 = arith.index_cast %swap3A_750 : i32 to index
      %swap3A_752 = arith.constant 64 : index
      %swap3A_753 = tpu.vector_load %arg8[%swap3A_751, %swap3A_752] {strides = array<i32>} : memref<2x128xi32, #tpu.memory_space<vmem>>, vector<1x16xi32>,
      %swap3A_754 = vector.shape_cast %swap3A_753 : vector<1x16xi32> to vector<16xi32>
      %swap3A_755 = vector.shape_cast %and3A_749 : vector<16xi32> to vector<1x16xi32>
      tpu.vector_store %arg8[%swap3A_751, %swap3A_752], %swap3A_755 {strides = array<i32>} : memref<2x128xi32, #tpu.memory_space<vmem>>, vector<1x16xi32>,
      %get3A_756 = arith.index_cast %add3A_645 : i32 to index
      %get3A_757 = arith.constant 80 : index
      %get3A_758 = tpu.vector_load %arg6[%get3A_756, %get3A_757] {strides = array<i32>} : memref<80x128xi32, #tpu.memory_space<vmem>>, vector<1x16xi32>,
      %get3A_759 = vector.shape_cast %get3A_758 : vector<1x16xi32> to vector<16xi32>
      %shift_right_arithmetic3A_760 = arith.constant 14 : i32
      %shift_right_arithmetic3A_761 = vector.broadcast %shift_right_arithmetic3A_760 : i32 to vector<16xi32>
      %shift_right_arithmetic3A_762 = arith.shrsi %get3A_759, %shift_right_arithmetic3A_761 : vector<16xi32>
      %swap3A_763 = arith.constant 1 : i32
      %swap3A_764 = arith.index_cast %swap3A_763 : i32 to index
      %swap3A_765 = arith.constant 80 : index
      %swap3A_766 = tpu.vector_load %arg7[%swap3A_764, %swap3A_765] {strides = array<i32>} : memref<2x128xi32, #tpu.memory_space<vmem>>, vector<1x16xi32>,
      %swap3A_767 = vector.shape_cast %swap3A_766 : vector<1x16xi32> to vector<16xi32>
      %swap3A_768 = vector.shape_cast %shift_right_arithmetic3A_762 : vector<16xi32> to vector<1x16xi32>
      tpu.vector_store %arg7[%swap3A_764, %swap3A_765], %swap3A_768 {strides = array<i32>} : memref<2x128xi32, #tpu.memory_space<vmem>>, vector<1x16xi32>,
      %and3A_769 = arith.constant 16383 : i32
      %and3A_770 = vector.broadcast %and3A_769 : i32 to vector<16xi32>
      %and3A_771 = arith.andi %get3A_759, %and3A_770 : vector<16xi32>
      %swap3A_772 = arith.constant 1 : i32
      %swap3A_773 = arith.index_cast %swap3A_772 : i32 to index
      %swap3A_774 = arith.constant 80 : index
      %swap3A_775 = tpu.vector_load %arg8[%swap3A_773, %swap3A_774] {strides = array<i32>} : memref<2x128xi32, #tpu.memory_space<vmem>>, vector<1x16xi32>,
      %swap3A_776 = vector.shape_cast %swap3A_775 : vector<1x16xi32> to vector<16xi32>
      %swap3A_777 = vector.shape_cast %and3A_771 : vector<16xi32> to vector<1x16xi32>
      tpu.vector_store %arg8[%swap3A_773, %swap3A_774], %swap3A_777 {strides = array<i32>} : memref<2x128xi32, #tpu.memory_space<vmem>>, vector<1x16xi32>,
      %get3A_778 = arith.index_cast %add3A_645 : i32 to index
      %get3A_779 = arith.constant 96 : index
      %get3A_780 = tpu.vector_load %arg6[%get3A_778, %get3A_779] {strides = array<i32>} : memref<80x128xi32, #tpu.memory_space<vmem>>, vector<1x16xi32>,
      %get3A_781 = vector.shape_cast %get3A_780 : vector<1x16xi32> to vector<16xi32>
      %shift_right_arithmetic3A_782 = arith.constant 14 : i32
      %shift_right_arithmetic3A_783 = vector.broadcast %shift_right_arithmetic3A_782 : i32 to vector<16xi32>
      %shift_right_arithmetic3A_784 = arith.shrsi %get3A_781, %shift_right_arithmetic3A_783 : vector<16xi32>
      %swap3A_785 = arith.constant 1 : i32
      %swap3A_786 = arith.index_cast %swap3A_785 : i32 to index
      %swap3A_787 = arith.constant 96 : index
      %swap3A_788 = tpu.vector_load %arg7[%swap3A_786, %swap3A_787] {strides = array<i32>} : memref<2x128xi32, #tpu.memory_space<vmem>>, vector<1x16xi32>,
      %swap3A_789 = vector.shape_cast %swap3A_788 : vector<1x16xi32> to vector<16xi32>
      %swap3A_790 = vector.shape_cast %shift_right_arithmetic3A_784 : vector<16xi32> to vector<1x16xi32>
      tpu.vector_store %arg7[%swap3A_786, %swap3A_787], %swap3A_790 {strides = array<i32>} : memref<2x128xi32, #tpu.memory_space<vmem>>, vector<1x16xi32>,
      %and3A_791 = arith.constant 16383 : i32
      %and3A_792 = vector.broadcast %and3A_791 : i32 to vector<16xi32>
      %and3A_793 = arith.andi %get3A_781, %and3A_792 : vector<16xi32>
      %swap3A_794 = arith.constant 1 : i32
      %swap3A_795 = arith.index_cast %swap3A_794 : i32 to index
      %swap3A_796 = arith.constant 96 : index
      %swap3A_797 = tpu.vector_load %arg8[%swap3A_795, %swap3A_796] {strides = array<i32>} : memref<2x128xi32, #tpu.memory_space<vmem>>, vector<1x16xi32>,
      %swap3A_798 = vector.shape_cast %swap3A_797 : vector<1x16xi32> to vector<16xi32>
      %swap3A_799 = vector.shape_cast %and3A_793 : vector<16xi32> to vector<1x16xi32>
      tpu.vector_store %arg8[%swap3A_795, %swap3A_796], %swap3A_799 {strides = array<i32>} : memref<2x128xi32, #tpu.memory_space<vmem>>, vector<1x16xi32>,
      %get3A_800 = arith.index_cast %add3A_645 : i32 to index
      %get3A_801 = arith.constant 112 : index
      %get3A_802 = tpu.vector_load %arg6[%get3A_800, %get3A_801] {strides = array<i32>} : memref<80x128xi32, #tpu.memory_space<vmem>>, vector<1x16xi32>,
      %get3A_803 = vector.shape_cast %get3A_802 : vector<1x16xi32> to vector<16xi32>
      %shift_right_arithmetic3A_804 = arith.constant 14 : i32
      %shift_right_arithmetic3A_805 = vector.broadcast %shift_right_arithmetic3A_804 : i32 to vector<16xi32>
      %shift_right_arithmetic3A_806 = arith.shrsi %get3A_803, %shift_right_arithmetic3A_805 : vector<16xi32>
      %swap3A_807 = arith.constant 1 : i32
      %swap3A_808 = arith.index_cast %swap3A_807 : i32 to index
      %swap3A_809 = arith.constant 112 : index
      %swap3A_810 = tpu.vector_load %arg7[%swap3A_808, %swap3A_809] {strides = array<i32>} : memref<2x128xi32, #tpu.memory_space<vmem>>, vector<1x16xi32>,
      %swap3A_811 = vector.shape_cast %swap3A_810 : vector<1x16xi32> to vector<16xi32>
      %swap3A_812 = vector.shape_cast %shift_right_arithmetic3A_806 : vector<16xi32> to vector<1x16xi32>
      tpu.vector_store %arg7[%swap3A_808, %swap3A_809], %swap3A_812 {strides = array<i32>} : memref<2x128xi32, #tpu.memory_space<vmem>>, vector<1x16xi32>,
      %and3A_813 = arith.constant 16383 : i32
      %and3A_814 = vector.broadcast %and3A_813 : i32 to vector<16xi32>
      %and3A_815 = arith.andi %get3A_803, %and3A_814 : vector<16xi32>
      %swap3A_816 = arith.constant 1 : i32
      %swap3A_817 = arith.index_cast %swap3A_816 : i32 to index
      %swap3A_818 = arith.constant 112 : index
      %swap3A_819 = tpu.vector_load %arg8[%swap3A_817, %swap3A_818] {strides = array<i32>} : memref<2x128xi32, #tpu.memory_space<vmem>>, vector<1x16xi32>,
      %swap3A_820 = vector.shape_cast %swap3A_819 : vector<1x16xi32> to vector<16xi32>
      %swap3A_821 = vector.shape_cast %and3A_815 : vector<16xi32> to vector<1x16xi32>
      tpu.vector_store %arg8[%swap3A_817, %swap3A_818], %swap3A_821 {strides = array<i32>} : memref<2x128xi32, #tpu.memory_space<vmem>>, vector<1x16xi32>,
      %dma_start3A_822 = arith.constant 1 : i32
      %dma_start3A_823 = arith.constant 0 : i32
      %dma_start3A_824 = tpu.memref_slice %arg7[%dma_start3A_822, %dma_start3A_823] : memref<2x128xi32, #tpu.memory_space<vmem>> -> memref<1x128xi32, #tpu.memory_space<vmem>>
      %dma_start3A_825 = tpu.memref_squeeze %dma_start3A_824 : memref<1x128xi32, #tpu.memory_space<vmem>> -> memref<128xi32, #tpu.memory_space<vmem>>
      %dma_start3A_826 = arith.constant 0 : i32
      %dma_start3A_827 = arith.constant 0 : i32
      %dma_start3A_828 = tpu.memref_slice %arg2[%dma_start3A_826, %dma_start3A_827] : memref<20000x128xf32, #tpu.memory_space<hbm>> -> memref<20000x128xf32, #tpu.memory_space<hbm>>
      tpu.enqueue_indirect_dma source(%dma_start3A_828 : memref<20000x128xf32, #tpu.memory_space<hbm>>) target(%arg10 : memref<128x128xf32, #tpu.memory_space<vmem>>) offsets(%dma_start3A_825 : memref<128xi32, #tpu.memory_space<vmem>>) semaphore(%arg12 : memref<!tpu.dma_semaphore, #tpu.memory_space<semaphore_mem>>)
      %dma_wait3A_829 = arith.constant 1 : i32
      %dma_wait3A_830 = arith.constant 0 : i32
      %dma_wait3A_831 = tpu.memref_slice %arg7[%dma_wait3A_829, %dma_wait3A_830] : memref<2x128xi32, #tpu.memory_space<vmem>> -> memref<1x128xi32, #tpu.memory_space<vmem>>
      %dma_wait3A_832 = tpu.memref_squeeze %dma_wait3A_831 : memref<1x128xi32, #tpu.memory_space<vmem>> -> memref<128xi32, #tpu.memory_space<vmem>>
      %dma_wait3A_833 = arith.constant 0 : i32
      %dma_wait3A_834 = arith.constant 0 : i32
      %dma_wait3A_835 = tpu.memref_slice %arg2[%dma_wait3A_833, %dma_wait3A_834] : memref<20000x128xf32, #tpu.memory_space<hbm>> -> memref<20000x128xf32, #tpu.memory_space<hbm>>
      tpu.wait_indirect_dma semaphore(%arg12 : memref<!tpu.dma_semaphore, #tpu.memory_space<semaphore_mem>>) src(%dma_wait3A_835 : memref<20000x128xf32, #tpu.memory_space<hbm>>) dst(%arg10 : memref<128x128xf32, #tpu.memory_space<vmem>>)
      %dma_start3A_836 = arith.constant 1 : i32
      %dma_start3A_837 = arith.constant 0 : i32
      %dma_start3A_838 = tpu.memref_slice %arg8[%dma_start3A_836, %dma_start3A_837] : memref<2x128xi32, #tpu.memory_space<vmem>> -> memref<1x128xi32, #tpu.memory_space<vmem>>
      %dma_start3A_839 = tpu.memref_squeeze %dma_start3A_838 : memref<1x128xi32, #tpu.memory_space<vmem>> -> memref<128xi32, #tpu.memory_space<vmem>>
      %dma_start3A_840 = arith.constant 0 : i32
      %dma_start3A_841 = arith.constant 0 : i32
      %dma_start3A_842 = tpu.memref_slice %arg11[%dma_start3A_840, %dma_start3A_841] : memref<10112x128xf32, #tpu.memory_space<vmem_shared>> -> memref<10112x128xf32, #tpu.memory_space<vmem_shared>>
      tpu.enqueue_indirect_dma source(%arg10 : memref<128x128xf32, #tpu.memory_space<vmem>>) target(%dma_start3A_842 : memref<10112x128xf32, #tpu.memory_space<vmem_shared>>) offsets(%dma_start3A_839 : memref<128xi32, #tpu.memory_space<vmem>>) semaphore(%arg14 : memref<!tpu.dma_semaphore, #tpu.memory_space<semaphore_mem>>) {add = true}
    }
    %scan3A_409 = arith.constant 39 : i32
    %dma_wait3A_410 = arith.constant 0 : i32
    %dma_wait3A_411 = arith.constant 0 : i32
    %dma_wait3A_412 = tpu.memref_slice %arg8[%dma_wait3A_410, %dma_wait3A_411] : memref<2x128xi32, #tpu.memory_space<vmem>> -> memref<1x128xi32, #tpu.memory_space<vmem>>
    %dma_wait3A_413 = tpu.memref_squeeze %dma_wait3A_412 : memref<1x128xi32, #tpu.memory_space<vmem>> -> memref<128xi32, #tpu.memory_space<vmem>>
    %dma_wait3A_414 = arith.constant 0 : i32
    %dma_wait3A_415 = arith.constant 0 : i32
    %dma_wait3A_416 = tpu.memref_slice %arg11[%dma_wait3A_414, %dma_wait3A_415] : memref<10112x128xf32, #tpu.memory_space<vmem_shared>> -> memref<10112x128xf32, #tpu.memory_space<vmem_shared>>
    tpu.wait_indirect_dma semaphore(%arg13 : memref<!tpu.dma_semaphore, #tpu.memory_space<semaphore_mem>>) src(%arg9 : memref<128x128xf32, #tpu.memory_space<vmem>>) dst(%dma_wait3A_416 : memref<10112x128xf32, #tpu.memory_space<vmem_shared>>)
    %dma_wait3A_417 = arith.constant 1 : i32
    %dma_wait3A_418 = arith.constant 0 : i32
    %dma_wait3A_419 = tpu.memref_slice %arg8[%dma_wait3A_417, %dma_wait3A_418] : memref<2x128xi32, #tpu.memory_space<vmem>> -> memref<1x128xi32, #tpu.memory_space<vmem>>
    %dma_wait3A_420 = tpu.memref_squeeze %dma_wait3A_419 : memref<1x128xi32, #tpu.memory_space<vmem>> -> memref<128xi32, #tpu.memory_space<vmem>>
    %dma_wait3A_421 = arith.constant 0 : i32
    %dma_wait3A_422 = arith.constant 0 : i32
    %dma_wait3A_423 = tpu.memref_slice %arg11[%dma_wait3A_421, %dma_wait3A_422] : memref<10112x128xf32, #tpu.memory_space<vmem_shared>> -> memref<10112x128xf32, #tpu.memory_space<vmem_shared>>
    tpu.wait_indirect_dma semaphore(%arg14 : memref<!tpu.dma_semaphore, #tpu.memory_space<semaphore_mem>>) src(%arg10 : memref<128x128xf32, #tpu.memory_space<vmem>>) dst(%dma_wait3A_423 : memref<10112x128xf32, #tpu.memory_space<vmem_shared>>)
    %barrier3A_424 = arith.constant 0 : index
    tpu.barrier barrier_id(%barrier3A_424)
    %lt3A = arith.constant 15 : i32
    %lt3A_425 = arith.cmpi slt, %arg1, %lt3A : i32
    %convert_element_type3A = arith.extui %lt3A_425 : i1 to i32
    %cond3A = arith.constant 0 : i32
    %cond3A_426 = arith.cmpi ne, %convert_element_type3A, %cond3A : i32
    scf.if %cond3A_426 {
      %mul3A_431 = arith.constant 624 : i32
      %mul3A_432 = arith.muli %arg1, %mul3A_431 : i32
      %mul3A_433 = arith.constant 624 : i32
      %mul3A_434 = arith.muli %arg1, %mul3A_433 : i32
      "tpu.region"() ({
        %run_scoped3A = tpu.sem_alloc : memref<!tpu.dma_semaphore, #tpu.memory_space<semaphore_mem>>
        %dma_start3A_435 = arith.constant 0 : i32
        %dma_start3A_436 = arith.constant 0 : i32
        %dma_start3A_437 = tpu.memref_slice %arg5[%arg0, %dma_start3A_435, %dma_start3A_436] : memref<2x10000x128xf32, #tpu.memory_space<hbm>> -> memref<1x10000x128xf32, #tpu.memory_space<hbm>>
        %dma_start3A_438 = tpu.memref_squeeze %dma_start3A_437 : memref<1x10000x128xf32, #tpu.memory_space<hbm>> -> memref<10000x128xf32, #tpu.memory_space<hbm>>
        %dma_start3A_439 = arith.constant 0 : i32
        %dma_start3A_440 = tpu.memref_slice %dma_start3A_438[%mul3A_434, %dma_start3A_439] : memref<10000x128xf32, #tpu.memory_space<hbm>> -> memref<624x128xf32, #tpu.memory_space<hbm>>
        %dma_start3A_441 = arith.constant 0 : i32
        %dma_start3A_442 = tpu.memref_slice %arg11[%mul3A_432, %dma_start3A_441] : memref<10112x128xf32, #tpu.memory_space<vmem_shared>> -> memref<624x128xf32, #tpu.memory_space<vmem_shared>>
        tpu.enqueue_dma source(%dma_start3A_442 : memref<624x128xf32, #tpu.memory_space<vmem_shared>>) target(%dma_start3A_440 : memref<624x128xf32, #tpu.memory_space<hbm>>) target_semaphore(%run_scoped3A : memref<!tpu.dma_semaphore, #tpu.memory_space<semaphore_mem>>)
        %dma_wait3A_443 = arith.constant 0 : i32
        %dma_wait3A_444 = arith.constant 0 : i32
        %dma_wait3A_445 = tpu.memref_slice %arg5[%arg0, %dma_wait3A_443, %dma_wait3A_444] : memref<2x10000x128xf32, #tpu.memory_space<hbm>> -> memref<1x10000x128xf32, #tpu.memory_space<hbm>>
        %dma_wait3A_446 = tpu.memref_squeeze %dma_wait3A_445 : memref<1x10000x128xf32, #tpu.memory_space<hbm>> -> memref<10000x128xf32, #tpu.memory_space<hbm>>
        %dma_wait3A_447 = arith.constant 0 : i32
        %dma_wait3A_448 = tpu.memref_slice %dma_wait3A_446[%mul3A_434, %dma_wait3A_447] : memref<10000x128xf32, #tpu.memory_space<hbm>> -> memref<624x128xf32, #tpu.memory_space<hbm>>
        %dma_wait3A_449 = arith.constant 0 : i32
        %dma_wait3A_450 = tpu.memref_slice %arg11[%mul3A_432, %dma_wait3A_449] : memref<10112x128xf32, #tpu.memory_space<vmem_shared>> -> memref<624x128xf32, #tpu.memory_space<vmem_shared>>
        tpu.wait_dma2 semaphore(%run_scoped3A : memref<!tpu.dma_semaphore, #tpu.memory_space<semaphore_mem>>) src(%dma_wait3A_450 : memref<624x128xf32, #tpu.memory_space<vmem_shared>>) dst(%dma_wait3A_448 : memref<624x128xf32, #tpu.memory_space<hbm>>)
        tpu.yield
      }) : () -> ()
    } else {
    }
    %eq3A = arith.constant 15 : i32
    %eq3A_427 = arith.cmpi eq, %arg1, %eq3A : i32
    %convert_element_type3A_428 = arith.extui %eq3A_427 : i1 to i32
    %cond3A_429 = arith.constant 0 : i32
    %cond3A_430 = arith.cmpi ne, %convert_element_type3A_428, %cond3A_429 : i32
    scf.if %cond3A_430 {
      "tpu.region"() ({
        %run_scoped3A = tpu.sem_alloc : memref<!tpu.dma_semaphore, #tpu.memory_space<semaphore_mem>>
        %dma_start3A_431 = arith.constant 0 : i32
        %dma_start3A_432 = arith.constant 0 : i32
        %dma_start3A_433 = tpu.memref_slice %arg5[%arg0, %dma_start3A_431, %dma_start3A_432] : memref<2x10000x128xf32, #tpu.memory_space<hbm>> -> memref<1x10000x128xf32, #tpu.memory_space<hbm>>
        %dma_start3A_434 = tpu.memref_squeeze %dma_start3A_433 : memref<1x10000x128xf32, #tpu.memory_space<hbm>> -> memref<10000x128xf32, #tpu.memory_space<hbm>>
        %dma_start3A_435 = arith.constant 9360 : i32
        %dma_start3A_436 = arith.constant 0 : i32
        %dma_start3A_437 = tpu.memref_slice %dma_start3A_434[%dma_start3A_435, %dma_start3A_436] : memref<10000x128xf32, #tpu.memory_space<hbm>> -> memref<640x128xf32, #tpu.memory_space<hbm>>
        %dma_start3A_438 = arith.constant 9360 : i32
        %dma_start3A_439 = arith.constant 0 : i32
        %dma_start3A_440 = tpu.memref_slice %arg11[%dma_start3A_438, %dma_start3A_439] : memref<10112x128xf32, #tpu.memory_space<vmem_shared>> -> memref<640x128xf32, #tpu.memory_space<vmem_shared>>
        tpu.enqueue_dma source(%dma_start3A_440 : memref<640x128xf32, #tpu.memory_space<vmem_shared>>) target(%dma_start3A_437 : memref<640x128xf32, #tpu.memory_space<hbm>>) target_semaphore(%run_scoped3A : memref<!tpu.dma_semaphore, #tpu.memory_space<semaphore_mem>>)
        %dma_wait3A_441 = arith.constant 0 : i32
        %dma_wait3A_442 = arith.constant 0 : i32
        %dma_wait3A_443 = tpu.memref_slice %arg5[%arg0, %dma_wait3A_441, %dma_wait3A_442] : memref<2x10000x128xf32, #tpu.memory_space<hbm>> -> memref<1x10000x128xf32, #tpu.memory_space<hbm>>
        %dma_wait3A_444 = tpu.memref_squeeze %dma_wait3A_443 : memref<1x10000x128xf32, #tpu.memory_space<hbm>> -> memref<10000x128xf32, #tpu.memory_space<hbm>>
        %dma_wait3A_445 = arith.constant 9360 : i32
        %dma_wait3A_446 = arith.constant 0 : i32
        %dma_wait3A_447 = tpu.memref_slice %dma_wait3A_444[%dma_wait3A_445, %dma_wait3A_446] : memref<10000x128xf32, #tpu.memory_space<hbm>> -> memref<640x128xf32, #tpu.memory_space<hbm>>
        %dma_wait3A_448 = arith.constant 9360 : i32
        %dma_wait3A_449 = arith.constant 0 : i32
        %dma_wait3A_450 = tpu.memref_slice %arg11[%dma_wait3A_448, %dma_wait3A_449] : memref<10112x128xf32, #tpu.memory_space<vmem_shared>> -> memref<640x128xf32, #tpu.memory_space<vmem_shared>>
        tpu.wait_dma2 semaphore(%run_scoped3A : memref<!tpu.dma_semaphore, #tpu.memory_space<semaphore_mem>>) src(%dma_wait3A_450 : memref<640x128xf32, #tpu.memory_space<vmem_shared>>) dst(%dma_wait3A_447 : memref<640x128xf32, #tpu.memory_space<hbm>>)
        tpu.yield
      }) : () -> ()
    } else {
    }
    return
  }
}

module attributes {stable_mosaic.version = 14 : i64} {
  func.func @_l1_body(%arg0: i32, %arg1: memref<2x1000x128xf32, #tpu.memory_space<vmem>>, %arg2: memref<128x256xf32, #tpu.memory_space<vmem>>, %arg3: memref<128x256xf32, #tpu.memory_space<vmem>>, %arg4: memref<1x256xf32, #tpu.memory_space<vmem>>, %arg5: memref<2x1000x128xf32, #tpu.memory_space<vmem>>) attributes {dimension_semantics = [#tpu.dimension_semantics<arbitrary>], iteration_bounds = array<i64: 10>, scalar_prefetch = 0 : i64, scratch_operands = 0 : i64, tpu.core_type = #tpu.core_type<tc>, window_params = [{transform_indices = @transform_0, window_bounds = array<i64: 2, 1000, 128>}, {pipeline_mode = #tpu.pipeline_mode<synchronous>, transform_indices = @transform_1, window_bounds = array<i64: 128, 256>}, {pipeline_mode = #tpu.pipeline_mode<synchronous>, transform_indices = @transform_2, window_bounds = array<i64: 128, 256>}, {pipeline_mode = #tpu.pipeline_mode<synchronous>, transform_indices = @transform_3, window_bounds = array<i64: 1, 256>}, {transform_indices = @transform_4, window_bounds = array<i64: 2, 1000, 128>}]} {
    %get3A = arith.constant 0 : index
    %get3A_0 = arith.constant 0 : index
    %get3A_1 = arith.constant 0 : index
    %get3A_2 = vector.load %arg1[%get3A, %get3A_0, %get3A_1] : memref<2x1000x128xf32, #tpu.memory_space<vmem>>, vector<1x1000x128xf32>
    %get3A_3 = vector.shape_cast %get3A_2 : vector<1x1000x128xf32> to vector<1000x128xf32>
    %get3A_4 = arith.constant 0 : index
    %get3A_5 = arith.constant 0 : index
    %get3A_6 = vector.load %arg2[%get3A_4, %get3A_5] : memref<128x256xf32, #tpu.memory_space<vmem>>, vector<128x256xf32>
    %dot_general3A = arith.constant dense<0.000000e+00> : vector<1000x256xf32>
    %dot_general3A_7 = tpu.matmul %get3A_3, %get3A_6, %dot_general3A {dimension_numbers = #tpu.dot_dimension_numbers<[1], [0], [0], [1], [0, 0, 1, 1], [], []>, transpose_lhs_hint = false} : vector<1000x128xf32>, vector<128x256xf32>, vector<1000x256xf32> -> vector<1000x256xf32>
    %get3A_8 = arith.constant 1 : index
    %get3A_9 = arith.constant 0 : index
    %get3A_10 = arith.constant 0 : index
    %get3A_11 = vector.load %arg1[%get3A_8, %get3A_9, %get3A_10] : memref<2x1000x128xf32, #tpu.memory_space<vmem>>, vector<1x1000x128xf32>
    %get3A_12 = vector.shape_cast %get3A_11 : vector<1x1000x128xf32> to vector<1000x128xf32>
    %get3A_13 = arith.constant 0 : index
    %get3A_14 = arith.constant 0 : index
    %get3A_15 = vector.load %arg3[%get3A_13, %get3A_14] : memref<128x256xf32, #tpu.memory_space<vmem>>, vector<128x256xf32>
    %dot_general3A_16 = arith.constant dense<0.000000e+00> : vector<1000x256xf32>
    %dot_general3A_17 = tpu.matmul %get3A_12, %get3A_15, %dot_general3A_16 {dimension_numbers = #tpu.dot_dimension_numbers<[1], [0], [0], [1], [0, 0, 1, 1], [], []>, transpose_lhs_hint = false} : vector<1000x128xf32>, vector<128x256xf32>, vector<1000x256xf32> -> vector<1000x256xf32>
    %add3A = arith.addf %dot_general3A_7, %dot_general3A_17 : vector<1000x256xf32>
    %get3A_18 = arith.constant 0 : index
    %get3A_19 = arith.constant 0 : index
    %get3A_20 = vector.load %arg4[%get3A_18, %get3A_19] : memref<1x256xf32, #tpu.memory_space<vmem>>, vector<1x256xf32>
    %add3A_21 = vector.broadcast %get3A_20 : vector<1x256xf32> to vector<1000x256xf32>
    %add3A_22 = arith.addf %add3A, %add3A_21 : vector<1000x256xf32>
    %max3A = arith.constant 0.000000e+00 : f32
    %max3A_23 = vector.broadcast %max3A : f32 to vector<1000x256xf32>
    %max3A_24 = arith.maximumf %add3A_22, %max3A_23 : vector<1000x256xf32>
    %slice3A = vector.extract_strided_slice %max3A_24 {offsets = [0, 0], sizes = [1000, 128], strides = [1, 1]} : vector<1000x256xf32> to vector<1000x128xf32>
    %swap3A = arith.constant 0 : index
    %swap3A_25 = arith.constant 0 : index
    %swap3A_26 = arith.constant 0 : index
    %swap3A_27 = vector.load %arg5[%swap3A, %swap3A_25, %swap3A_26] : memref<2x1000x128xf32, #tpu.memory_space<vmem>>, vector<1x1000x128xf32>
    %swap3A_28 = vector.shape_cast %swap3A_27 : vector<1x1000x128xf32> to vector<1000x128xf32>
    %swap3A_29 = vector.shape_cast %slice3A : vector<1000x128xf32> to vector<1x1000x128xf32>
    tpu.vector_store %arg5[%swap3A, %swap3A_25, %swap3A_26], %swap3A_29 {strides = array<i32>} : memref<2x1000x128xf32, #tpu.memory_space<vmem>>, vector<1x1000x128xf32>,
    %slice3A_30 = vector.extract_strided_slice %max3A_24 {offsets = [0, 128], sizes = [1000, 128], strides = [1, 1]} : vector<1000x256xf32> to vector<1000x128xf32>
    %swap3A_31 = arith.constant 1 : index
    %swap3A_32 = arith.constant 0 : index
    %swap3A_33 = arith.constant 0 : index
    %swap3A_34 = vector.load %arg5[%swap3A_31, %swap3A_32, %swap3A_33] : memref<2x1000x128xf32, #tpu.memory_space<vmem>>, vector<1x1000x128xf32>
    %swap3A_35 = vector.shape_cast %swap3A_34 : vector<1x1000x128xf32> to vector<1000x128xf32>
    %swap3A_36 = vector.shape_cast %slice3A_30 : vector<1000x128xf32> to vector<1x1000x128xf32>
    tpu.vector_store %arg5[%swap3A_31, %swap3A_32, %swap3A_33], %swap3A_36 {strides = array<i32>} : memref<2x1000x128xf32, #tpu.memory_space<vmem>>, vector<1x1000x128xf32>,
    return
  }
  func.func @transform_0(%arg0: i32) -> (i32, i32, i32) {
    %c0_i32 = arith.constant 0 : i32
    %c0_i32_0 = arith.constant 0 : i32
    %c0_i32_1 = arith.constant 0 : i32
    return %c0_i32, %arg0, %c0_i32_0 : i32, i32, i32
  }
  func.func @transform_1(%arg0: i32) -> (i32, i32) {
    %c0_i32 = arith.constant 0 : i32
    %c0_i32_0 = arith.constant 0 : i32
    %c0_i32_1 = arith.constant 0 : i32
    return %c0_i32, %c0_i32_0 : i32, i32
  }
  func.func @transform_2(%arg0: i32) -> (i32, i32) {
    %c0_i32 = arith.constant 0 : i32
    %c0_i32_0 = arith.constant 0 : i32
    %c0_i32_1 = arith.constant 0 : i32
    return %c0_i32, %c0_i32_0 : i32, i32
  }
  func.func @transform_3(%arg0: i32) -> (i32, i32) {
    %c0_i32 = arith.constant 0 : i32
    %c0_i32_0 = arith.constant 0 : i32
    %c0_i32_1 = arith.constant 0 : i32
    return %c0_i32, %c0_i32_0 : i32, i32
  }
  func.func @transform_4(%arg0: i32) -> (i32, i32, i32) {
    %c0_i32 = arith.constant 0 : i32
    %c0_i32_0 = arith.constant 0 : i32
    %c0_i32_1 = arith.constant 0 : i32
    return %c0_i32, %arg0, %c0_i32_0 : i32, i32, i32
  }
}

module attributes {stable_mosaic.version = 14 : i64} {
  func.func @_l2_body(%arg0: i32, %arg1: memref<2x1000x128xf32, #tpu.memory_space<vmem>>, %arg2: memref<128x256xf32, #tpu.memory_space<vmem>>, %arg3: memref<128x256xf32, #tpu.memory_space<vmem>>, %arg4: memref<1x256xf32, #tpu.memory_space<vmem>>, %arg5: memref<256x256xf32, #tpu.memory_space<vmem>>, %arg6: memref<1x256xf32, #tpu.memory_space<vmem>>, %arg7: memref<1x1x1000xi32, #tpu.memory_space<vmem>>, %arg8: memref<64x256xf32, #tpu.memory_space<vmem>>, %arg9: memref<1000x256xf32, #tpu.memory_space<vmem>>, %arg10: memref<1x256xf32, #tpu.memory_space<vmem>>, %arg11: memref<1x256xf32, #tpu.memory_space<vmem>>) attributes {dimension_semantics = [#tpu.dimension_semantics<arbitrary>], iteration_bounds = array<i64: 10>, scalar_prefetch = 0 : i64, scratch_operands = 0 : i64, tpu.core_type = #tpu.core_type<tc>, window_params = [{transform_indices = @transform_0, window_bounds = array<i64: 2, 1000, 128>}, {pipeline_mode = #tpu.pipeline_mode<synchronous>, transform_indices = @transform_1, window_bounds = array<i64: 128, 256>}, {pipeline_mode = #tpu.pipeline_mode<synchronous>, transform_indices = @transform_2, window_bounds = array<i64: 128, 256>}, {pipeline_mode = #tpu.pipeline_mode<synchronous>, transform_indices = @transform_3, window_bounds = array<i64: 1, 256>}, {pipeline_mode = #tpu.pipeline_mode<synchronous>, transform_indices = @transform_4, window_bounds = array<i64: 256, 256>}, {pipeline_mode = #tpu.pipeline_mode<synchronous>, transform_indices = @transform_5, window_bounds = array<i64: 1, 256>}, {transform_indices = @transform_6, window_bounds = array<i64: 1, 1, 1000>}, {pipeline_mode = #tpu.pipeline_mode<synchronous>, transform_indices = @transform_7, window_bounds = array<i64: 64, 256>}, {transform_indices = @transform_8, window_bounds = array<i64: 1000, 256>}, {pipeline_mode = #tpu.pipeline_mode<synchronous>, transform_indices = @transform_9, window_bounds = array<i64: 1, 256>}, {pipeline_mode = #tpu.pipeline_mode<synchronous>, transform_indices = @transform_10, window_bounds = array<i64: 1, 256>}]} {
    %get3A = arith.constant 0 : index
    %get3A_0 = arith.constant 0 : index
    %get3A_1 = arith.constant 0 : index
    %get3A_2 = vector.load %arg1[%get3A, %get3A_0, %get3A_1] : memref<2x1000x128xf32, #tpu.memory_space<vmem>>, vector<1x1000x128xf32>
    %get3A_3 = vector.shape_cast %get3A_2 : vector<1x1000x128xf32> to vector<1000x128xf32>
    %get3A_4 = arith.constant 0 : index
    %get3A_5 = arith.constant 0 : index
    %get3A_6 = vector.load %arg2[%get3A_4, %get3A_5] : memref<128x256xf32, #tpu.memory_space<vmem>>, vector<128x256xf32>
    %dot_general3A = arith.constant dense<0.000000e+00> : vector<1000x256xf32>
    %dot_general3A_7 = tpu.matmul %get3A_3, %get3A_6, %dot_general3A {dimension_numbers = #tpu.dot_dimension_numbers<[1], [0], [0], [1], [0, 0, 1, 1], [], []>, transpose_lhs_hint = false} : vector<1000x128xf32>, vector<128x256xf32>, vector<1000x256xf32> -> vector<1000x256xf32>
    %get3A_8 = arith.constant 1 : index
    %get3A_9 = arith.constant 0 : index
    %get3A_10 = arith.constant 0 : index
    %get3A_11 = vector.load %arg1[%get3A_8, %get3A_9, %get3A_10] : memref<2x1000x128xf32, #tpu.memory_space<vmem>>, vector<1x1000x128xf32>
    %get3A_12 = vector.shape_cast %get3A_11 : vector<1x1000x128xf32> to vector<1000x128xf32>
    %get3A_13 = arith.constant 0 : index
    %get3A_14 = arith.constant 0 : index
    %get3A_15 = vector.load %arg3[%get3A_13, %get3A_14] : memref<128x256xf32, #tpu.memory_space<vmem>>, vector<128x256xf32>
    %dot_general3A_16 = arith.constant dense<0.000000e+00> : vector<1000x256xf32>
    %dot_general3A_17 = tpu.matmul %get3A_12, %get3A_15, %dot_general3A_16 {dimension_numbers = #tpu.dot_dimension_numbers<[1], [0], [0], [1], [0, 0, 1, 1], [], []>, transpose_lhs_hint = false} : vector<1000x128xf32>, vector<128x256xf32>, vector<1000x256xf32> -> vector<1000x256xf32>
    %add3A = arith.addf %dot_general3A_7, %dot_general3A_17 : vector<1000x256xf32>
    %get3A_18 = arith.constant 0 : index
    %get3A_19 = arith.constant 0 : index
    %get3A_20 = vector.load %arg4[%get3A_18, %get3A_19] : memref<1x256xf32, #tpu.memory_space<vmem>>, vector<1x256xf32>
    %add3A_21 = vector.broadcast %get3A_20 : vector<1x256xf32> to vector<1000x256xf32>
    %add3A_22 = arith.addf %add3A, %add3A_21 : vector<1000x256xf32>
    %get3A_23 = arith.constant 0 : index
    %get3A_24 = arith.constant 0 : index
    %get3A_25 = vector.load %arg5[%get3A_23, %get3A_24] : memref<256x256xf32, #tpu.memory_space<vmem>>, vector<256x256xf32>
    %dot_general3A_26 = arith.constant dense<0.000000e+00> : vector<1000x256xf32>
    %dot_general3A_27 = tpu.matmul %add3A_22, %get3A_25, %dot_general3A_26 {dimension_numbers = #tpu.dot_dimension_numbers<[1], [0], [0], [1], [0, 0, 1, 1], [], []>, transpose_lhs_hint = false} : vector<1000x256xf32>, vector<256x256xf32>, vector<1000x256xf32> -> vector<1000x256xf32>
    %get3A_28 = arith.constant 0 : index
    %get3A_29 = arith.constant 0 : index
    %get3A_30 = vector.load %arg6[%get3A_28, %get3A_29] : memref<1x256xf32, #tpu.memory_space<vmem>>, vector<1x256xf32>
    %add3A_31 = vector.broadcast %get3A_30 : vector<1x256xf32> to vector<1000x256xf32>
    %add3A_32 = arith.addf %dot_general3A_27, %add3A_31 : vector<1000x256xf32>
    %swap3A = arith.constant 0 : index
    %swap3A_33 = arith.constant 0 : index
    %swap3A_34 = vector.load %arg9[%swap3A, %swap3A_33] : memref<1000x256xf32, #tpu.memory_space<vmem>>, vector<1000x256xf32>
    tpu.vector_store %arg9[%swap3A, %swap3A_33], %add3A_32 {strides = array<i32>} : memref<1000x256xf32, #tpu.memory_space<vmem>>, vector<1000x256xf32>,
    %get3A_35 = arith.constant 0 : index
    %get3A_36 = arith.constant 0 : index
    %get3A_37 = arith.constant 0 : index
    %get3A_38 = vector.load %arg7[%get3A_35, %get3A_36, %get3A_37] : memref<1x1x1000xi32, #tpu.memory_space<vmem>>, vector<1x1x1000xi32>
    %get3A_39 = vector.shape_cast %get3A_38 : vector<1x1x1000xi32> to vector<1x1000xi32>
    %iota3A = tpu.iota {dimensions = array<i32: 0>} : vector<64x1000xi32>
    %eq3A = vector.broadcast %get3A_39 : vector<1x1000xi32> to vector<64x1000xi32>
    %eq3A_40 = arith.cmpi eq, %iota3A, %eq3A : vector<64x1000xi32>
    %convert_element_type3A = arith.extui %eq3A_40 : vector<64x1000xi1> to vector<64x1000xi32>
    %convert_element_type3A_41 = arith.sitofp %convert_element_type3A : vector<64x1000xi32> to vector<64x1000xf32>
    %dot_general3A_42 = arith.constant dense<0.000000e+00> : vector<64x256xf32>
    %dot_general3A_43 = tpu.matmul %convert_element_type3A_41, %add3A_22, %dot_general3A_42 {dimension_numbers = #tpu.dot_dimension_numbers<[1], [0], [0], [1], [0, 0, 1, 1], [], []>, precision = #tpu.contract_precision<fp32>, transpose_lhs_hint = false} : vector<64x1000xf32>, vector<1000x256xf32>, vector<64x256xf32> -> vector<64x256xf32>
    %eq3A_44 = arith.constant 0 : i32
    %eq3A_45 = arith.cmpi eq, %arg0, %eq3A_44 : i32
    %convert_element_type3A_46 = arith.extui %eq3A_45 : i1 to i32
    %cond3A = arith.constant 0 : i32
    %cond3A_47 = arith.cmpi ne, %convert_element_type3A_46, %cond3A : i32
    scf.if %cond3A_47 {
      %broadcast_in_dim3A_73 = arith.constant 0.000000e+00 : f32
      %broadcast_in_dim3A_74 = vector.broadcast %broadcast_in_dim3A_73 : f32 to vector<64x256xf32>
      %swap3A_75 = arith.constant 0 : index
      %swap3A_76 = arith.constant 0 : index
      %swap3A_77 = vector.load %arg8[%swap3A_75, %swap3A_76] : memref<64x256xf32, #tpu.memory_space<vmem>>, vector<64x256xf32>
      tpu.vector_store %arg8[%swap3A_75, %swap3A_76], %broadcast_in_dim3A_74 {strides = array<i32>} : memref<64x256xf32, #tpu.memory_space<vmem>>, vector<64x256xf32>,
      %broadcast_in_dim3A_78 = arith.constant 0.000000e+00 : f32
      %broadcast_in_dim3A_79 = vector.broadcast %broadcast_in_dim3A_78 : f32 to vector<1x256xf32>
      %swap3A_80 = arith.constant 0 : index
      %swap3A_81 = arith.constant 0 : index
      %swap3A_82 = vector.load %arg10[%swap3A_80, %swap3A_81] : memref<1x256xf32, #tpu.memory_space<vmem>>, vector<1x256xf32>
      tpu.vector_store %arg10[%swap3A_80, %swap3A_81], %broadcast_in_dim3A_79 {strides = array<i32>} : memref<1x256xf32, #tpu.memory_space<vmem>>, vector<1x256xf32>,
      %broadcast_in_dim3A_83 = arith.constant 0.000000e+00 : f32
      %broadcast_in_dim3A_84 = vector.broadcast %broadcast_in_dim3A_83 : f32 to vector<1x256xf32>
      %swap3A_85 = arith.constant 0 : index
      %swap3A_86 = arith.constant 0 : index
      %swap3A_87 = vector.load %arg11[%swap3A_85, %swap3A_86] : memref<1x256xf32, #tpu.memory_space<vmem>>, vector<1x256xf32>
      tpu.vector_store %arg11[%swap3A_85, %swap3A_86], %broadcast_in_dim3A_84 {strides = array<i32>} : memref<1x256xf32, #tpu.memory_space<vmem>>, vector<1x256xf32>,
    } else {
    }
    %get3A_48 = arith.constant 0 : index
    %get3A_49 = arith.constant 0 : index
    %get3A_50 = vector.load %arg8[%get3A_48, %get3A_49] : memref<64x256xf32, #tpu.memory_space<vmem>>, vector<64x256xf32>
    %add3A_51 = arith.addf %get3A_50, %dot_general3A_43 : vector<64x256xf32>
    %swap3A_52 = arith.constant 0 : index
    %swap3A_53 = arith.constant 0 : index
    %swap3A_54 = vector.load %arg8[%swap3A_52, %swap3A_53] : memref<64x256xf32, #tpu.memory_space<vmem>>, vector<64x256xf32>
    tpu.vector_store %arg8[%swap3A_52, %swap3A_53], %add3A_51 {strides = array<i32>} : memref<64x256xf32, #tpu.memory_space<vmem>>, vector<64x256xf32>,
    %get3A_55 = arith.constant 0 : index
    %get3A_56 = arith.constant 0 : index
    %get3A_57 = vector.load %arg10[%get3A_55, %get3A_56] : memref<1x256xf32, #tpu.memory_space<vmem>>, vector<1x256xf32>
    %reduce_sum3A = arith.constant dense<0.000000e+00> : vector<256xf32>
    %reduce_sum3A_58 = vector.multi_reduction <add>, %add3A_32, %reduce_sum3A [0] : vector<1000x256xf32> to vector<256xf32>
    %broadcast_in_dim3A = vector.shape_cast %reduce_sum3A_58 : vector<256xf32> to vector<1x256xf32>
    %add3A_59 = arith.addf %get3A_57, %broadcast_in_dim3A : vector<1x256xf32>
    %swap3A_60 = arith.constant 0 : index
    %swap3A_61 = arith.constant 0 : index
    %swap3A_62 = vector.load %arg10[%swap3A_60, %swap3A_61] : memref<1x256xf32, #tpu.memory_space<vmem>>, vector<1x256xf32>
    tpu.vector_store %arg10[%swap3A_60, %swap3A_61], %add3A_59 {strides = array<i32>} : memref<1x256xf32, #tpu.memory_space<vmem>>, vector<1x256xf32>,
    %get3A_63 = arith.constant 0 : index
    %get3A_64 = arith.constant 0 : index
    %get3A_65 = vector.load %arg11[%get3A_63, %get3A_64] : memref<1x256xf32, #tpu.memory_space<vmem>>, vector<1x256xf32>
    %mul3A = arith.mulf %add3A_32, %add3A_32 : vector<1000x256xf32>
    %reduce_sum3A_66 = arith.constant dense<0.000000e+00> : vector<256xf32>
    %reduce_sum3A_67 = vector.multi_reduction <add>, %mul3A, %reduce_sum3A_66 [0] : vector<1000x256xf32> to vector<256xf32>
    %broadcast_in_dim3A_68 = vector.shape_cast %reduce_sum3A_67 : vector<256xf32> to vector<1x256xf32>
    %add3A_69 = arith.addf %get3A_65, %broadcast_in_dim3A_68 : vector<1x256xf32>
    %swap3A_70 = arith.constant 0 : index
    %swap3A_71 = arith.constant 0 : index
    %swap3A_72 = vector.load %arg11[%swap3A_70, %swap3A_71] : memref<1x256xf32, #tpu.memory_space<vmem>>, vector<1x256xf32>
    tpu.vector_store %arg11[%swap3A_70, %swap3A_71], %add3A_69 {strides = array<i32>} : memref<1x256xf32, #tpu.memory_space<vmem>>, vector<1x256xf32>,
    return
  }
  func.func @transform_0(%arg0: i32) -> (i32, i32, i32) {
    %c0_i32 = arith.constant 0 : i32
    %c0_i32_0 = arith.constant 0 : i32
    %c0_i32_1 = arith.constant 0 : i32
    return %c0_i32, %arg0, %c0_i32_0 : i32, i32, i32
  }
  func.func @transform_1(%arg0: i32) -> (i32, i32) {
    %c0_i32 = arith.constant 0 : i32
    %c0_i32_0 = arith.constant 0 : i32
    %c0_i32_1 = arith.constant 0 : i32
    return %c0_i32, %c0_i32_0 : i32, i32
  }
  func.func @transform_2(%arg0: i32) -> (i32, i32) {
    %c0_i32 = arith.constant 0 : i32
    %c0_i32_0 = arith.constant 0 : i32
    %c0_i32_1 = arith.constant 0 : i32
    return %c0_i32, %c0_i32_0 : i32, i32
  }
  func.func @transform_3(%arg0: i32) -> (i32, i32) {
    %c0_i32 = arith.constant 0 : i32
    %c0_i32_0 = arith.constant 0 : i32
    %c0_i32_1 = arith.constant 0 : i32
    return %c0_i32, %c0_i32_0 : i32, i32
  }
  func.func @transform_4(%arg0: i32) -> (i32, i32) {
    %c0_i32 = arith.constant 0 : i32
    %c0_i32_0 = arith.constant 0 : i32
    %c0_i32_1 = arith.constant 0 : i32
    return %c0_i32, %c0_i32_0 : i32, i32
  }
  func.func @transform_5(%arg0: i32) -> (i32, i32) {
    %c0_i32 = arith.constant 0 : i32
    %c0_i32_0 = arith.constant 0 : i32
    %c0_i32_1 = arith.constant 0 : i32
    return %c0_i32, %c0_i32_0 : i32, i32
  }
  func.func @transform_6(%arg0: i32) -> (i32, i32, i32) {
    %c0_i32 = arith.constant 0 : i32
    %c0_i32_0 = arith.constant 0 : i32
    %c0_i32_1 = arith.constant 0 : i32
    return %arg0, %c0_i32, %c0_i32_0 : i32, i32, i32
  }
  func.func @transform_7(%arg0: i32) -> (i32, i32) {
    %c0_i32 = arith.constant 0 : i32
    %c0_i32_0 = arith.constant 0 : i32
    %c0_i32_1 = arith.constant 0 : i32
    return %c0_i32, %c0_i32_0 : i32, i32
  }
  func.func @transform_8(%arg0: i32) -> (i32, i32) {
    %c0_i32 = arith.constant 0 : i32
    %c0_i32_0 = arith.constant 0 : i32
    return %arg0, %c0_i32 : i32, i32
  }
  func.func @transform_9(%arg0: i32) -> (i32, i32) {
    %c0_i32 = arith.constant 0 : i32
    %c0_i32_0 = arith.constant 0 : i32
    %c0_i32_1 = arith.constant 0 : i32
    return %c0_i32, %c0_i32_0 : i32, i32
  }
  func.func @transform_10(%arg0: i32) -> (i32, i32) {
    %c0_i32 = arith.constant 0 : i32
    %c0_i32_0 = arith.constant 0 : i32
    %c0_i32_1 = arith.constant 0 : i32
    return %c0_i32, %c0_i32_0 : i32, i32
  }
}

module attributes {stable_mosaic.version = 14 : i64} {
  func.func @_norm_body(%arg0: i32, %arg1: memref<1000x256xf32, #tpu.memory_space<vmem>>, %arg2: memref<1x256xf32, #tpu.memory_space<vmem>>, %arg3: memref<1x256xf32, #tpu.memory_space<vmem>>, %arg4: memref<1x256xf32, #tpu.memory_space<vmem>>, %arg5: memref<1x256xf32, #tpu.memory_space<vmem>>, %arg6: memref<1x1xf32, #tpu.memory_space<vmem>>, %arg7: memref<1000x256xf32, #tpu.memory_space<vmem>>) attributes {dimension_semantics = [#tpu.dimension_semantics<arbitrary>], iteration_bounds = array<i64: 10>, scalar_prefetch = 0 : i64, scratch_operands = 0 : i64, tpu.core_type = #tpu.core_type<tc>, window_params = [{transform_indices = @transform_0, window_bounds = array<i64: 1000, 256>}, {pipeline_mode = #tpu.pipeline_mode<synchronous>, transform_indices = @transform_1, window_bounds = array<i64: 1, 256>}, {pipeline_mode = #tpu.pipeline_mode<synchronous>, transform_indices = @transform_2, window_bounds = array<i64: 1, 256>}, {pipeline_mode = #tpu.pipeline_mode<synchronous>, transform_indices = @transform_3, window_bounds = array<i64: 1, 256>}, {pipeline_mode = #tpu.pipeline_mode<synchronous>, transform_indices = @transform_4, window_bounds = array<i64: 1, 256>}, {pipeline_mode = #tpu.pipeline_mode<synchronous>, transform_indices = @transform_5, window_bounds = array<i64: 1, 1>}, {transform_indices = @transform_6, window_bounds = array<i64: 1000, 256>}]} {
    %get3A = arith.constant 0 : index
    %get3A_0 = arith.constant 0 : index
    %get3A_1 = vector.load %arg2[%get3A, %get3A_0] : memref<1x256xf32, #tpu.memory_space<vmem>>, vector<1x256xf32>
    %div3A = arith.constant 1.000000e+04 : f32
    %div3A_2 = vector.broadcast %div3A : f32 to vector<1x256xf32>
    %div3A_3 = arith.divf %get3A_1, %div3A_2 : vector<1x256xf32>
    %get3A_4 = arith.constant 0 : index
    %get3A_5 = arith.constant 0 : index
    %get3A_6 = vector.load %arg3[%get3A_4, %get3A_5] : memref<1x256xf32, #tpu.memory_space<vmem>>, vector<1x256xf32>
    %div3A_7 = arith.constant 1.000000e+04 : f32
    %div3A_8 = vector.broadcast %div3A_7 : f32 to vector<1x256xf32>
    %div3A_9 = arith.divf %get3A_6, %div3A_8 : vector<1x256xf32>
    %mul3A = arith.mulf %div3A_3, %div3A_3 : vector<1x256xf32>
    %sub3A = arith.subf %div3A_9, %mul3A : vector<1x256xf32>
    %add3A = arith.constant 9.99999974E-6 : f32
    %add3A_10 = vector.broadcast %add3A : f32 to vector<1x256xf32>
    %add3A_11 = arith.addf %sub3A, %add3A_10 : vector<1x256xf32>
    %rsqrt3A = math.rsqrt %add3A_11 : vector<1x256xf32>
    %get3A_12 = arith.constant 0 : index
    %get3A_13 = arith.constant 0 : index
    %get3A_14 = vector.load %arg1[%get3A_12, %get3A_13] : memref<1000x256xf32, #tpu.memory_space<vmem>>, vector<1000x256xf32>
    %sub3A_15 = vector.broadcast %div3A_3 : vector<1x256xf32> to vector<1000x256xf32>
    %sub3A_16 = arith.subf %get3A_14, %sub3A_15 : vector<1000x256xf32>
    %get3A_17 = arith.constant 0 : index
    %get3A_18 = arith.constant 0 : index
    %get3A_19 = vector.load %arg4[%get3A_17, %get3A_18] : memref<1x256xf32, #tpu.memory_space<vmem>>, vector<1x256xf32>
    %mul3A_20 = arith.mulf %rsqrt3A, %get3A_19 : vector<1x256xf32>
    %mul3A_21 = vector.broadcast %mul3A_20 : vector<1x256xf32> to vector<1000x256xf32>
    %mul3A_22 = arith.mulf %sub3A_16, %mul3A_21 : vector<1000x256xf32>
    %get3A_23 = arith.constant 0 : index
    %get3A_24 = arith.constant 0 : index
    %get3A_25 = vector.load %arg5[%get3A_23, %get3A_24] : memref<1x256xf32, #tpu.memory_space<vmem>>, vector<1x256xf32>
    %add3A_26 = vector.broadcast %get3A_25 : vector<1x256xf32> to vector<1000x256xf32>
    %add3A_27 = arith.addf %mul3A_22, %add3A_26 : vector<1000x256xf32>
    %gt3A = arith.constant 0.000000e+00 : f32
    %gt3A_28 = vector.broadcast %gt3A : f32 to vector<1000x256xf32>
    %gt3A_29 = arith.cmpf ogt, %add3A_27, %gt3A_28 : vector<1000x256xf32>
    %get3A_30 = arith.constant 0 : index
    %get3A_31 = arith.constant 0 : index
    %get3A_32 = vector.load %arg6[%get3A_30, %get3A_31] : memref<1x1xf32, #tpu.memory_space<vmem>>, vector<1x1xf32>
    %get3A_33 = vector.extract %get3A_32[0, 0] : f32 from vector<1x1xf32>
    %mul3A_34 = vector.broadcast %get3A_33 : f32 to vector<1000x256xf32>
    %mul3A_35 = arith.mulf %mul3A_34, %add3A_27 : vector<1000x256xf32>
    %select_n3A = arith.select %gt3A_29, %add3A_27, %mul3A_35 : vector<1000x256xi1>, vector<1000x256xf32>
    %swap3A = arith.constant 0 : index
    %swap3A_36 = arith.constant 0 : index
    %swap3A_37 = vector.load %arg7[%swap3A, %swap3A_36] : memref<1000x256xf32, #tpu.memory_space<vmem>>, vector<1000x256xf32>
    tpu.vector_store %arg7[%swap3A, %swap3A_36], %select_n3A {strides = array<i32>} : memref<1000x256xf32, #tpu.memory_space<vmem>>, vector<1000x256xf32>,
    return
  }
  func.func @transform_0(%arg0: i32) -> (i32, i32) {
    %c0_i32 = arith.constant 0 : i32
    %c0_i32_0 = arith.constant 0 : i32
    return %arg0, %c0_i32 : i32, i32
  }
  func.func @transform_1(%arg0: i32) -> (i32, i32) {
    %c0_i32 = arith.constant 0 : i32
    %c0_i32_0 = arith.constant 0 : i32
    %c0_i32_1 = arith.constant 0 : i32
    return %c0_i32, %c0_i32_0 : i32, i32
  }
  func.func @transform_2(%arg0: i32) -> (i32, i32) {
    %c0_i32 = arith.constant 0 : i32
    %c0_i32_0 = arith.constant 0 : i32
    %c0_i32_1 = arith.constant 0 : i32
    return %c0_i32, %c0_i32_0 : i32, i32
  }
  func.func @transform_3(%arg0: i32) -> (i32, i32) {
    %c0_i32 = arith.constant 0 : i32
    %c0_i32_0 = arith.constant 0 : i32
    %c0_i32_1 = arith.constant 0 : i32
    return %c0_i32, %c0_i32_0 : i32, i32
  }
  func.func @transform_4(%arg0: i32) -> (i32, i32) {
    %c0_i32 = arith.constant 0 : i32
    %c0_i32_0 = arith.constant 0 : i32
    %c0_i32_1 = arith.constant 0 : i32
    return %c0_i32, %c0_i32_0 : i32, i32
  }
  func.func @transform_5(%arg0: i32) -> (i32, i32) {
    %c0_i32 = arith.constant 0 : i32
    %c0_i32_0 = arith.constant 0 : i32
    %c0_i32_1 = arith.constant 0 : i32
    return %c0_i32, %c0_i32_0 : i32, i32
  }
  func.func @transform_6(%arg0: i32) -> (i32, i32) {
    %c0_i32 = arith.constant 0 : i32
    %c0_i32_0 = arith.constant 0 : i32
    return %arg0, %c0_i32 : i32, i32
  }
}

</mosaic_0001>

<sc_bundles>
// kernel: kernel.10.cloned.1.call-start
scs
__scs_entry_jumppad:
0x0: {  	(pc) =	sbr.rel $0x88, $3  }
0x1: {  	(tag) =	ssettag $0x0;
	lr =	simm.s32 $0x1  }
0x2: {  	[smem:$0x3F95] =	sst lr;
	_ =	strace $0xD0000000  }
0x3: {  	_ = 	snop  }
0x4: {  	_ = 	snop  }
0x5: {  	_ = 	snop  }
0x6: {  	_ = 	snop  }
0x7: {  	_ = 	snop  }
__scs_overlays_trampoline_lowered:
0x8: {  	[smem:$0x3FA4] =	sst s0  }
0x9: {  	[smem:$0x3FA5] =	sst s1  }
0xa: {  	[smem:$0x3FA6] =	sst s2  }
0xb: {  	[smem:$0x3FA7] =	sst s3  }
0xc: {  	[smem:$0x3FA8] =	sst s4  }
0xd: {  	[smem:$0x3FA9] =	sst s5  }
0xe: {  	[smem:$0x3FAA] =	sst s6  }
0xf: {  	[smem:$0x3FAB] =	sst s7  }
0x10: {  	[smem:$0x3FAC] =	sst s8  }
0x11: {  	[smem:$0x3FAD] =	sst s9;
	s0 =	simm.s32 @!p0 $0x0  }
0x12: {  	s1 =	sld [smem:$0x3F93];
	s0 =	simm.s32 @p0 $0x1  }
0x13: {  	[smem:$0x3FAE] =	sst s0;
	s0 =	simm.s32 @!p1 $0x0  }
0x14: {  	s2 =	sld [smem:$0x3F92];
	s0 =	simm.s32 @p1 $0x1  }
0x15: {  	[smem:$0x3FAF] =	sst s0;
	s0 =	simm.s32 @!p2 $0x0  }
0x16: {  	s3 =	sld [smem:$0x3FDB];
	s0 =	simm.s32 @p2 $0x1  }
0x17: {  	s4 =	simm.s32 $0x1BF5;
	[smem:$0x3FB1] =	sst s0  }
0x18: {  	s0 =	sld [smem:$0x3F94];
	_ =	swait.ge [sflag:s4], $0x0  }
0x19: {  	s7 =	sld [smem:$0x3F95]  }
0x1a: {  	s8 =	sadd.s32 $0xFFFFE003, lr  }
0x1b: {  	s9 =	sadd.s32 $0xFFFFFEF7, lr;
	s5 =	simm.s32 $0xFFFFFFFF;
	p2 =	slt.u32 s8, $0xFFFFF086  }
0x1c: {  	p1 =	slt.u32 s9, $0xF7A;
	s5 =	simm.s32 @!p2 $0x0  }
0x1d: {  	s5 =	simm.s32 @p1 $0x1;
	p0 =	seq.s32 s7, s2  }
0x1e: {  	s7 =	smul.u32 @!p0 $0xF7A, s2;
	p2 =	seq.s32 @!p0 s5, $0x0  }
0x1f: {  	s9 =	smul.u32 $0xF7A, s1;
	s8 =	simm.s32 @!p0 $0x1BF5;
	p2 =	por !p2, p0  }
0x20: {  	[sflag:s8] =	ssyncset.s32 @!p0 $0xFFFFF086;
	s6 =	sadd.s32 @!p0 s3, s7;
	s7 =	simm.s32 @!p0 $0x108  }
0x21: {  	s3 =	sadd.s32 s3, s9;
	s6 =	sadd.s32 @!p0 $0x88, s6;
	s7 =	simm.s32 @p2 $0x1082  }
0x22: {  	[simem:s7], [sflag:s8] =	dma.local @!p0 [hbm:s6], $0xF7A  }
0x23: {  	s9 =	sor.u32 $0xD0000000, s2;
	s6 =	simm.s32 $0x108;
	_ =	swait.ge @!p0 [sflag:s8], $0x0  }
0x24: {  	s3 =	sadd.s32 $0x88, s3;
	s6 =	simm.s32 @!p1 $0x1082;
	[sflag:s4] =	ssyncset.s32 $0xFFFFF086  }
0x25: {  	[simem:s6], [sflag:s4] =	dma.local [hbm:s3], $0xF7A  }
0x26: {  	[smem:$0x3F95] =	sst s1;
	(tag) =	ssettag s2;
	_ =	strace s9  }
0x27: {  	s1 =	sld [smem:$0x3FA5]  }
0x28: {  	s2 =	sld [smem:$0x3FA6]  }
0x29: {  	s4 =	sld [smem:$0x3FA8]  }
0x2a: {  	p0 =	seq.s32 s5, $0x0;
	s5 =	sld [smem:$0x3FA9]  }
0x2b: {  	s6 =	sld [smem:$0x3FAA]  }
0x2c: {  	s7 =	sld [smem:$0x3FAB]  }
0x2d: {  	s3 =	simm.s32 $0x108;
	s8 =	sld [smem:$0x3FAC]  }
0x2e: {  	s3 =	simm.s32 @!p0 $0x1082;
	s9 =	sld [smem:$0x3FAD]  }
0x2f: {  	lr =	sadd.s32 s0, s3;
	s0 =	sld [smem:$0x3FA4]  }
0x30: {  	s3 =	sld [smem:$0x3FA7]  }
0x31: {  	[smem:$0x3FB0] =	sst s10  }
0x32: {  	s10 =	sld [smem:$0x3FAE];
	_ =	sdelay $0x3  }
0x33: {  	p0 =	seq.s32 s10, $0x1;
	s10 =	sld [smem:$0x3FB0];
	_ =	sdelay $0x3  }
0x34: {  	[smem:$0x3FB0] =	sst s10  }
0x35: {  	s10 =	sld [smem:$0x3FAF];
	_ =	sdelay $0x3  }
0x36: {  	p1 =	seq.s32 s10, $0x1;
	s10 =	sld [smem:$0x3FB0];
	_ =	sdelay $0x3  }
0x37: {  	[smem:$0x3FB0] =	sst s10  }
0x38: {  	s10 =	sld [smem:$0x3FB1]  }
0x39: {  	_ = 	snop;
	(pc) =	sbr.ind lr, $3  }
0x3a: {  	_ = 	snop  }
0x3b: {  	_ = 	snop  }
0x3c: {  	p2 =	seq.s32 s10, $0x1;
	s10 =	sld [smem:$0x3FB0]  }
0x3d: {  	_ =	shalt  }
0x3e: {  	_ =	shalt  }
0x3f: {  	_ =	shalt  }
0x40: {  	_ =	shalt  }
0x41: {  	_ =	shalt  }
0x42: {  	_ =	shalt  }
0x43: {  	_ =	shalt  }
0x44: {  	_ =	shalt  }
0x45: {  	_ =	shalt  }
0x46: {  	_ =	shalt  }
0x47: {  	_ =	shalt  }
0x48: {  	_ =	shalt  }
0x49: {  	_ =	shalt  }
0x4a: {  	_ =	shalt  }
0x4b: {  	_ =	shalt  }
0x4c: {  	_ =	shalt  }
0x4d: {  	_ =	shalt  }
0x4e: {  	_ =	shalt  }
0x4f: {  	_ =	shalt  }
0x50: {  	_ =	shalt  }
0x51: {  	_ =	shalt  }
0x52: {  	_ =	shalt  }
0x53: {  	_ =	shalt  }
0x54: {  	_ =	shalt  }
0x55: {  	_ =	shalt  }
0x56: {  	_ =	shalt  }
0x57: {  	_ =	shalt  }
0x58: {  	_ =	shalt  }
0x59: {  	_ =	shalt  }
0x5a: {  	_ =	shalt  }
0x5b: {  	_ =	shalt  }
0x5c: {  	_ =	shalt  }
0x5d: {  	_ =	shalt  }
0x5e: {  	_ =	shalt  }
0x5f: {  	_ =	shalt  }
0x60: {  	_ =	shalt  }
0x61: {  	_ =	shalt  }
0x62: {  	_ =	shalt  }
0x63: {  	_ =	shalt  }
0x64: {  	_ =	shalt  }
0x65: {  	_ =	shalt  }
0x66: {  	_ =	shalt  }
0x67: {  	_ =	shalt  }
0x68: {  	_ =	shalt  }
0x69: {  	_ =	shalt  }
0x6a: {  	_ =	shalt  }
0x6b: {  	_ =	shalt  }
0x6c: {  	_ =	shalt  }
0x6d: {  	_ =	shalt  }
0x6e: {  	_ =	shalt  }
0x6f: {  	_ =	shalt  }
0x70: {  	_ =	shalt  }
0x71: {  	_ =	shalt  }
0x72: {  	_ =	shalt  }
0x73: {  	_ =	shalt  }
0x74: {  	_ =	shalt  }
0x75: {  	_ =	shalt  }
0x76: {  	_ =	shalt  }
0x77: {  	_ =	shalt  }
0x78: {  	_ =	shalt  }
0x79: {  	_ =	shalt  }
0x7a: {  	_ =	shalt  }
0x7b: {  	_ =	shalt  }
0x7c: {  	_ =	shalt  }
0x7d: {  	_ =	shalt  }
0x7e: {  	_ =	shalt  }
0x7f: {  	_ =	shalt  }
0x80: {  	_ =	shalt  }
0x81: {  	_ =	shalt  }
0x82: {  	_ =	shalt  }
0x83: {  	_ =	shalt  }
0x84: {  	_ =	shalt  }
0x85: {  	_ =	shalt  }
0x86: {  	_ =	shalt  }
0x87: {  	_ =	shalt  }
.Lfunc_end0:
.L_simem_size_0:
called_computation.1_lowered:
.L_overlay_start_0:
0x88: {  	s2 =	sld [smem:$0x3FD9]  }
0x89: {  	s3 =	sld [smem:$0x3FFE];
	_ =	sdelay $0x1  }
0x8a: {  	s1 =	srdreg.scid  }
0x8b: {  	s0 =	sand.u32 $0x1, s1  }
0x8c: {  	s14 =	sshll.u32 s0, $0xA;
	s2 =	sadd.s32 s3, s2  }
0x8d: {  	s2 =	sadd.s32 s2, s14  }
0x8e: {  	[smem:$0x3FBC] =	sst s2  }
0x8f: {  	_ = 	snop  }
0x90: {  	s2 =	sld [smem:$0x3FD0];
	_ =	sdelay $0x2  }
0x91: {  	s15 =	simm.s32 $0xA;
	s4 =	simm.s32 $0x10  }
0x92: {  	[smem:s4], [sflag:s15] =	dma.local [hbm:s2], $0x1  }
0x93: {  	_ =	swait.eq [sflag:s15], $0x1  }
0x94: {  	[sflag:s15] =	ssyncset.done $0x0  }
0x95: {  	s16 =	sld [smem:$0x12];
	[sflag:s15] =	ssyncadd.s32 $0xFFFFFFFF  }
0x96: {  	s17 =	sld [smem:$0x13];
	(tm) =	ssettm $0x1  }
0x97: {  	s18 =	sld [smem:$0x3FFB];
	_ =	sdelay $0x3  }
0x98: {  	_ =	strace s18  }
0x99: {  	s4 =	sld [smem:$0x3FFC];
	_ =	sdelay $0x3  }
0x9a: {  	_ =	strace s4  }
0x9b: {  	s4 =	sld [smem:$0x3FFD];
	_ =	sdelay $0x3  }
0x9c: {  	_ =	strace s4  }
0x9d: {  	_ =	strace $0x8FFFFFFF  }
0x9e: {  	s19 =	sld [smem:$0x3FDB];
	_ =	sdelay $0x1  }
0x9f: {  	s5 =	simm.s32 $_scs_section_size  }
0xa0: {  	s6 =	simm.s32 $_size__tile_overlayer_lowered;
	s7 =	simm.s32 $_tile_overlayer_lowered  }
0xa1: {  	s22 =	simm.s32 $0x1BFF;
	s21 =	sshll.u32 s7, $0x1;
	s4 =	sadd.s32 s5, s19  }
0xa2: {  	s8 =	simm.s32 $0x0;
	s20 =	sshll.u32 s6, $0x1;
	s6 =	sadd.s32 s21, s4  }
0xa3: {  	[timem:s8], [sflag:s22] =	dma.local [hbm:s6], s20  }
0xa4: {  	_ =	swait.ge [sflag:s22], s20  }
0xa5: {  	s5 =	ssub.s32 $0x0, s20;
	[sflag:s22] =	ssyncset.done $0x0  }
0xa6: {  	[sflag:s22] =	ssyncadd.s32 s5;
	_ =	sdelay $0x1  }
0xa7: {  	s23 =	simm.s32 $0x1B8B  }
0xa8: {  	_ =	swait.ge [sflag:s23], $0x1  }
0xa9: {  	[sflag:s23] =	ssyncset.done $0x0  }
0xaa: {  	s25 =	simm.s32 $0x1B8E;
	s24 =	sld [smem:$0x3FFE];
	[sflag:s23] =	ssyncadd.s32 $0xFFFFFFFF  }
0xab: {  	s26 =	simm.s32 $execute0_lowered;
	[smem:$0x3FD2] =	sst s25  }
0xac: {  	s6 =	sshll.u32 s26, $0x1;
	_ =	strace $0x80000049;
	[dreg:$0x1] =	wrdreg $0xFFFFFFFF  }
0xad: {  	s28 =	simm.s32 $_size_execute0_lowered;
	s4 =	sadd.s32 s4, s6;
	[dreg:$0x0] =	wrdreg $0x0  }
0xae: {  	s6 =	sshll.u32 s28, $0x1;
	[dreg:$0x2] =	wrdreg s4  }
0xaf: {  	[dreg:$0x3] =	wrdreg s6  }
0xb0: {  	[dreg:$0x4] =	wrdreg $0xC0  }
0xb1: {  	_ =	task [dreg:s8], $0x5FFFF  }
0xb2: {  	[dreg:$0x1] =	wrdreg $0xFFFFFFFF  }
0xb3: {  	[dreg:$0x0] =	wrdreg $0x60  }
0xb4: {  	[dreg:$0x2] =	wrdreg s17  }
0xb5: {  	[dreg:$0x3] =	wrdreg s24  }
0xb6: {  	[dreg:$0x4] =	wrdreg s16  }
0xb7: {  	[dreg:$0x5] =	wrdreg $0xAA000  }
0xb8: {  	[dreg:$0x6] =	wrdreg $0x9  }
0xb9: {  	_ =	task.clear_ibuf [dreg:s8], $0x7FFFF;
	_ =	strace $0x90000049  }
0xba: {  	s29 =	simm.s32 $0x9;
	_ =	strace $0x8000004B  }
0xbb: {  	_ =	swait.ge [sflag:s29], $0x1  }
0xbc: {  	[sflag:s29] =	ssyncadd.s32 $0xFFFFFFFF  }
0xbd: {  	_ =	strace $0x9000004B  }
0xbe: {  	_ =	sfence  }
0xbf: {  	s30 =	sld [smem:$0x0];
	_ =	sdelay $0x2  }
0xc0: {  	s31 =	sshll.u32 s1, $0xD;
	s1 =	sshrl.u32 s1, $0x2  }
0xc1: {  	s3 =	sand.u32 $0x4000, s31;
	s1 =	sadd.s32 s1, s30  }
0xc2: {  	s0 =	sor.u32 s3, s0;
	s1 =	sshll.u32 s1, $0x11  }
0xc3: {  	s0 =	sor.u32 s1, s0  }
0xc4: {  	s0 =	sadd.s32 $0x8F2B, s0  }
0xc5: {  	[sflag:s0] =	ssyncadd.remote.s32 $0x1  }
0xc6: {  	_ =	sfence.sel $0xFFFF  }
0xc7: {  	[dreg:$0x0] =	wrdreg $0xFFFFFFFF;
	(pc) =	sbr.abs _section_cstart, $3  }
0xc8: {  	[dreg:$0x1] =	wrdreg $0xFFFFFFFF  }
0xc9: {  	_ =	task.clear_ibuf [dreg:s8], $0x2FFFF;
	_ =	strace $0x9FFFFFFF  }
0xca: {  	(tm) =	ssettm $0x7FFFFFFF  }
0xcb: {  	_ =	shalt  }
tec
execute0_lowered:
.L_overlay_start_1:
0x0: {  	(tag) =	ssettag $0x1  }
0x1: {  	s1 =	rddreg [dreg:$0x0]  }
0x2: {  	s5 =	rddreg [dreg:$0x1]  }
0x3: {  	s7 =	rddreg [dreg:$0x2]  }
0x4: {  	s2 =	rddreg [dreg:$0x3]  }
0x5: {  	s3 =	srdreg.scid;
	s0 =	rddreg [dreg:$0x4]  }
0x6: {  	s4 =	simm.s32 $0x0;
	s13 =	simm.s32 $0x2A00;
	s6 =	sand.u32 $0x1, s3  }
0x7: {  	s14 =	simm.s32 $0x1;
	s3 =	stileid.u32;
	s8 =	smul.u32 $0x5000, s6  }
0x8: {  	s15 =	simm.s32 $0x2900;
	s16 =	simm.s32 $0x2880;
	s9 =	smul.u32 $0x500, s3  }
0x9: {  	s17 =	simm.s32 $0x6A00;
	s18 =	simm.s32 $0x2980;
	s10 =	smul.u32 $0x4F000, s3  }
0xa: {  	s19 =	simm.s32 $0x2;
	s20 =	simm.s32 $0x3;
	s12 =	smul.u32 $0x27100, s6  }
0xb: {  	[smem:$0x7FF] =	sst s4;
	s22 =	sadd.s32 $0x124800, s2;
	s28 =	smul.u32 $0x4E000, s3  }
0xc: {  	_ =	strace $0x8000004A;
	s11 =	ssub.s32 $0x2, s6;
	s25 =	smul.u32 $0x2700, s3  }
0xd: {  	s31 =	sshll.u32 s3, $0x6;
	p0 =	seq.s32 s3, $0xF;
	s26 =	sshrl.u32 s11, $0x1  }
0xe: {  	s22 =	sshrl.u32 @p0 s22, $0x3;
	s8 =	sadd.s32 s8, s5;
	s5 =	sadd.s32 $0x16400, s5  }
0xf: {  	s11 =	ssub.s32 s11, s26;
	s29 =	sshrl.u32 s10, $0x2;
	s23 =	sadd.s32 s7, s12  }
0x10: {  	s30 =	sshrl.u32 s28, $0x2;
	s12 =	simm.s32 $0x2800;
	s8 =	sadd.s32 s9, s8  }
0x11: {  	s10 =	sadd.s32 s29, s2;
	s24 =	sadd.s32 s30, s2;
	s7 =	smax.u32 s11, $0x1  }
0x12: {  	s9 =	sor.u32 $0x1C04, s31;
	s11 =	simm.s32 $0x80;
	s21 =	sadd.s32 @p0 $0x24900, s23  }
0x13: {  	s23 =	sadd.s32 @!p0 s25, s23;
	s25 =	simm.s32 $0x0;
	s6 =	sadd.s32 $0xC400, s8  }
0x14: {  	s8 =	simm.s32 $0x4;
	s10 =	sshrl.u32 s10, $0x3;
	s24 =	sshrl.u32 @!p0 s24, $0x3  }
.LBB2_1:
0x15: {  	[tilespmem:s4], [sflag:$0x4] =	stream.linear.gather [hbm4b:s6+s4], $0x2800, $0x38;
	[tilespmem:$0x1E600] =	vst v63  }
0x16: {  	_ =	swait.ge [sflag:s8], $0x2800  }
0x17: {  	[sflag:s8] =	ssyncset.done $0x0  }
0x18: {  	[sflag:s8] =	ssyncadd.s32 $0xFFFFD800  }
0x19: {  	[spmem:s10], [sflag:s9] =	dma.local [hbm:s5], $0x2780  }
0x1a: {  	_ =	swait.ge [sflag:s8], $0x2780  }
0x1b: {  	[sflag:s8] =	ssyncset.done $0x0  }
0x1c: {  	[sflag:s8] =	ssyncadd.s32 $0xFFFFD880  }
0x1d: {  	[bflag:$0x0] =	sbarrier.arrive $0xFFFF  }
0x1e: {  	v0 =	vld [tilespmem:$0x0];
	_ =	sdelay $0x1  }
0x1f: {  	v1 =	vld [tilespmem:$0x10];
	_ =	sdelay $0x1  }
0x20: {  	v2 =	vld [tilespmem:$0x20]  }
0x21: {  	v3 =	vshra.s32 v0, $0xE  }
0x22: {  	v0 =	vand.u32 $0x3FFF, v0;
	[tilespmem:$0x2800] =	vst v3;
	v3 =	vld [tilespmem:$0x30]  }
0x23: {  	[tilespmem:$0x2900] =	vst v0;
	v0 =	vshra.s32 v1, $0xE  }
0x24: {  	[tilespmem:$0x2810] =	vst v0;
	v0 =	vand.u32 $0x3FFF, v1;
	v1 =	vld [tilespmem:$0x40]  }
0x25: {  	[tilespmem:$0x2910] =	vst v0;
	v0 =	vshra.s32 v2, $0xE  }
0x26: {  	[tilespmem:$0x2820] =	vst v0;
	v0 =	vand.u32 $0x3FFF, v2;
	v2 =	vld [tilespmem:$0x50]  }
0x27: {  	[tilespmem:$0x2920] =	vst v0;
	v0 =	vshra.s32 v3, $0xE  }
0x28: {  	[tilespmem:$0x2830] =	vst v0;
	v0 =	vand.u32 $0x3FFF, v3;
	v3 =	vld [tilespmem:$0x60]  }
0x29: {  	[tilespmem:$0x2930] =	vst v0;
	v0 =	vshra.s32 v1, $0xE  }
0x2a: {  	[tilespmem:$0x2840] =	vst v0;
	v0 =	vand.u32 $0x3FFF, v1;
	v1 =	vld [tilespmem:$0x70]  }
0x2b: {  	[tilespmem:$0x2940] =	vst v0;
	v0 =	vshra.s32 v2, $0xE  }
0x2c: {  	[tilespmem:$0x2850] =	vst v0;
	v0 =	vand.u32 $0x3FFF, v2  }
0x2d: {  	[tilespmem:$0x2950] =	vst v0;
	v0 =	vshra.s32 v3, $0xE  }
0x2e: {  	[tilespmem:$0x2860] =	vst v0;
	v0 =	vand.u32 $0x3FFF, v3  }
0x2f: {  	[tilespmem:$0x2960] =	vst v0;
	v0 =	vshra.s32 v1, $0xE  }
0x30: {  	[tilespmem:$0x2870] =	vst v0;
	v0 =	vand.u32 $0x3FFF, v1  }
0x31: {  	[tilespmem:$0x2970] =	vst v0  }
0x32: {  	[tilespmem:s13], [sflag:$0x1] =	stream.indirect.gather [hbm4b:s1+s11], $0x80, s12, s11, $0xb8;
	[tilespmem:$0x1E600] =	vst v63  }
0x33: {  	_ =	swait.ge [sflag:s14], $0x4000  }
0x34: {  	[sflag:s14] =	ssyncset.done $0x0  }
0x35: {  	[sflag:s14] =	ssyncadd.s32 $0xFFFFC000  }
0x36: {  	[spmem:s2] =	stream.indirect.scatter.add.f32 [tilespmem:s13], [sflag:$0x2], $0x80, s15, s11, $0xb8;
	[tilespmem:$0x1E600] =	vst v63  }
0x37: {  	v0 =	vld [tilespmem:$0x80];
	_ =	sdelay $0x1  }
0x38: {  	v1 =	vld [tilespmem:$0x90];
	_ =	sdelay $0x1  }
0x39: {  	v2 =	vld [tilespmem:$0xA0]  }
0x3a: {  	v3 =	vshra.s32 v0, $0xE  }
0x3b: {  	v0 =	vand.u32 $0x3FFF, v0;
	[tilespmem:$0x2880] =	vst v3;
	v3 =	vld [tilespmem:$0xB0]  }
0x3c: {  	[tilespmem:$0x2980] =	vst v0;
	v0 =	vshra.s32 v1, $0xE  }
0x3d: {  	[tilespmem:$0x2890] =	vst v0;
	v0 =	vand.u32 $0x3FFF, v1;
	v1 =	vld [tilespmem:$0xC0]  }
0x3e: {  	[tilespmem:$0x2990] =	vst v0;
	v0 =	vshra.s32 v2, $0xE  }
0x3f: {  	[tilespmem:$0x28A0] =	vst v0;
	v0 =	vand.u32 $0x3FFF, v2;
	v2 =	vld [tilespmem:$0xD0]  }
0x40: {  	[tilespmem:$0x29A0] =	vst v0;
	v0 =	vshra.s32 v3, $0xE  }
0x41: {  	[tilespmem:$0x28B0] =	vst v0;
	v0 =	vand.u32 $0x3FFF, v3;
	v3 =	vld [tilespmem:$0xE0]  }
0x42: {  	[tilespmem:$0x29B0] =	vst v0;
	v0 =	vshra.s32 v1, $0xE  }
0x43: {  	[tilespmem:$0x28C0] =	vst v0;
	v0 =	vand.u32 $0x3FFF, v1;
	v1 =	vld [tilespmem:$0xF0]  }
0x44: {  	[tilespmem:$0x29C0] =	vst v0;
	v0 =	vshra.s32 v2, $0xE  }
0x45: {  	[tilespmem:$0x28D0] =	vst v0;
	v0 =	vand.u32 $0x3FFF, v2  }
0x46: {  	[tilespmem:$0x29D0] =	vst v0;
	v0 =	vshra.s32 v3, $0xE  }
0x47: {  	[tilespmem:$0x28E0] =	vst v0;
	v0 =	vand.u32 $0x3FFF, v3  }
0x48: {  	[tilespmem:$0x29E0] =	vst v0;
	v0 =	vshra.s32 v1, $0xE  }
0x49: {  	[tilespmem:$0x28F0] =	vst v0;
	v0 =	vand.u32 $0x3FFF, v1  }
0x4a: {  	[tilespmem:$0x29F0] =	vst v0  }
0x4b: {  	[tilespmem:s17], [sflag:$0x1] =	stream.indirect.gather [hbm4b:s1+s11], $0x80, s16, s11, $0xb8;
	[tilespmem:$0x1E600] =	vst v63  }
0x4c: {  	_ =	swait.ge [sflag:s14], $0x4000  }
0x4d: {  	[sflag:s14] =	ssyncset.done $0x0  }
0x4e: {  	[sflag:s14] =	ssyncadd.s32 $0xFFFFC000  }
0x4f: {  	[spmem:s2] =	stream.indirect.scatter.add.f32 [tilespmem:s17], [sflag:$0x3], $0x80, s18, s11, $0xb8;
	[tilespmem:$0x1E600] =	vst v63  }
0x50: {  	_ =	swait.ge [sflag:s19], $0x4000  }
0x51: {  	[sflag:s19] =	ssyncset.done $0x0  }
0x52: {  	s26 =	simm.s32 $0x1F0;
	[sflag:s19] =	ssyncadd.s32 $0xFFFFC000  }
0x53: {  	v0 =	vld [tilespmem:s26+$0xFFFFFF10];
	_ =	sdelay $0x4  }
0x54: {  	v1 =	vshra.s32 v0, $0xE  }
0x55: {  	v0 =	vand.u32 $0x3FFF, v0;
	[tilespmem:$0x2800] =	vst v1  }
0x56: {  	[tilespmem:$0x2900] =	vst v0  }
0x57: {  	v0 =	vld [tilespmem:s26+$0xFFFFFF20];
	_ =	sdelay $0x4  }
0x58: {  	v1 =	vshra.s32 v0, $0xE  }
0x59: {  	v0 =	vand.u32 $0x3FFF, v0;
	[tilespmem:$0x2810] =	vst v1  }
0x5a: {  	[tilespmem:$0x2910] =	vst v0  }
0x5b: {  	v0 =	vld [tilespmem:s26+$0xFFFFFF30];
	_ =	sdelay $0x4  }
0x5c: {  	v1 =	vshra.s32 v0, $0xE  }
0x5d: {  	v0 =	vand.u32 $0x3FFF, v0;
	[tilespmem:$0x2820] =	vst v1  }
0x5e: {  	[tilespmem:$0x2920] =	vst v0  }
0x5f: {  	v0 =	vld [tilespmem:s26+$0xFFFFFF40];
	_ =	sdelay $0x4  }
0x60: {  	v1 =	vshra.s32 v0, $0xE  }
0x61: {  	v0 =	vand.u32 $0x3FFF, v0;
	[tilespmem:$0x2830] =	vst v1  }
0x62: {  	[tilespmem:$0x2930] =	vst v0  }
0x63: {  	v0 =	vld [tilespmem:s26+$0xFFFFFF50];
	_ =	sdelay $0x4  }
0x64: {  	v1 =	vshra.s32 v0, $0xE  }
0x65: {  	v0 =	vand.u32 $0x3FFF, v0;
	[tilespmem:$0x2840] =	vst v1  }
0x66: {  	[tilespmem:$0x2940] =	vst v0  }
0x67: {  	v0 =	vld [tilespmem:s26+$0xFFFFFF60];
	_ =	sdelay $0x4  }
0x68: {  	v1 =	vshra.s32 v0, $0xE  }
0x69: {  	v0 =	vand.u32 $0x3FFF, v0;
	[tilespmem:$0x2850] =	vst v1  }
0x6a: {  	[tilespmem:$0x2950] =	vst v0  }
0x6b: {  	v0 =	vld [tilespmem:s26+$0xFFFFFF70];
	_ =	sdelay $0x4  }
0x6c: {  	v1 =	vshra.s32 v0, $0xE  }
0x6d: {  	v0 =	vand.u32 $0x3FFF, v0;
	[tilespmem:$0x2860] =	vst v1  }
0x6e: {  	[tilespmem:$0x2960] =	vst v0  }
0x6f: {  	v0 =	vld [tilespmem:s26+$0xFFFFFF80];
	_ =	sdelay $0x4  }
0x70: {  	v1 =	vshra.s32 v0, $0xE  }
0x71: {  	v0 =	vand.u32 $0x3FFF, v0;
	[tilespmem:$0x2870] =	vst v1  }
0x72: {  	[tilespmem:$0x2970] =	vst v0  }
0x73: {  	[tilespmem:s13], [sflag:$0x1] =	stream.indirect.gather [hbm4b:s1+s11], $0x80, s12, s11, $0xb8;
	[tilespmem:$0x1E600] =	vst v63  }
0x74: {  	_ =	swait.ge [sflag:s14], $0x4000  }
0x75: {  	[sflag:s14] =	ssyncset.done $0x0  }
0x76: {  	[sflag:s14] =	ssyncadd.s32 $0xFFFFC000  }
0x77: {  	[spmem:s2] =	stream.indirect.scatter.add.f32 [tilespmem:s13], [sflag:$0x2], $0x80, s15, s11, $0xb8;
	[tilespmem:$0x1E600] =	vst v63  }
0x78: {  	_ =	swait.ge [sflag:s20], $0x4000  }
0x79: {  	[sflag:s20] =	ssyncset.done $0x0  }
0x7a: {  	[sflag:s20] =	ssyncadd.s32 $0xFFFFC000  }
0x7b: {  	v0 =	vld [tilespmem:s26+$0xFFFFFF90];
	_ =	sdelay $0x4  }
0x7c: {  	v1 =	vshra.s32 v0, $0xE  }
0x7d: {  	v0 =	vand.u32 $0x3FFF, v0;
	[tilespmem:$0x2880] =	vst v1  }
0x7e: {  	[tilespmem:$0x2980] =	vst v0  }
0x7f: {  	v0 =	vld [tilespmem:s26+$0xFFFFFFA0];
	_ =	sdelay $0x4  }
0x80: {  	v1 =	vshra.s32 v0, $0xE  }
0x81: {  	v0 =	vand.u32 $0x3FFF, v0;
	[tilespmem:$0x2890] =	vst v1  }
0x82: {  	[tilespmem:$0x2990] =	vst v0  }
0x83: {  	v0 =	vld [tilespmem:s26+$0xFFFFFFB0];
	_ =	sdelay $0x4  }
0x84: {  	v1 =	vshra.s32 v0, $0xE  }
0x85: {  	v0 =	vand.u32 $0x3FFF, v0;
	[tilespmem:$0x28A0] =	vst v1  }
0x86: {  	[tilespmem:$0x29A0] =	vst v0  }
0x87: {  	v0 =	vld [tilespmem:s26+$0xFFFFFFC0];
	_ =	sdelay $0x4  }
0x88: {  	v1 =	vshra.s32 v0, $0xE  }
0x89: {  	v0 =	vand.u32 $0x3FFF, v0;
	[tilespmem:$0x28B0] =	vst v1  }
0x8a: {  	[tilespmem:$0x29B0] =	vst v0  }
0x8b: {  	v0 =	vld [tilespmem:s26+$0xFFFFFFD0];
	_ =	sdelay $0x4  }
0x8c: {  	v1 =	vshra.s32 v0, $0xE  }
0x8d: {  	v0 =	vand.u32 $0x3FFF, v0;
	[tilespmem:$0x28C0] =	vst v1  }
0x8e: {  	[tilespmem:$0x29C0] =	vst v0  }
0x8f: {  	v0 =	vld [tilespmem:s26+$0xFFFFFFE0];
	_ =	sdelay $0x4  }
0x90: {  	v1 =	vshra.s32 v0, $0xE  }
0x91: {  	v0 =	vand.u32 $0x3FFF, v0;
	[tilespmem:$0x28D0] =	vst v1  }
0x92: {  	[tilespmem:$0x29D0] =	vst v0  }
0x93: {  	s28 =	simm.s32 $0xBC0;
	v0 =	vld [tilespmem:s26+$0xFFFFFFF0]  }
.LBB2_2:
0x94: {  	_ =	sdelay $0x2  }
0x95: {  	p1 =	sne.s32 s28, $0x9FC0;
	s29 =	smov.u32 s28;
	s28 =	sadd.s32 $0x400, s28  }
0x96: {  	v1 =	vshra.s32 v0, $0xE;
	v0 =	vand.u32 $0x3FFF, v0  }
0x97: {  	[tilespmem:$0x28E0] =	vst v1  }
0x98: {  	[tilespmem:$0x29E0] =	vst v0  }
0x99: {  	v0 =	vld [tilespmem:s26+$0x0];
	_ =	sdelay $0x4  }
0x9a: {  	v1 =	vshra.s32 v0, $0xE;
	v0 =	vand.u32 $0x3FFF, v0  }
0x9b: {  	[tilespmem:$0x28F0] =	vst v1  }
0x9c: {  	[tilespmem:$0x29F0] =	vst v0  }
0x9d: {  	[tilespmem:s17], [sflag:$0x1] =	stream.indirect.gather [hbm4b:s1+s11], $0x80, s16, s11, $0xb8;
	[tilespmem:$0x1E600] =	vst v63  }
0x9e: {  	_ =	swait.ge [sflag:s14], $0x4000  }
0x9f: {  	[sflag:s14] =	ssyncset.done $0x0  }
0xa0: {  	[sflag:s14] =	ssyncadd.s32 $0xFFFFC000  }
0xa1: {  	[spmem:s2] =	stream.indirect.scatter.add.f32 [tilespmem:s17], [sflag:$0x3], $0x80, s18, s11, $0xb8;
	[tilespmem:$0x1E600] =	vst v63  }
0xa2: {  	_ =	swait.ge [sflag:s19], $0x4000  }
0xa3: {  	[sflag:s19] =	ssyncset.done $0x0  }
0xa4: {  	s26 =	sshra.s32 s29, $0x2;
	[sflag:s19] =	ssyncadd.s32 $0xFFFFC000  }
0xa5: {  	v0 =	vld [tilespmem:s26+$0xFFFFFF10];
	_ =	sdelay $0x4  }
0xa6: {  	v1 =	vshra.s32 v0, $0xE;
	v0 =	vand.u32 $0x3FFF, v0  }
0xa7: {  	[tilespmem:$0x2800] =	vst v1  }
0xa8: {  	[tilespmem:$0x2900] =	vst v0  }
0xa9: {  	v0 =	vld [tilespmem:s26+$0xFFFFFF20];
	_ =	sdelay $0x4  }
0xaa: {  	v1 =	vshra.s32 v0, $0xE;
	v0 =	vand.u32 $0x3FFF, v0  }
0xab: {  	[tilespmem:$0x2810] =	vst v1  }
0xac: {  	[tilespmem:$0x2910] =	vst v0  }
0xad: {  	v0 =	vld [tilespmem:s26+$0xFFFFFF30];
	_ =	sdelay $0x4  }
0xae: {  	v1 =	vshra.s32 v0, $0xE;
	v0 =	vand.u32 $0x3FFF, v0  }
0xaf: {  	[tilespmem:$0x2820] =	vst v1  }
0xb0: {  	[tilespmem:$0x2920] =	vst v0  }
0xb1: {  	v0 =	vld [tilespmem:s26+$0xFFFFFF40];
	_ =	sdelay $0x4  }
0xb2: {  	v1 =	vshra.s32 v0, $0xE;
	v0 =	vand.u32 $0x3FFF, v0  }
0xb3: {  	[tilespmem:$0x2830] =	vst v1  }
0xb4: {  	[tilespmem:$0x2930] =	vst v0  }
0xb5: {  	v0 =	vld [tilespmem:s26+$0xFFFFFF50];
	_ =	sdelay $0x4  }
0xb6: {  	v1 =	vshra.s32 v0, $0xE;
	v0 =	vand.u32 $0x3FFF, v0  }
0xb7: {  	[tilespmem:$0x2840] =	vst v1  }
0xb8: {  	[tilespmem:$0x2940] =	vst v0  }
0xb9: {  	v0 =	vld [tilespmem:s26+$0xFFFFFF60];
	_ =	sdelay $0x4  }
0xba: {  	v1 =	vshra.s32 v0, $0xE;
	v0 =	vand.u32 $0x3FFF, v0  }
0xbb: {  	[tilespmem:$0x2850] =	vst v1  }
0xbc: {  	[tilespmem:$0x2950] =	vst v0  }
0xbd: {  	v0 =	vld [tilespmem:s26+$0xFFFFFF70];
	_ =	sdelay $0x4  }
0xbe: {  	v1 =	vshra.s32 v0, $0xE;
	v0 =	vand.u32 $0x3FFF, v0  }
0xbf: {  	[tilespmem:$0x2860] =	vst v1  }
0xc0: {  	[tilespmem:$0x2960] =	vst v0  }
0xc1: {  	v0 =	vld [tilespmem:s26+$0xFFFFFF80];
	_ =	sdelay $0x4  }
0xc2: {  	v1 =	vshra.s32 v0, $0xE;
	v0 =	vand.u32 $0x3FFF, v0  }
0xc3: {  	[tilespmem:$0x2870] =	vst v1  }
0xc4: {  	[tilespmem:$0x2970] =	vst v0  }
0xc5: {  	[tilespmem:s13], [sflag:$0x1] =	stream.indirect.gather [hbm4b:s1+s11], $0x80, s12, s11, $0xb8;
	[tilespmem:$0x1E600] =	vst v63  }
0xc6: {  	_ =	swait.ge [sflag:s14], $0x4000  }
0xc7: {  	[sflag:s14] =	ssyncset.done $0x0  }
0xc8: {  	[sflag:s14] =	ssyncadd.s32 $0xFFFFC000  }
0xc9: {  	[spmem:s2] =	stream.indirect.scatter.add.f32 [tilespmem:s13], [sflag:$0x2], $0x80, s15, s11, $0xb8;
	[tilespmem:$0x1E600] =	vst v63  }
0xca: {  	_ =	swait.ge [sflag:s20], $0x4000  }
0xcb: {  	[sflag:s20] =	ssyncset.done $0x0  }
0xcc: {  	[sflag:s20] =	ssyncadd.s32 $0xFFFFC000  }
0xcd: {  	v0 =	vld [tilespmem:s26+$0xFFFFFF90];
	_ =	sdelay $0x4  }
0xce: {  	v1 =	vshra.s32 v0, $0xE;
	v0 =	vand.u32 $0x3FFF, v0  }
0xcf: {  	[tilespmem:$0x2880] =	vst v1  }
0xd0: {  	[tilespmem:$0x2980] =	vst v0  }
0xd1: {  	v0 =	vld [tilespmem:s26+$0xFFFFFFA0];
	_ =	sdelay $0x4  }
0xd2: {  	v1 =	vshra.s32 v0, $0xE;
	v0 =	vand.u32 $0x3FFF, v0  }
0xd3: {  	[tilespmem:$0x2890] =	vst v1  }
0xd4: {  	[tilespmem:$0x2990] =	vst v0  }
0xd5: {  	v0 =	vld [tilespmem:s26+$0xFFFFFFB0];
	_ =	sdelay $0x4  }
0xd6: {  	v1 =	vshra.s32 v0, $0xE;
	v0 =	vand.u32 $0x3FFF, v0  }
0xd7: {  	[tilespmem:$0x28A0] =	vst v1  }
0xd8: {  	[tilespmem:$0x29A0] =	vst v0  }
0xd9: {  	v0 =	vld [tilespmem:s26+$0xFFFFFFC0];
	_ =	sdelay $0x4  }
0xda: {  	v1 =	vshra.s32 v0, $0xE;
	v0 =	vand.u32 $0x3FFF, v0  }
0xdb: {  	[tilespmem:$0x28B0] =	vst v1  }
0xdc: {  	[tilespmem:$0x29B0] =	vst v0  }
0xdd: {  	v0 =	vld [tilespmem:s26+$0xFFFFFFD0];
	_ =	sdelay $0x4  }
0xde: {  	v1 =	vshra.s32 v0, $0xE;
	v0 =	vand.u32 $0x3FFF, v0  }
0xdf: {  	[tilespmem:$0x28C0] =	vst v1  }
0xe0: {  	[tilespmem:$0x29C0] =	vst v0  }
0xe1: {  	v0 =	vld [tilespmem:s26+$0xFFFFFFE0];
	_ =	sdelay $0x3  }
.Ltmp0:
0xe2: {  	(pc) =	sbr.rel @p1 .LBB2_2-.Ltmp0, $4  }
0xe3: {  	v1 =	vshra.s32 v0, $0xE;
	v0 =	vand.u32 $0x3FFF, v0  }
0xe4: {  	[tilespmem:$0x28D0] =	vst v1  }
0xe5: {  	[tilespmem:$0x29D0] =	vst v0  }
0xe6: {  	v0 =	vld [tilespmem:s26+$0xFFFFFFF0]  }
0xe7: {  	_ =	sdelay $0x3  }
0xe8: {  	v1 =	vshra.s32 v0, $0xE  }
0xe9: {  	v62 =	vand.u32 $0x3FFF, v0;
	[tilespmem:$0x28E0] =	vst v1  }
0xea: {  	[tilespmem:$0x29E0] =	vst v62  }
0xeb: {  	v0 =	vld [tilespmem:s26+$0x0];
	_ =	sdelay $0x4  }
0xec: {  	v63 =	vshra.s32 v0, $0xE  }
0xed: {  	v0 =	vand.u32 $0x3FFF, v0;
	[tilespmem:$0x28F0] =	vst v63  }
0xee: {  	[tilespmem:$0x29F0] =	vst v0  }
0xef: {  	[tilespmem:s17], [sflag:$0x1] =	stream.indirect.gather [hbm4b:s1+s11], $0x80, s16, s11, $0xb8;
	[tilespmem:$0x1E600] =	vst v63  }
0xf0: {  	_ =	swait.ge [sflag:s14], $0x4000  }
0xf1: {  	[sflag:s14] =	ssyncset.done $0x0  }
0xf2: {  	[sflag:s14] =	ssyncadd.s32 $0xFFFFC000  }
0xf3: {  	[spmem:s2] =	stream.indirect.scatter.add.f32 [tilespmem:s17], [sflag:$0x3], $0x80, s18, s11, $0xb8;
	[tilespmem:$0x1E600] =	vst v63  }
0xf4: {  	_ =	swait.ge [sflag:s19], $0x4000  }
0xf5: {  	[sflag:s19] =	ssyncset.done $0x0  }
0xf6: {  	[sflag:s19] =	ssyncadd.s32 $0xFFFFC000  }
0xf7: {  	_ =	swait.ge [sflag:s20], $0x4000  }
0xf8: {  	[sflag:s20] =	ssyncset.done $0x0  }
0xf9: {  	[sflag:s20] =	ssyncadd.s32 $0xFFFFC000  }
0xfa: {  	s26 =	simm.s32 @p0 $0x4;
	[bflag:$0x0] =	sbarrier.arrive $0xFFFF  }
0xfb: {  	[hbm:s21], [sflag:s9] =	dma.local @p0 [spmem:s22], $0x2800  }
0xfc: {  	s25 =	sadd.s32 $0x1, s25;
	_ =	swait.ge @p0 [sflag:s26], $0x2800  }
0xfd: {  	p1 =	sne.s32 s25, s7;
	[sflag:s26] =	ssyncset.done @p0 $0x0  }
.Ltmp1:
0xfe: {  	[sflag:s26] =	ssyncadd.s32 @p0 $0xFFFFD800;
	s26 =	simm.s32 @!p0 $0x4;
	(pc) =	sbr.rel @p1 .LBB2_1-.Ltmp1, $4  }
0xff: {  	[hbm:s23], [sflag:s9] =	dma.local @!p0 [spmem:s24], $0x2700  }
0x100: {  	_ =	swait.ge @!p0 [sflag:s26], $0x2700  }
0x101: {  	[sflag:s26] =	ssyncset.done @!p0 $0x0  }
0x102: {  	[sflag:s26] =	ssyncadd.s32 @!p0 $0xFFFFD900  }
0x103: {  	_ =	sfence.sel $0x180000  }
0x104: {  	[bflag:$0x0] =	sbarrier.arrive $0xFFFF  }
0x105: {  	p0 =	sne.s32 s3, $0x0;
	_ =	strace $0x9000004A  }
0x106: {  	s0 =	sadd.s32 @!p0 $0x100000, s0;
	[bflag:$0x2] =	sbarrier.arrive $0xFFFF  }
0x107: {  	[sflag:s0] =	ssyncadd.tile.s32 @!p0 $0x1;
	_ =	shalt  }
.Lfunc_end2:
_tile_overlayer_lowered:
.L_overlay_start_2:
0x108: {  	(tag) =	ssettag $0x2  }
0x109: {  	s0 =	rddreg [dreg:$0x0];
	s2 =	stileid.u32  }
0x10a: {  	s1 =	rddreg [dreg:$0x1];
	p0 =	sne.s32 s2, $0x0  }
0x10b: {  	s3 =	rddreg [dreg:$0x2];
	[bflag:$0x3] =	sbarrier.arrive $0xFFFF;
	s2 =	simm.s32 @!p0 $0x1C04  }
0x10c: {  	[timem:s3], [sflag:s2] =	dma.local @!p0 [hbm:s0], s1  }
0x10d: {  	s0 =	simm.s32 @!p0 $0x4  }
0x10e: {  	_ =	swait.ge @!p0 [sflag:s0], s1  }
0x10f: {  	s1 =	ssub.s32 @!p0 $0x0, s1;
	[sflag:s0] =	ssyncset.done @!p0 $0x0  }
0x110: {  	[sflag:s0] =	ssyncadd.s32 @!p0 s1  }
0x111: {  	[bflag:$0x3] =	sbarrier.arrive $0xFFFF  }
0x112: {  	_ =	shalt  }

// kernel: kernel.7.cloned.1.call-start
scs
__scs_entry_jumppad:
0x0: {  	(pc) =	sbr.rel $0x88, $3  }
0x1: {  	(tag) =	ssettag $0x0;
	lr =	simm.s32 $0x1  }
0x2: {  	[smem:$0x3F95] =	sst lr;
	_ =	strace $0xD0000000  }
0x3: {  	_ = 	snop  }
0x4: {  	_ = 	snop  }
0x5: {  	_ = 	snop  }
0x6: {  	_ = 	snop  }
0x7: {  	_ = 	snop  }
__scs_overlays_trampoline_lowered:
0x8: {  	[smem:$0x3FA4] =	sst s0  }
0x9: {  	[smem:$0x3FA5] =	sst s1  }
0xa: {  	[smem:$0x3FA6] =	sst s2  }
0xb: {  	[smem:$0x3FA7] =	sst s3  }
0xc: {  	[smem:$0x3FA8] =	sst s4  }
0xd: {  	[smem:$0x3FA9] =	sst s5  }
0xe: {  	[smem:$0x3FAA] =	sst s6  }
0xf: {  	[smem:$0x3FAB] =	sst s7  }
0x10: {  	[smem:$0x3FAC] =	sst s8  }
0x11: {  	[smem:$0x3FAD] =	sst s9;
	s0 =	simm.s32 @!p0 $0x0  }
0x12: {  	s1 =	sld [smem:$0x3F93];
	s0 =	simm.s32 @p0 $0x1  }
0x13: {  	[smem:$0x3FAE] =	sst s0;
	s0 =	simm.s32 @!p1 $0x0  }
0x14: {  	s2 =	sld [smem:$0x3F92];
	s0 =	simm.s32 @p1 $0x1  }
0x15: {  	[smem:$0x3FAF] =	sst s0;
	s0 =	simm.s32 @!p2 $0x0  }
0x16: {  	s3 =	sld [smem:$0x3FDB];
	s0 =	simm.s32 @p2 $0x1  }
0x17: {  	s4 =	simm.s32 $0x1BF5;
	[smem:$0x3FB1] =	sst s0  }
0x18: {  	s0 =	sld [smem:$0x3F94];
	_ =	swait.ge [sflag:s4], $0x0  }
0x19: {  	s7 =	sld [smem:$0x3F95]  }
0x1a: {  	s8 =	sadd.s32 $0xFFFFE003, lr  }
0x1b: {  	s9 =	sadd.s32 $0xFFFFFEF7, lr;
	s5 =	simm.s32 $0xFFFFFFFF;
	p2 =	slt.u32 s8, $0xFFFFF086  }
0x1c: {  	p1 =	slt.u32 s9, $0xF7A;
	s5 =	simm.s32 @!p2 $0x0  }
0x1d: {  	s5 =	simm.s32 @p1 $0x1;
	p0 =	seq.s32 s7, s2  }
0x1e: {  	s7 =	smul.u32 @!p0 $0xF7A, s2;
	p2 =	seq.s32 @!p0 s5, $0x0  }
0x1f: {  	s9 =	smul.u32 $0xF7A, s1;
	s8 =	simm.s32 @!p0 $0x1BF5;
	p2 =	por !p2, p0  }
0x20: {  	[sflag:s8] =	ssyncset.s32 @!p0 $0xFFFFF086;
	s6 =	sadd.s32 @!p0 s3, s7;
	s7 =	simm.s32 @!p0 $0x108  }
0x21: {  	s3 =	sadd.s32 s3, s9;
	s6 =	sadd.s32 @!p0 $0x88, s6;
	s7 =	simm.s32 @p2 $0x1082  }
0x22: {  	[simem:s7], [sflag:s8] =	dma.local @!p0 [hbm:s6], $0xF7A  }
0x23: {  	s9 =	sor.u32 $0xD0000000, s2;
	s6 =	simm.s32 $0x108;
	_ =	swait.ge @!p0 [sflag:s8], $0x0  }
0x24: {  	s3 =	sadd.s32 $0x88, s3;
	s6 =	simm.s32 @!p1 $0x1082;
	[sflag:s4] =	ssyncset.s32 $0xFFFFF086  }
0x25: {  	[simem:s6], [sflag:s4] =	dma.local [hbm:s3], $0xF7A  }
0x26: {  	[smem:$0x3F95] =	sst s1;
	(tag) =	ssettag s2;
	_ =	strace s9  }
0x27: {  	s1 =	sld [smem:$0x3FA5]  }
0x28: {  	s2 =	sld [smem:$0x3FA6]  }
0x29: {  	s4 =	sld [smem:$0x3FA8]  }
0x2a: {  	p0 =	seq.s32 s5, $0x0;
	s5 =	sld [smem:$0x3FA9]  }
0x2b: {  	s6 =	sld [smem:$0x3FAA]  }
0x2c: {  	s7 =	sld [smem:$0x3FAB]  }
0x2d: {  	s3 =	simm.s32 $0x108;
	s8 =	sld [smem:$0x3FAC]  }
0x2e: {  	s3 =	simm.s32 @!p0 $0x1082;
	s9 =	sld [smem:$0x3FAD]  }
0x2f: {  	lr =	sadd.s32 s0, s3;
	s0 =	sld [smem:$0x3FA4]  }
0x30: {  	s3 =	sld [smem:$0x3FA7]  }
0x31: {  	[smem:$0x3FB0] =	sst s10  }
0x32: {  	s10 =	sld [smem:$0x3FAE];
	_ =	sdelay $0x3  }
0x33: {  	p0 =	seq.s32 s10, $0x1;
	s10 =	sld [smem:$0x3FB0];
	_ =	sdelay $0x3  }
0x34: {  	[smem:$0x3FB0] =	sst s10  }
0x35: {  	s10 =	sld [smem:$0x3FAF];
	_ =	sdelay $0x3  }
0x36: {  	p1 =	seq.s32 s10, $0x1;
	s10 =	sld [smem:$0x3FB0];
	_ =	sdelay $0x3  }
0x37: {  	[smem:$0x3FB0] =	sst s10  }
0x38: {  	s10 =	sld [smem:$0x3FB1]  }
0x39: {  	_ = 	snop;
	(pc) =	sbr.ind lr, $3  }
0x3a: {  	_ = 	snop  }
0x3b: {  	_ = 	snop  }
0x3c: {  	p2 =	seq.s32 s10, $0x1;
	s10 =	sld [smem:$0x3FB0]  }
0x3d: {  	_ =	shalt  }
0x3e: {  	_ =	shalt  }
0x3f: {  	_ =	shalt  }
0x40: {  	_ =	shalt  }
0x41: {  	_ =	shalt  }
0x42: {  	_ =	shalt  }
0x43: {  	_ =	shalt  }
0x44: {  	_ =	shalt  }
0x45: {  	_ =	shalt  }
0x46: {  	_ =	shalt  }
0x47: {  	_ =	shalt  }
0x48: {  	_ =	shalt  }
0x49: {  	_ =	shalt  }
0x4a: {  	_ =	shalt  }
0x4b: {  	_ =	shalt  }
0x4c: {  	_ =	shalt  }
0x4d: {  	_ =	shalt  }
0x4e: {  	_ =	shalt  }
0x4f: {  	_ =	shalt  }
0x50: {  	_ =	shalt  }
0x51: {  	_ =	shalt  }
0x52: {  	_ =	shalt  }
0x53: {  	_ =	shalt  }
0x54: {  	_ =	shalt  }
0x55: {  	_ =	shalt  }
0x56: {  	_ =	shalt  }
0x57: {  	_ =	shalt  }
0x58: {  	_ =	shalt  }
0x59: {  	_ =	shalt  }
0x5a: {  	_ =	shalt  }
0x5b: {  	_ =	shalt  }
0x5c: {  	_ =	shalt  }
0x5d: {  	_ =	shalt  }
0x5e: {  	_ =	shalt  }
0x5f: {  	_ =	shalt  }
0x60: {  	_ =	shalt  }
0x61: {  	_ =	shalt  }
0x62: {  	_ =	shalt  }
0x63: {  	_ =	shalt  }
0x64: {  	_ =	shalt  }
0x65: {  	_ =	shalt  }
0x66: {  	_ =	shalt  }
0x67: {  	_ =	shalt  }
0x68: {  	_ =	shalt  }
0x69: {  	_ =	shalt  }
0x6a: {  	_ =	shalt  }
0x6b: {  	_ =	shalt  }
0x6c: {  	_ =	shalt  }
0x6d: {  	_ =	shalt  }
0x6e: {  	_ =	shalt  }
0x6f: {  	_ =	shalt  }
0x70: {  	_ =	shalt  }
0x71: {  	_ =	shalt  }
0x72: {  	_ =	shalt  }
0x73: {  	_ =	shalt  }
0x74: {  	_ =	shalt  }
0x75: {  	_ =	shalt  }
0x76: {  	_ =	shalt  }
0x77: {  	_ =	shalt  }
0x78: {  	_ =	shalt  }
0x79: {  	_ =	shalt  }
0x7a: {  	_ =	shalt  }
0x7b: {  	_ =	shalt  }
0x7c: {  	_ =	shalt  }
0x7d: {  	_ =	shalt  }
0x7e: {  	_ =	shalt  }
0x7f: {  	_ =	shalt  }
0x80: {  	_ =	shalt  }
0x81: {  	_ =	shalt  }
0x82: {  	_ =	shalt  }
0x83: {  	_ =	shalt  }
0x84: {  	_ =	shalt  }
0x85: {  	_ =	shalt  }
0x86: {  	_ =	shalt  }
0x87: {  	_ =	shalt  }
.Lfunc_end0:
.L_simem_size_0:
called_computation_lowered:
.L_overlay_start_0:
0x88: {  	s2 =	sld [smem:$0x3FD9]  }
0x89: {  	s3 =	sld [smem:$0x3FFE];
	_ =	sdelay $0x1  }
0x8a: {  	s1 =	srdreg.scid  }
0x8b: {  	s0 =	sand.u32 $0x1, s1  }
0x8c: {  	s14 =	sshll.u32 s0, $0xA;
	s2 =	sadd.s32 s3, s2  }
0x8d: {  	s2 =	sadd.s32 s2, s14  }
0x8e: {  	[smem:$0x3FBC] =	sst s2  }
0x8f: {  	_ = 	snop  }
0x90: {  	s2 =	sld [smem:$0x3FD0];
	_ =	sdelay $0x2  }
0x91: {  	s15 =	simm.s32 $0xA;
	s4 =	simm.s32 $0x10  }
0x92: {  	[smem:s4], [sflag:s15] =	dma.local [hbm:s2], $0x1  }
0x93: {  	_ =	swait.eq [sflag:s15], $0x1  }
0x94: {  	[sflag:s15] =	ssyncset.done $0x0  }
0x95: {  	s16 =	sld [smem:$0x12];
	[sflag:s15] =	ssyncadd.s32 $0xFFFFFFFF  }
0x96: {  	s17 =	sld [smem:$0x13];
	(tm) =	ssettm $0x1  }
0x97: {  	s18 =	sld [smem:$0x3FFB];
	_ =	sdelay $0x3  }
0x98: {  	_ =	strace s18  }
0x99: {  	s4 =	sld [smem:$0x3FFC];
	_ =	sdelay $0x3  }
0x9a: {  	_ =	strace s4  }
0x9b: {  	s4 =	sld [smem:$0x3FFD];
	_ =	sdelay $0x3  }
0x9c: {  	_ =	strace s4  }
0x9d: {  	_ =	strace $0x8FFFFFFF  }
0x9e: {  	s19 =	sld [smem:$0x3FDB];
	_ =	sdelay $0x1  }
0x9f: {  	s5 =	simm.s32 $_scs_section_size  }
0xa0: {  	s6 =	simm.s32 $_size__tile_overlayer_lowered;
	s7 =	simm.s32 $_tile_overlayer_lowered  }
0xa1: {  	s22 =	simm.s32 $0x1BFF;
	s21 =	sshll.u32 s7, $0x1;
	s4 =	sadd.s32 s5, s19  }
0xa2: {  	s8 =	simm.s32 $0x0;
	s20 =	sshll.u32 s6, $0x1;
	s6 =	sadd.s32 s21, s4  }
0xa3: {  	[timem:s8], [sflag:s22] =	dma.local [hbm:s6], s20  }
0xa4: {  	_ =	swait.ge [sflag:s22], s20  }
0xa5: {  	s5 =	ssub.s32 $0x0, s20;
	[sflag:s22] =	ssyncset.done $0x0  }
0xa6: {  	[sflag:s22] =	ssyncadd.s32 s5;
	_ =	sdelay $0x1  }
0xa7: {  	s23 =	simm.s32 $0x1B8B  }
0xa8: {  	_ =	swait.ge [sflag:s23], $0x1  }
0xa9: {  	[sflag:s23] =	ssyncset.done $0x0  }
0xaa: {  	s25 =	simm.s32 $0x1B8E;
	s24 =	sld [smem:$0x3FFE];
	[sflag:s23] =	ssyncadd.s32 $0xFFFFFFFF  }
0xab: {  	s26 =	simm.s32 $execute0_lowered;
	[smem:$0x3FD2] =	sst s25  }
0xac: {  	s6 =	sshll.u32 s26, $0x1;
	_ =	strace $0x80000046;
	[dreg:$0x1] =	wrdreg $0xFFFFFFFF  }
0xad: {  	s28 =	simm.s32 $_size_execute0_lowered;
	s4 =	sadd.s32 s4, s6;
	[dreg:$0x0] =	wrdreg $0x0  }
0xae: {  	s6 =	sshll.u32 s28, $0x1;
	[dreg:$0x2] =	wrdreg s4  }
0xaf: {  	[dreg:$0x3] =	wrdreg s6  }
0xb0: {  	[dreg:$0x4] =	wrdreg $0xC0  }
0xb1: {  	_ =	task [dreg:s8], $0x5FFFF  }
0xb2: {  	[dreg:$0x1] =	wrdreg $0xFFFFFFFF  }
0xb3: {  	[dreg:$0x0] =	wrdreg $0x60  }
0xb4: {  	[dreg:$0x2] =	wrdreg s17  }
0xb5: {  	[dreg:$0x3] =	wrdreg s24  }
0xb6: {  	[dreg:$0x4] =	wrdreg s16  }
0xb7: {  	[dreg:$0x5] =	wrdreg $0xAA000  }
0xb8: {  	[dreg:$0x6] =	wrdreg $0x9  }
0xb9: {  	_ =	task.clear_ibuf [dreg:s8], $0x7FFFF;
	_ =	strace $0x90000046  }
0xba: {  	s29 =	simm.s32 $0x9;
	_ =	strace $0x80000048  }
0xbb: {  	_ =	swait.ge [sflag:s29], $0x1  }
0xbc: {  	[sflag:s29] =	ssyncadd.s32 $0xFFFFFFFF  }
0xbd: {  	_ =	strace $0x90000048  }
0xbe: {  	_ =	sfence  }
0xbf: {  	s30 =	sld [smem:$0x0];
	_ =	sdelay $0x2  }
0xc0: {  	s31 =	sshll.u32 s1, $0xD;
	s1 =	sshrl.u32 s1, $0x2  }
0xc1: {  	s3 =	sand.u32 $0x4000, s31;
	s1 =	sadd.s32 s1, s30  }
0xc2: {  	s0 =	sor.u32 s3, s0;
	s1 =	sshll.u32 s1, $0x11  }
0xc3: {  	s0 =	sor.u32 s1, s0  }
0xc4: {  	s0 =	sadd.s32 $0x8F2B, s0  }
0xc5: {  	[sflag:s0] =	ssyncadd.remote.s32 $0x1  }
0xc6: {  	_ =	sfence.sel $0xFFFF  }
0xc7: {  	[dreg:$0x0] =	wrdreg $0xFFFFFFFF;
	(pc) =	sbr.abs _section_cstart, $3  }
0xc8: {  	[dreg:$0x1] =	wrdreg $0xFFFFFFFF  }
0xc9: {  	_ =	task.clear_ibuf [dreg:s8], $0x2FFFF;
	_ =	strace $0x9FFFFFFF  }
0xca: {  	(tm) =	ssettm $0x7FFFFFFF  }
0xcb: {  	_ =	shalt  }
tec
execute0_lowered:
.L_overlay_start_1:
0x0: {  	(tag) =	ssettag $0x1  }
0x1: {  	s1 =	rddreg [dreg:$0x0]  }
0x2: {  	s5 =	rddreg [dreg:$0x1]  }
0x3: {  	s7 =	rddreg [dreg:$0x2]  }
0x4: {  	s2 =	rddreg [dreg:$0x3]  }
0x5: {  	s3 =	srdreg.scid;
	s0 =	rddreg [dreg:$0x4]  }
0x6: {  	s4 =	simm.s32 $0x0;
	s13 =	simm.s32 $0x2A00;
	s6 =	sand.u32 $0x1, s3  }
0x7: {  	s14 =	simm.s32 $0x1;
	s3 =	stileid.u32;
	s8 =	smul.u32 $0x5000, s6  }
0x8: {  	s15 =	simm.s32 $0x2900;
	s16 =	simm.s32 $0x2880;
	s9 =	smul.u32 $0x500, s3  }
0x9: {  	s17 =	simm.s32 $0x6A00;
	s18 =	simm.s32 $0x2980;
	s10 =	smul.u32 $0x4F000, s3  }
0xa: {  	s19 =	simm.s32 $0x2;
	s20 =	simm.s32 $0x3;
	s12 =	smul.u32 $0x27100, s6  }
0xb: {  	[smem:$0x7FF] =	sst s4;
	s22 =	sadd.s32 $0x124800, s2;
	s28 =	smul.u32 $0x4E000, s3  }
0xc: {  	_ =	strace $0x80000047;
	s11 =	ssub.s32 $0x2, s6;
	s25 =	smul.u32 $0x2700, s3  }
0xd: {  	s31 =	sshll.u32 s3, $0x6;
	p0 =	seq.s32 s3, $0xF;
	s26 =	sshrl.u32 s11, $0x1  }
0xe: {  	s22 =	sshrl.u32 @p0 s22, $0x3;
	s8 =	sadd.s32 s8, s5;
	s5 =	sadd.s32 $0x16400, s5  }
0xf: {  	s11 =	ssub.s32 s11, s26;
	s29 =	sshrl.u32 s10, $0x2;
	s23 =	sadd.s32 s7, s12  }
0x10: {  	s30 =	sshrl.u32 s28, $0x2;
	s12 =	simm.s32 $0x2800;
	s8 =	sadd.s32 s9, s8  }
0x11: {  	s10 =	sadd.s32 s29, s2;
	s24 =	sadd.s32 s30, s2;
	s7 =	smax.u32 s11, $0x1  }
0x12: {  	s9 =	sor.u32 $0x1C04, s31;
	s11 =	simm.s32 $0x80;
	s21 =	sadd.s32 @p0 $0x24900, s23  }
0x13: {  	s23 =	sadd.s32 @!p0 s25, s23;
	s25 =	simm.s32 $0x0;
	s6 =	sadd.s32 $0x2400, s8  }
0x14: {  	s8 =	simm.s32 $0x4;
	s10 =	sshrl.u32 s10, $0x3;
	s24 =	sshrl.u32 @!p0 s24, $0x3  }
.LBB2_1:
0x15: {  	[tilespmem:s4], [sflag:$0x4] =	stream.linear.gather [hbm4b:s6+s4], $0x2800, $0x38;
	[tilespmem:$0x1E600] =	vst v63  }
0x16: {  	_ =	swait.ge [sflag:s8], $0x2800  }
0x17: {  	[sflag:s8] =	ssyncset.done $0x0  }
0x18: {  	[sflag:s8] =	ssyncadd.s32 $0xFFFFD800  }
0x19: {  	[spmem:s10], [sflag:s9] =	dma.local [hbm:s5], $0x2780  }
0x1a: {  	_ =	swait.ge [sflag:s8], $0x2780  }
0x1b: {  	[sflag:s8] =	ssyncset.done $0x0  }
0x1c: {  	[sflag:s8] =	ssyncadd.s32 $0xFFFFD880  }
0x1d: {  	[bflag:$0x0] =	sbarrier.arrive $0xFFFF  }
0x1e: {  	v0 =	vld [tilespmem:$0x0];
	_ =	sdelay $0x1  }
0x1f: {  	v1 =	vld [tilespmem:$0x10];
	_ =	sdelay $0x1  }
0x20: {  	v2 =	vld [tilespmem:$0x20]  }
0x21: {  	v3 =	vshra.s32 v0, $0xE  }
0x22: {  	v0 =	vand.u32 $0x3FFF, v0;
	[tilespmem:$0x2800] =	vst v3;
	v3 =	vld [tilespmem:$0x30]  }
0x23: {  	[tilespmem:$0x2900] =	vst v0;
	v0 =	vshra.s32 v1, $0xE  }
0x24: {  	[tilespmem:$0x2810] =	vst v0;
	v0 =	vand.u32 $0x3FFF, v1;
	v1 =	vld [tilespmem:$0x40]  }
0x25: {  	[tilespmem:$0x2910] =	vst v0;
	v0 =	vshra.s32 v2, $0xE  }
0x26: {  	[tilespmem:$0x2820] =	vst v0;
	v0 =	vand.u32 $0x3FFF, v2;
	v2 =	vld [tilespmem:$0x50]  }
0x27: {  	[tilespmem:$0x2920] =	vst v0;
	v0 =	vshra.s32 v3, $0xE  }
0x28: {  	[tilespmem:$0x2830] =	vst v0;
	v0 =	vand.u32 $0x3FFF, v3;
	v3 =	vld [tilespmem:$0x60]  }
0x29: {  	[tilespmem:$0x2930] =	vst v0;
	v0 =	vshra.s32 v1, $0xE  }
0x2a: {  	[tilespmem:$0x2840] =	vst v0;
	v0 =	vand.u32 $0x3FFF, v1;
	v1 =	vld [tilespmem:$0x70]  }
0x2b: {  	[tilespmem:$0x2940] =	vst v0;
	v0 =	vshra.s32 v2, $0xE  }
0x2c: {  	[tilespmem:$0x2850] =	vst v0;
	v0 =	vand.u32 $0x3FFF, v2  }
0x2d: {  	[tilespmem:$0x2950] =	vst v0;
	v0 =	vshra.s32 v3, $0xE  }
0x2e: {  	[tilespmem:$0x2860] =	vst v0;
	v0 =	vand.u32 $0x3FFF, v3  }
0x2f: {  	[tilespmem:$0x2960] =	vst v0;
	v0 =	vshra.s32 v1, $0xE  }
0x30: {  	[tilespmem:$0x2870] =	vst v0;
	v0 =	vand.u32 $0x3FFF, v1  }
0x31: {  	[tilespmem:$0x2970] =	vst v0  }
0x32: {  	[tilespmem:s13], [sflag:$0x1] =	stream.indirect.gather [hbm4b:s1+s11], $0x80, s12, s11, $0xb8;
	[tilespmem:$0x1E600] =	vst v63  }
0x33: {  	_ =	swait.ge [sflag:s14], $0x4000  }
0x34: {  	[sflag:s14] =	ssyncset.done $0x0  }
0x35: {  	[sflag:s14] =	ssyncadd.s32 $0xFFFFC000  }
0x36: {  	[spmem:s2] =	stream.indirect.scatter.add.f32 [tilespmem:s13], [sflag:$0x2], $0x80, s15, s11, $0xb8;
	[tilespmem:$0x1E600] =	vst v63  }
0x37: {  	v0 =	vld [tilespmem:$0x80];
	_ =	sdelay $0x1  }
0x38: {  	v1 =	vld [tilespmem:$0x90];
	_ =	sdelay $0x1  }
0x39: {  	v2 =	vld [tilespmem:$0xA0]  }
0x3a: {  	v3 =	vshra.s32 v0, $0xE  }
0x3b: {  	v0 =	vand.u32 $0x3FFF, v0;
	[tilespmem:$0x2880] =	vst v3;
	v3 =	vld [tilespmem:$0xB0]  }
0x3c: {  	[tilespmem:$0x2980] =	vst v0;
	v0 =	vshra.s32 v1, $0xE  }
0x3d: {  	[tilespmem:$0x2890] =	vst v0;
	v0 =	vand.u32 $0x3FFF, v1;
	v1 =	vld [tilespmem:$0xC0]  }
0x3e: {  	[tilespmem:$0x2990] =	vst v0;
	v0 =	vshra.s32 v2, $0xE  }
0x3f: {  	[tilespmem:$0x28A0] =	vst v0;
	v0 =	vand.u32 $0x3FFF, v2;
	v2 =	vld [tilespmem:$0xD0]  }
0x40: {  	[tilespmem:$0x29A0] =	vst v0;
	v0 =	vshra.s32 v3, $0xE  }
0x41: {  	[tilespmem:$0x28B0] =	vst v0;
	v0 =	vand.u32 $0x3FFF, v3;
	v3 =	vld [tilespmem:$0xE0]  }
0x42: {  	[tilespmem:$0x29B0] =	vst v0;
	v0 =	vshra.s32 v1, $0xE  }
0x43: {  	[tilespmem:$0x28C0] =	vst v0;
	v0 =	vand.u32 $0x3FFF, v1;
	v1 =	vld [tilespmem:$0xF0]  }
0x44: {  	[tilespmem:$0x29C0] =	vst v0;
	v0 =	vshra.s32 v2, $0xE  }
0x45: {  	[tilespmem:$0x28D0] =	vst v0;
	v0 =	vand.u32 $0x3FFF, v2  }
0x46: {  	[tilespmem:$0x29D0] =	vst v0;
	v0 =	vshra.s32 v3, $0xE  }
0x47: {  	[tilespmem:$0x28E0] =	vst v0;
	v0 =	vand.u32 $0x3FFF, v3  }
0x48: {  	[tilespmem:$0x29E0] =	vst v0;
	v0 =	vshra.s32 v1, $0xE  }
0x49: {  	[tilespmem:$0x28F0] =	vst v0;
	v0 =	vand.u32 $0x3FFF, v1  }
0x4a: {  	[tilespmem:$0x29F0] =	vst v0  }
0x4b: {  	[tilespmem:s17], [sflag:$0x1] =	stream.indirect.gather [hbm4b:s1+s11], $0x80, s16, s11, $0xb8;
	[tilespmem:$0x1E600] =	vst v63  }
0x4c: {  	_ =	swait.ge [sflag:s14], $0x4000  }
0x4d: {  	[sflag:s14] =	ssyncset.done $0x0  }
0x4e: {  	[sflag:s14] =	ssyncadd.s32 $0xFFFFC000  }
0x4f: {  	[spmem:s2] =	stream.indirect.scatter.add.f32 [tilespmem:s17], [sflag:$0x3], $0x80, s18, s11, $0xb8;
	[tilespmem:$0x1E600] =	vst v63  }
0x50: {  	_ =	swait.ge [sflag:s19], $0x4000  }
0x51: {  	[sflag:s19] =	ssyncset.done $0x0  }
0x52: {  	s26 =	simm.s32 $0x1F0;
	[sflag:s19] =	ssyncadd.s32 $0xFFFFC000  }
0x53: {  	v0 =	vld [tilespmem:s26+$0xFFFFFF10];
	_ =	sdelay $0x4  }
0x54: {  	v1 =	vshra.s32 v0, $0xE  }
0x55: {  	v0 =	vand.u32 $0x3FFF, v0;
	[tilespmem:$0x2800] =	vst v1  }
0x56: {  	[tilespmem:$0x2900] =	vst v0  }
0x57: {  	v0 =	vld [tilespmem:s26+$0xFFFFFF20];
	_ =	sdelay $0x4  }
0x58: {  	v1 =	vshra.s32 v0, $0xE  }
0x59: {  	v0 =	vand.u32 $0x3FFF, v0;
	[tilespmem:$0x2810] =	vst v1  }
0x5a: {  	[tilespmem:$0x2910] =	vst v0  }
0x5b: {  	v0 =	vld [tilespmem:s26+$0xFFFFFF30];
	_ =	sdelay $0x4  }
0x5c: {  	v1 =	vshra.s32 v0, $0xE  }
0x5d: {  	v0 =	vand.u32 $0x3FFF, v0;
	[tilespmem:$0x2820] =	vst v1  }
0x5e: {  	[tilespmem:$0x2920] =	vst v0  }
0x5f: {  	v0 =	vld [tilespmem:s26+$0xFFFFFF40];
	_ =	sdelay $0x4  }
0x60: {  	v1 =	vshra.s32 v0, $0xE  }
0x61: {  	v0 =	vand.u32 $0x3FFF, v0;
	[tilespmem:$0x2830] =	vst v1  }
0x62: {  	[tilespmem:$0x2930] =	vst v0  }
0x63: {  	v0 =	vld [tilespmem:s26+$0xFFFFFF50];
	_ =	sdelay $0x4  }
0x64: {  	v1 =	vshra.s32 v0, $0xE  }
0x65: {  	v0 =	vand.u32 $0x3FFF, v0;
	[tilespmem:$0x2840] =	vst v1  }
0x66: {  	[tilespmem:$0x2940] =	vst v0  }
0x67: {  	v0 =	vld [tilespmem:s26+$0xFFFFFF60];
	_ =	sdelay $0x4  }
0x68: {  	v1 =	vshra.s32 v0, $0xE  }
0x69: {  	v0 =	vand.u32 $0x3FFF, v0;
	[tilespmem:$0x2850] =	vst v1  }
0x6a: {  	[tilespmem:$0x2950] =	vst v0  }
0x6b: {  	v0 =	vld [tilespmem:s26+$0xFFFFFF70];
	_ =	sdelay $0x4  }
0x6c: {  	v1 =	vshra.s32 v0, $0xE  }
0x6d: {  	v0 =	vand.u32 $0x3FFF, v0;
	[tilespmem:$0x2860] =	vst v1  }
0x6e: {  	[tilespmem:$0x2960] =	vst v0  }
0x6f: {  	v0 =	vld [tilespmem:s26+$0xFFFFFF80];
	_ =	sdelay $0x4  }
0x70: {  	v1 =	vshra.s32 v0, $0xE  }
0x71: {  	v0 =	vand.u32 $0x3FFF, v0;
	[tilespmem:$0x2870] =	vst v1  }
0x72: {  	[tilespmem:$0x2970] =	vst v0  }
0x73: {  	[tilespmem:s13], [sflag:$0x1] =	stream.indirect.gather [hbm4b:s1+s11], $0x80, s12, s11, $0xb8;
	[tilespmem:$0x1E600] =	vst v63  }
0x74: {  	_ =	swait.ge [sflag:s14], $0x4000  }
0x75: {  	[sflag:s14] =	ssyncset.done $0x0  }
0x76: {  	[sflag:s14] =	ssyncadd.s32 $0xFFFFC000  }
0x77: {  	[spmem:s2] =	stream.indirect.scatter.add.f32 [tilespmem:s13], [sflag:$0x2], $0x80, s15, s11, $0xb8;
	[tilespmem:$0x1E600] =	vst v63  }
0x78: {  	_ =	swait.ge [sflag:s20], $0x4000  }
0x79: {  	[sflag:s20] =	ssyncset.done $0x0  }
0x7a: {  	[sflag:s20] =	ssyncadd.s32 $0xFFFFC000  }
0x7b: {  	v0 =	vld [tilespmem:s26+$0xFFFFFF90];
	_ =	sdelay $0x4  }
0x7c: {  	v1 =	vshra.s32 v0, $0xE  }
0x7d: {  	v0 =	vand.u32 $0x3FFF, v0;
	[tilespmem:$0x2880] =	vst v1  }
0x7e: {  	[tilespmem:$0x2980] =	vst v0  }
0x7f: {  	v0 =	vld [tilespmem:s26+$0xFFFFFFA0];
	_ =	sdelay $0x4  }
0x80: {  	v1 =	vshra.s32 v0, $0xE  }
0x81: {  	v0 =	vand.u32 $0x3FFF, v0;
	[tilespmem:$0x2890] =	vst v1  }
0x82: {  	[tilespmem:$0x2990] =	vst v0  }
0x83: {  	v0 =	vld [tilespmem:s26+$0xFFFFFFB0];
	_ =	sdelay $0x4  }
0x84: {  	v1 =	vshra.s32 v0, $0xE  }
0x85: {  	v0 =	vand.u32 $0x3FFF, v0;
	[tilespmem:$0x28A0] =	vst v1  }
0x86: {  	[tilespmem:$0x29A0] =	vst v0  }
0x87: {  	v0 =	vld [tilespmem:s26+$0xFFFFFFC0];
	_ =	sdelay $0x4  }
0x88: {  	v1 =	vshra.s32 v0, $0xE  }
0x89: {  	v0 =	vand.u32 $0x3FFF, v0;
	[tilespmem:$0x28B0] =	vst v1  }
0x8a: {  	[tilespmem:$0x29B0] =	vst v0  }
0x8b: {  	v0 =	vld [tilespmem:s26+$0xFFFFFFD0];
	_ =	sdelay $0x4  }
0x8c: {  	v1 =	vshra.s32 v0, $0xE  }
0x8d: {  	v0 =	vand.u32 $0x3FFF, v0;
	[tilespmem:$0x28C0] =	vst v1  }
0x8e: {  	[tilespmem:$0x29C0] =	vst v0  }
0x8f: {  	v0 =	vld [tilespmem:s26+$0xFFFFFFE0];
	_ =	sdelay $0x4  }
0x90: {  	v1 =	vshra.s32 v0, $0xE  }
0x91: {  	v0 =	vand.u32 $0x3FFF, v0;
	[tilespmem:$0x28D0] =	vst v1  }
0x92: {  	[tilespmem:$0x29D0] =	vst v0  }
0x93: {  	s28 =	simm.s32 $0xBC0;
	v0 =	vld [tilespmem:s26+$0xFFFFFFF0]  }
.LBB2_2:
0x94: {  	_ =	sdelay $0x2  }
0x95: {  	p1 =	sne.s32 s28, $0x9FC0;
	s29 =	smov.u32 s28;
	s28 =	sadd.s32 $0x400, s28  }
0x96: {  	v1 =	vshra.s32 v0, $0xE;
	v0 =	vand.u32 $0x3FFF, v0  }
0x97: {  	[tilespmem:$0x28E0] =	vst v1  }
0x98: {  	[tilespmem:$0x29E0] =	vst v0  }
0x99: {  	v0 =	vld [tilespmem:s26+$0x0];
	_ =	sdelay $0x4  }
0x9a: {  	v1 =	vshra.s32 v0, $0xE;
	v0 =	vand.u32 $0x3FFF, v0  }
0x9b: {  	[tilespmem:$0x28F0] =	vst v1  }
0x9c: {  	[tilespmem:$0x29F0] =	vst v0  }
0x9d: {  	[tilespmem:s17], [sflag:$0x1] =	stream.indirect.gather [hbm4b:s1+s11], $0x80, s16, s11, $0xb8;
	[tilespmem:$0x1E600] =	vst v63  }
0x9e: {  	_ =	swait.ge [sflag:s14], $0x4000  }
0x9f: {  	[sflag:s14] =	ssyncset.done $0x0  }
0xa0: {  	[sflag:s14] =	ssyncadd.s32 $0xFFFFC000  }
0xa1: {  	[spmem:s2] =	stream.indirect.scatter.add.f32 [tilespmem:s17], [sflag:$0x3], $0x80, s18, s11, $0xb8;
	[tilespmem:$0x1E600] =	vst v63  }
0xa2: {  	_ =	swait.ge [sflag:s19], $0x4000  }
0xa3: {  	[sflag:s19] =	ssyncset.done $0x0  }
0xa4: {  	s26 =	sshra.s32 s29, $0x2;
	[sflag:s19] =	ssyncadd.s32 $0xFFFFC000  }
0xa5: {  	v0 =	vld [tilespmem:s26+$0xFFFFFF10];
	_ =	sdelay $0x4  }
0xa6: {  	v1 =	vshra.s32 v0, $0xE;
	v0 =	vand.u32 $0x3FFF, v0  }
0xa7: {  	[tilespmem:$0x2800] =	vst v1  }
0xa8: {  	[tilespmem:$0x2900] =	vst v0  }
0xa9: {  	v0 =	vld [tilespmem:s26+$0xFFFFFF20];
	_ =	sdelay $0x4  }
0xaa: {  	v1 =	vshra.s32 v0, $0xE;
	v0 =	vand.u32 $0x3FFF, v0  }
0xab: {  	[tilespmem:$0x2810] =	vst v1  }
0xac: {  	[tilespmem:$0x2910] =	vst v0  }
0xad: {  	v0 =	vld [tilespmem:s26+$0xFFFFFF30];
	_ =	sdelay $0x4  }
0xae: {  	v1 =	vshra.s32 v0, $0xE;
	v0 =	vand.u32 $0x3FFF, v0  }
0xaf: {  	[tilespmem:$0x2820] =	vst v1  }
0xb0: {  	[tilespmem:$0x2920] =	vst v0  }
0xb1: {  	v0 =	vld [tilespmem:s26+$0xFFFFFF40];
	_ =	sdelay $0x4  }
0xb2: {  	v1 =	vshra.s32 v0, $0xE;
	v0 =	vand.u32 $0x3FFF, v0  }
0xb3: {  	[tilespmem:$0x2830] =	vst v1  }
0xb4: {  	[tilespmem:$0x2930] =	vst v0  }
0xb5: {  	v0 =	vld [tilespmem:s26+$0xFFFFFF50];
	_ =	sdelay $0x4  }
0xb6: {  	v1 =	vshra.s32 v0, $0xE;
	v0 =	vand.u32 $0x3FFF, v0  }
0xb7: {  	[tilespmem:$0x2840] =	vst v1  }
0xb8: {  	[tilespmem:$0x2940] =	vst v0  }
0xb9: {  	v0 =	vld [tilespmem:s26+$0xFFFFFF60];
	_ =	sdelay $0x4  }
0xba: {  	v1 =	vshra.s32 v0, $0xE;
	v0 =	vand.u32 $0x3FFF, v0  }
0xbb: {  	[tilespmem:$0x2850] =	vst v1  }
0xbc: {  	[tilespmem:$0x2950] =	vst v0  }
0xbd: {  	v0 =	vld [tilespmem:s26+$0xFFFFFF70];
	_ =	sdelay $0x4  }
0xbe: {  	v1 =	vshra.s32 v0, $0xE;
	v0 =	vand.u32 $0x3FFF, v0  }
0xbf: {  	[tilespmem:$0x2860] =	vst v1  }
0xc0: {  	[tilespmem:$0x2960] =	vst v0  }
0xc1: {  	v0 =	vld [tilespmem:s26+$0xFFFFFF80];
	_ =	sdelay $0x4  }
0xc2: {  	v1 =	vshra.s32 v0, $0xE;
	v0 =	vand.u32 $0x3FFF, v0  }
0xc3: {  	[tilespmem:$0x2870] =	vst v1  }
0xc4: {  	[tilespmem:$0x2970] =	vst v0  }
0xc5: {  	[tilespmem:s13], [sflag:$0x1] =	stream.indirect.gather [hbm4b:s1+s11], $0x80, s12, s11, $0xb8;
	[tilespmem:$0x1E600] =	vst v63  }
0xc6: {  	_ =	swait.ge [sflag:s14], $0x4000  }
0xc7: {  	[sflag:s14] =	ssyncset.done $0x0  }
0xc8: {  	[sflag:s14] =	ssyncadd.s32 $0xFFFFC000  }
0xc9: {  	[spmem:s2] =	stream.indirect.scatter.add.f32 [tilespmem:s13], [sflag:$0x2], $0x80, s15, s11, $0xb8;
	[tilespmem:$0x1E600] =	vst v63  }
0xca: {  	_ =	swait.ge [sflag:s20], $0x4000  }
0xcb: {  	[sflag:s20] =	ssyncset.done $0x0  }
0xcc: {  	[sflag:s20] =	ssyncadd.s32 $0xFFFFC000  }
0xcd: {  	v0 =	vld [tilespmem:s26+$0xFFFFFF90];
	_ =	sdelay $0x4  }
0xce: {  	v1 =	vshra.s32 v0, $0xE;
	v0 =	vand.u32 $0x3FFF, v0  }
0xcf: {  	[tilespmem:$0x2880] =	vst v1  }
0xd0: {  	[tilespmem:$0x2980] =	vst v0  }
0xd1: {  	v0 =	vld [tilespmem:s26+$0xFFFFFFA0];
	_ =	sdelay $0x4  }
0xd2: {  	v1 =	vshra.s32 v0, $0xE;
	v0 =	vand.u32 $0x3FFF, v0  }
0xd3: {  	[tilespmem:$0x2890] =	vst v1  }
0xd4: {  	[tilespmem:$0x2990] =	vst v0  }
0xd5: {  	v0 =	vld [tilespmem:s26+$0xFFFFFFB0];
	_ =	sdelay $0x4  }
0xd6: {  	v1 =	vshra.s32 v0, $0xE;
	v0 =	vand.u32 $0x3FFF, v0  }
0xd7: {  	[tilespmem:$0x28A0] =	vst v1  }
0xd8: {  	[tilespmem:$0x29A0] =	vst v0  }
0xd9: {  	v0 =	vld [tilespmem:s26+$0xFFFFFFC0];
	_ =	sdelay $0x4  }
0xda: {  	v1 =	vshra.s32 v0, $0xE;
	v0 =	vand.u32 $0x3FFF, v0  }
0xdb: {  	[tilespmem:$0x28B0] =	vst v1  }
0xdc: {  	[tilespmem:$0x29B0] =	vst v0  }
0xdd: {  	v0 =	vld [tilespmem:s26+$0xFFFFFFD0];
	_ =	sdelay $0x4  }
0xde: {  	v1 =	vshra.s32 v0, $0xE;
	v0 =	vand.u32 $0x3FFF, v0  }
0xdf: {  	[tilespmem:$0x28C0] =	vst v1  }
0xe0: {  	[tilespmem:$0x29C0] =	vst v0  }
0xe1: {  	v0 =	vld [tilespmem:s26+$0xFFFFFFE0];
	_ =	sdelay $0x3  }
.Ltmp0:
0xe2: {  	(pc) =	sbr.rel @p1 .LBB2_2-.Ltmp0, $4  }
0xe3: {  	v1 =	vshra.s32 v0, $0xE;
	v0 =	vand.u32 $0x3FFF, v0  }
0xe4: {  	[tilespmem:$0x28D0] =	vst v1  }
0xe5: {  	[tilespmem:$0x29D0] =	vst v0  }
0xe6: {  	v0 =	vld [tilespmem:s26+$0xFFFFFFF0]  }
0xe7: {  	_ =	sdelay $0x3  }
0xe8: {  	v1 =	vshra.s32 v0, $0xE  }
0xe9: {  	v62 =	vand.u32 $0x3FFF, v0;
	[tilespmem:$0x28E0] =	vst v1  }
0xea: {  	[tilespmem:$0x29E0] =	vst v62  }
0xeb: {  	v0 =	vld [tilespmem:s26+$0x0];
	_ =	sdelay $0x4  }
0xec: {  	v63 =	vshra.s32 v0, $0xE  }
0xed: {  	v0 =	vand.u32 $0x3FFF, v0;
	[tilespmem:$0x28F0] =	vst v63  }
0xee: {  	[tilespmem:$0x29F0] =	vst v0  }
0xef: {  	[tilespmem:s17], [sflag:$0x1] =	stream.indirect.gather [hbm4b:s1+s11], $0x80, s16, s11, $0xb8;
	[tilespmem:$0x1E600] =	vst v63  }
0xf0: {  	_ =	swait.ge [sflag:s14], $0x4000  }
0xf1: {  	[sflag:s14] =	ssyncset.done $0x0  }
0xf2: {  	[sflag:s14] =	ssyncadd.s32 $0xFFFFC000  }
0xf3: {  	[spmem:s2] =	stream.indirect.scatter.add.f32 [tilespmem:s17], [sflag:$0x3], $0x80, s18, s11, $0xb8;
	[tilespmem:$0x1E600] =	vst v63  }
0xf4: {  	_ =	swait.ge [sflag:s19], $0x4000  }
0xf5: {  	[sflag:s19] =	ssyncset.done $0x0  }
0xf6: {  	[sflag:s19] =	ssyncadd.s32 $0xFFFFC000  }
0xf7: {  	_ =	swait.ge [sflag:s20], $0x4000  }
0xf8: {  	[sflag:s20] =	ssyncset.done $0x0  }
0xf9: {  	[sflag:s20] =	ssyncadd.s32 $0xFFFFC000  }
0xfa: {  	s26 =	simm.s32 @p0 $0x4;
	[bflag:$0x0] =	sbarrier.arrive $0xFFFF  }
0xfb: {  	[hbm:s21], [sflag:s9] =	dma.local @p0 [spmem:s22], $0x2800  }
0xfc: {  	s25 =	sadd.s32 $0x1, s25;
	_ =	swait.ge @p0 [sflag:s26], $0x2800  }
0xfd: {  	p1 =	sne.s32 s25, s7;
	[sflag:s26] =	ssyncset.done @p0 $0x0  }
.Ltmp1:
0xfe: {  	[sflag:s26] =	ssyncadd.s32 @p0 $0xFFFFD800;
	s26 =	simm.s32 @!p0 $0x4;
	(pc) =	sbr.rel @p1 .LBB2_1-.Ltmp1, $4  }
0xff: {  	[hbm:s23], [sflag:s9] =	dma.local @!p0 [spmem:s24], $0x2700  }
0x100: {  	_ =	swait.ge @!p0 [sflag:s26], $0x2700  }
0x101: {  	[sflag:s26] =	ssyncset.done @!p0 $0x0  }
0x102: {  	[sflag:s26] =	ssyncadd.s32 @!p0 $0xFFFFD900  }
0x103: {  	_ =	sfence.sel $0x180000  }
0x104: {  	[bflag:$0x0] =	sbarrier.arrive $0xFFFF  }
0x105: {  	p0 =	sne.s32 s3, $0x0;
	_ =	strace $0x90000047  }
0x106: {  	s0 =	sadd.s32 @!p0 $0x100000, s0;
	[bflag:$0x2] =	sbarrier.arrive $0xFFFF  }
0x107: {  	[sflag:s0] =	ssyncadd.tile.s32 @!p0 $0x1;
	_ =	shalt  }
.Lfunc_end2:
_tile_overlayer_lowered:
.L_overlay_start_2:
0x108: {  	(tag) =	ssettag $0x2  }
0x109: {  	s0 =	rddreg [dreg:$0x0];
	s2 =	stileid.u32  }
0x10a: {  	s1 =	rddreg [dreg:$0x1];
	p0 =	sne.s32 s2, $0x0  }
0x10b: {  	s3 =	rddreg [dreg:$0x2];
	[bflag:$0x3] =	sbarrier.arrive $0xFFFF;
	s2 =	simm.s32 @!p0 $0x1C04  }
0x10c: {  	[timem:s3], [sflag:s2] =	dma.local @!p0 [hbm:s0], s1  }
0x10d: {  	s0 =	simm.s32 @!p0 $0x4  }
0x10e: {  	_ =	swait.ge @!p0 [sflag:s0], s1  }
0x10f: {  	s1 =	ssub.s32 @!p0 $0x0, s1;
	[sflag:s0] =	ssyncset.done @!p0 $0x0  }
0x110: {  	[sflag:s0] =	ssyncadd.s32 @!p0 s1  }
0x111: {  	[bflag:$0x3] =	sbarrier.arrive $0xFFFF  }
0x112: {  	_ =	shalt  }

</sc_bundles>
